<compile_context>
chip_gen: v7x
topology: tpu7x:2x2x1
jax: 0.10.2.dev20260603
libtpu: 0.0.44.dev20260713+nightly
codegen_flags: <defaults>
</compile_context>

<pallas_src>
import functools

import jax
import jax.numpy as jnp
from jax import lax
from jax.experimental import pallas as pl
from jax.experimental.pallas import tpu as pltpu
from jax.experimental.pallas import tpu_sc as plsc

_B, _N, _D, _L = 4, 2048, 16, 12
_CH = 128


@functools.lru_cache(maxsize=None)
def _make_sc_gather():
    info = plsc.get_sparse_core_info()
    nw = info.num_cores * info.num_subcores
    total = _B * _N
    k = total // (nw * _CH)
    mesh = plsc.VectorSubcoreMesh(core_axis_name="c", subcore_axis_name="s")

    @functools.partial(
        pl.kernel,
        mesh=mesh,
        out_type=jax.ShapeDtypeStruct((total // _CH, _CH, _D), jnp.float32),
        compiler_params=pltpu.CompilerParams(use_tc_tiling_on_sc=False),
        scratch_types=[
            pltpu.VMEM((k, _CH), jnp.int32),
            pltpu.VMEM((k, _CH, _D), jnp.float32),
            pltpu.SemaphoreType.DMA,
        ],
    )
    def gather(table_hbm, idx_hbm, out_hbm, idx_v, rows_v, sem):
        wid = lax.axis_index("s") * info.num_cores + lax.axis_index("c")
        base = wid * k
        pltpu.sync_copy(idx_hbm.at[pl.ds(base, k)], idx_v)
        for j in range(k):
            pltpu.async_copy(table_hbm.at[idx_v.at[j]], rows_v.at[j], sem).wait()
        pltpu.sync_copy(rows_v, out_hbm.at[pl.ds(base, k)])

    return gather


_G = 1


def _conv_body(adj_ref, h0_ref, convW_ref, convB_ref, Wi_ref, bi_ref,
               Wj_ref, bj_ref, gamma_ref, beta_ref, clW_ref, out_ref,
               racc_ref, abf_ref):
    s = pl.program_id(0)
    for g in range(_G):
        abf_ref[g] = adj_ref[g].astype(jnp.bfloat16)
    hts = [h0_ref[g] for g in range(_G)]
    h0s = list(hts)
    nsplit = 8
    m = _N // nsplit
    for i in range(_L):
        w = convW_ref[i].astype(jnp.bfloat16)
        for g in range(_G):
            htb = hts[g].astype(jnp.bfloat16)
            parts = []
            for ms in range(nsplit):
                agg = jnp.dot(abf_ref[g, ms * m:(ms + 1) * m, :], htb,
                              preferred_element_type=jnp.float32)
                parts.append(jnp.maximum(
                    jnp.dot(agg.astype(jnp.bfloat16), w,
                            preferred_element_type=jnp.float32)
                    + convB_ref[i][None, :], 0.0))
            hts[g] = jnp.concatenate(parts, axis=0)
    for g in range(_G):
        cat = jnp.concatenate([hts[g], h0s[g]], axis=1)
        gate = jax.nn.sigmoid(
            jnp.dot(cat, Wi_ref[...], preferred_element_type=jnp.float32)
            + bi_ref[...])
        jact = jnp.tanh(
            jnp.dot(cat, Wj_ref[...], preferred_element_type=jnp.float32)
            + bj_ref[...])
        r = jnp.sum(gate * jact, axis=0, keepdims=True)
        racc_ref[pl.ds(s * _G + g, 1), :] = r

    @pl.when(s == _B // _G - 1)
    def _():
        rm = racc_ref[...]
        mean = jnp.mean(rm, axis=0, keepdims=True)
        var = jnp.mean((rm - mean) ** 2, axis=0, keepdims=True)
        rn = ((rm - mean) * lax.rsqrt(var + 1e-5) * gamma_ref[...]
              + beta_ref[...])
        out_ref[...] = jnp.sum(rn * clW_ref[...], axis=1, keepdims=True)


def _conv_call(adjs_bf, h0, convW, convB, Wi, bi, Wj, bj, gamma, beta, clW):
    return pl.pallas_call(
        _conv_body,
        grid=(_B // _G,),
        in_specs=[
            pl.BlockSpec((_G, _N, _N), lambda i: (i, 0, 0)),
            pl.BlockSpec((_G, _N, _D), lambda i: (i, 0, 0)),
            pl.BlockSpec((_L, _D, _D), lambda i: (0, 0, 0)),
            pl.BlockSpec((_L, _D), lambda i: (0, 0)),
            pl.BlockSpec((2 * _D, _D), lambda i: (0, 0)),
            pl.BlockSpec((1, _D), lambda i: (0, 0)),
            pl.BlockSpec((2 * _D, _D), lambda i: (0, 0)),
            pl.BlockSpec((1, _D), lambda i: (0, 0)),
            pl.BlockSpec((1, _D), lambda i: (0, 0)),
            pl.BlockSpec((1, _D), lambda i: (0, 0)),
            pl.BlockSpec((1, _D), lambda i: (0, 0)),
        ],
        out_specs=pl.BlockSpec((_B, 1), lambda i: (0, 0)),
        out_shape=jax.ShapeDtypeStruct((_B, 1), jnp.float32),
        scratch_shapes=[pltpu.VMEM((_B, _D), jnp.float32),
                        pltpu.VMEM((_G, _N, _N), jnp.bfloat16)],
        compiler_params=pltpu.CompilerParams(
            dimension_semantics=("arbitrary",),
            vmem_limit_bytes=63 * 1024 * 1024,
        ),
    )(adjs_bf, h0, convW, convB, Wi, bi, Wj, bj, gamma, beta, clW)


def kernel(nodes, adjs, emb, convW, convB, Wi, bi, Wj, bj, gamma, beta, clW):
    idx = nodes.reshape(_B * _N // _CH, _CH).astype(jnp.int32)
    h0 = _make_sc_gather()(emb, idx).reshape(_B, _N, _D)
    out = _conv_call(
        adjs, h0, convW, convB,
        Wi, bi.reshape(1, _D), Wj, bj.reshape(1, _D),
        gamma.reshape(1, _D), beta.reshape(1, _D), clW.reshape(1, _D))
    return out[:, 0]

# --- scband reference (transcript-rebuilt; emitter-appended) ---
"""Pipeline reference for scband-test-net-69303592288955 (READ-ONLY COPY).

The authoritative reference and input builder live on the scoring server;
editing this copy changes nothing except your own understanding.
"""

import jax, jax.numpy as jnp
import numpy as np

B, N, D, L, V = 4, 2048, 16, 12, 100000

def setup_inputs(seed: int = 0) -> dict:
    key = jax.random.key(seed)
    ks = jax.random.split(key, 8)
    nodes = jax.random.randint(ks[0], (B, N), 0, V)
    # dense row-normalized adjacency (GraphNeighbourConvolution expects normalized adj)
    adjs = jax.random.uniform(ks[1], (B, N, N), dtype=jnp.float32) / N
    emb = jax.random.normal(ks[2], (V, D), dtype=jnp.float32) * 0.1
    convW = jax.random.normal(ks[3], (L, D, D), dtype=jnp.float32) * (1.0 / np.sqrt(D))
    convB = jnp.zeros((L, D), dtype=jnp.float32)
    Wi = jax.random.normal(ks[4], (2 * D, D), dtype=jnp.float32) * (1.0 / np.sqrt(2 * D))
    bi = jnp.zeros((D,), dtype=jnp.float32)
    Wj = jax.random.normal(ks[5], (2 * D, D), dtype=jnp.float32) * (1.0 / np.sqrt(2 * D))
    bj = jnp.zeros((D,), dtype=jnp.float32)
    gamma = jnp.ones((D,), dtype=jnp.float32)
    beta = jnp.zeros((D,), dtype=jnp.float32)
    clW = jax.random.normal(ks[6], (D, 1), dtype=jnp.float32) * (1.0 / np.sqrt(D))
    return {"nodes": nodes, "adjs": adjs, "emb": emb, "convW": convW, "convB": convB,
            "Wi": Wi, "bi": bi, "Wj": Wj, "bj": bj, "gamma": gamma, "beta": beta, "clW": clW}

def reference(nodes, adjs, emb, convW, convB, Wi, bi, Wj, bj, gamma, beta, clW):
    # embedding lookup
    h0 = jnp.take(emb, nodes, axis=0)  # [B, N, D]
    ht = h0
    # ConvSeq: 12 x GraphNeighbourConvolution: relu(A @ X @ W + b)
    for i in range(L):
        agg = jnp.einsum('bnm,bmd->bnd', adjs, ht)
        ht = jax.nn.relu(agg @ convW[i] + convB[i])
    # readout_GGNN: gated sum over nodes using [ht, h0]
    cat = jnp.concatenate([ht, h0], axis=-1)  # [B, N, 2D]
    gate = jax.nn.sigmoid(cat @ Wi + bi)
    jact = jnp.tanh(cat @ Wj + bj)
    r = jnp.sum(gate * jact, axis=1)  # [B, D]
    # BatchNorm1d (training-mode batch stats, B > 1)
    mean = jnp.mean(r, axis=0)
    var = jnp.var(r, axis=0)
    r = (r - mean) / jnp.sqrt(var + 1e-5) * gamma + beta
    # final linear (no bias), take column 0
    out = (r @ clW)[:, 0]  # [B]
    return out

if __name__ == "__main__":
    import jax
    _d = setup_inputs()
    print(jax.jit(kernel)(*tuple(_d.values())))

</pallas_src>

<mosaic_0001>
#map = affine_map<(d0, d1) -> (0, 0)>
#map1 = affine_map<(d0, d1) -> (0, 0, 0)>
module attributes {stable_mosaic.version = 14 : i64} {
  func.func @gather(%arg0: i32, %arg1: i32, %arg2: memref<100000x16xf32, #tpu.memory_space<hbm>>, %arg3: memref<64x128xi32, #tpu.memory_space<hbm>>, %arg4: memref<64x128x16xf32, #tpu.memory_space<hbm>>, %arg5: memref<2x128xi32, #tpu.memory_space<vmem>>, %arg6: memref<2x128x16xf32, #tpu.memory_space<vmem>>, %arg7: memref<!tpu.dma_semaphore, #tpu.memory_space<semaphore_mem>>) attributes {dimension_semantics = [#tpu.dimension_semantics<core_parallel>, #tpu.dimension_semantics<subcore_parallel>], iteration_bounds = array<i64: 2, 16>, scalar_prefetch = 0 : i64, scratch_operands = 3 : i64, tpu.core_type = #tpu.core_type<sc_vector_subcore>, window_params = [{transform_indices = #map}, {transform_indices = #map}, {transform_indices = #map1}]} {
    %mul3A = arith.constant 2 : i32
    %mul3A_0 = arith.muli %arg1, %mul3A : i32
    %add3A = arith.addi %mul3A_0, %arg0 : i32
    %mul3A_1 = arith.constant 2 : i32
    %mul3A_2 = arith.muli %add3A, %mul3A_1 : i32
    "tpu.region"() ({
      %run_scoped3A = tpu.sem_alloc : memref<!tpu.dma_semaphore, #tpu.memory_space<semaphore_mem>>
      %dma_start3A_49 = arith.constant 0 : i32
      %dma_start3A_50 = tpu.memref_slice %arg3[%mul3A_2, %dma_start3A_49] : memref<64x128xi32, #tpu.memory_space<hbm>> -> memref<2x128xi32, #tpu.memory_space<hbm>>
      %dma_start3A_51 = arith.constant 0 : i32
      %dma_start3A_52 = tpu.memref_slice %arg3[%mul3A_2, %dma_start3A_51] : memref<64x128xi32, #tpu.memory_space<hbm>> -> memref<2x128xi32, #tpu.memory_space<hbm>>
      tpu.enqueue_dma source(%dma_start3A_52 : memref<2x128xi32, #tpu.memory_space<hbm>>) target(%arg5 : memref<2x128xi32, #tpu.memory_space<vmem>>) target_semaphore(%run_scoped3A : memref<!tpu.dma_semaphore, #tpu.memory_space<semaphore_mem>>)
      %dma_wait3A_53 = arith.constant 0 : i32
      %dma_wait3A_54 = tpu.memref_slice %arg3[%mul3A_2, %dma_wait3A_53] : memref<64x128xi32, #tpu.memory_space<hbm>> -> memref<2x128xi32, #tpu.memory_space<hbm>>
      %dma_wait3A_55 = arith.constant 0 : i32
      %dma_wait3A_56 = tpu.memref_slice %arg3[%mul3A_2, %dma_wait3A_55] : memref<64x128xi32, #tpu.memory_space<hbm>> -> memref<2x128xi32, #tpu.memory_space<hbm>>
      tpu.wait_dma2 semaphore(%run_scoped3A : memref<!tpu.dma_semaphore, #tpu.memory_space<semaphore_mem>>) src(%dma_wait3A_56 : memref<2x128xi32, #tpu.memory_space<hbm>>) dst(%arg5 : memref<2x128xi32, #tpu.memory_space<vmem>>)
      tpu.yield
    }) : () -> ()
    %dma_start3A = arith.constant 0 : i32
    %dma_start3A_3 = arith.constant 0 : i32
    %dma_start3A_4 = arith.constant 0 : i32
    %dma_start3A_5 = arith.constant 0 : i32
    %dma_start3A_6 = tpu.memref_slice %arg6[%dma_start3A_3, %dma_start3A_4, %dma_start3A_5] : memref<2x128x16xf32, #tpu.memory_space<vmem>> -> memref<1x128x16xf32, #tpu.memory_space<vmem>>
    %dma_start3A_7 = tpu.memref_squeeze %dma_start3A_6 : memref<1x128x16xf32, #tpu.memory_space<vmem>> -> memref<128x16xf32, #tpu.memory_space<vmem>>
    %dma_start3A_8 = arith.constant 0 : i32
    %dma_start3A_9 = tpu.memref_slice %arg5[%dma_start3A, %dma_start3A_8] : memref<2x128xi32, #tpu.memory_space<vmem>> -> memref<1x128xi32, #tpu.memory_space<vmem>>
    %dma_start3A_10 = tpu.memref_squeeze %dma_start3A_9 : memref<1x128xi32, #tpu.memory_space<vmem>> -> memref<128xi32, #tpu.memory_space<vmem>>
    %dma_start3A_11 = arith.constant 0 : i32
    %dma_start3A_12 = arith.constant 0 : i32
    %dma_start3A_13 = tpu.memref_slice %arg2[%dma_start3A_11, %dma_start3A_12] : memref<100000x16xf32, #tpu.memory_space<hbm>> -> memref<100000x16xf32, #tpu.memory_space<hbm>>
    tpu.enqueue_indirect_dma source(%dma_start3A_13 : memref<100000x16xf32, #tpu.memory_space<hbm>>) target(%dma_start3A_7 : memref<128x16xf32, #tpu.memory_space<vmem>>) offsets(%dma_start3A_10 : memref<128xi32, #tpu.memory_space<vmem>>) semaphore(%arg7 : memref<!tpu.dma_semaphore, #tpu.memory_space<semaphore_mem>>)
    %dma_wait3A = arith.constant 0 : i32
    %dma_wait3A_14 = arith.constant 0 : i32
    %dma_wait3A_15 = arith.constant 0 : i32
    %dma_wait3A_16 = arith.constant 0 : i32
    %dma_wait3A_17 = tpu.memref_slice %arg6[%dma_wait3A_14, %dma_wait3A_15, %dma_wait3A_16] : memref<2x128x16xf32, #tpu.memory_space<vmem>> -> memref<1x128x16xf32, #tpu.memory_space<vmem>>
    %dma_wait3A_18 = tpu.memref_squeeze %dma_wait3A_17 : memref<1x128x16xf32, #tpu.memory_space<vmem>> -> memref<128x16xf32, #tpu.memory_space<vmem>>
    %dma_wait3A_19 = arith.constant 0 : i32
    %dma_wait3A_20 = tpu.memref_slice %arg5[%dma_wait3A, %dma_wait3A_19] : memref<2x128xi32, #tpu.memory_space<vmem>> -> memref<1x128xi32, #tpu.memory_space<vmem>>
    %dma_wait3A_21 = tpu.memref_squeeze %dma_wait3A_20 : memref<1x128xi32, #tpu.memory_space<vmem>> -> memref<128xi32, #tpu.memory_space<vmem>>
    %dma_wait3A_22 = arith.constant 0 : i32
    %dma_wait3A_23 = arith.constant 0 : i32
    %dma_wait3A_24 = tpu.memref_slice %arg2[%dma_wait3A_22, %dma_wait3A_23] : memref<100000x16xf32, #tpu.memory_space<hbm>> -> memref<100000x16xf32, #tpu.memory_space<hbm>>
    tpu.wait_indirect_dma semaphore(%arg7 : memref<!tpu.dma_semaphore, #tpu.memory_space<semaphore_mem>>) src(%dma_wait3A_24 : memref<100000x16xf32, #tpu.memory_space<hbm>>) dst(%dma_wait3A_18 : memref<128x16xf32, #tpu.memory_space<vmem>>)
    %dma_start3A_25 = arith.constant 1 : i32
    %dma_start3A_26 = arith.constant 1 : i32
    %dma_start3A_27 = arith.constant 0 : i32
    %dma_start3A_28 = arith.constant 0 : i32
    %dma_start3A_29 = tpu.memref_slice %arg6[%dma_start3A_26, %dma_start3A_27, %dma_start3A_28] : memref<2x128x16xf32, #tpu.memory_space<vmem>> -> memref<1x128x16xf32, #tpu.memory_space<vmem>>
    %dma_start3A_30 = tpu.memref_squeeze %dma_start3A_29 : memref<1x128x16xf32, #tpu.memory_space<vmem>> -> memref<128x16xf32, #tpu.memory_space<vmem>>
    %dma_start3A_31 = arith.constant 0 : i32
    %dma_start3A_32 = tpu.memref_slice %arg5[%dma_start3A_25, %dma_start3A_31] : memref<2x128xi32, #tpu.memory_space<vmem>> -> memref<1x128xi32, #tpu.memory_space<vmem>>
    %dma_start3A_33 = tpu.memref_squeeze %dma_start3A_32 : memref<1x128xi32, #tpu.memory_space<vmem>> -> memref<128xi32, #tpu.memory_space<vmem>>
    %dma_start3A_34 = arith.constant 0 : i32
    %dma_start3A_35 = arith.constant 0 : i32
    %dma_start3A_36 = tpu.memref_slice %arg2[%dma_start3A_34, %dma_start3A_35] : memref<100000x16xf32, #tpu.memory_space<hbm>> -> memref<100000x16xf32, #tpu.memory_space<hbm>>
    tpu.enqueue_indirect_dma source(%dma_start3A_36 : memref<100000x16xf32, #tpu.memory_space<hbm>>) target(%dma_start3A_30 : memref<128x16xf32, #tpu.memory_space<vmem>>) offsets(%dma_start3A_33 : memref<128xi32, #tpu.memory_space<vmem>>) semaphore(%arg7 : memref<!tpu.dma_semaphore, #tpu.memory_space<semaphore_mem>>)
    %dma_wait3A_37 = arith.constant 1 : i32
    %dma_wait3A_38 = arith.constant 1 : i32
    %dma_wait3A_39 = arith.constant 0 : i32
    %dma_wait3A_40 = arith.constant 0 : i32
    %dma_wait3A_41 = tpu.memref_slice %arg6[%dma_wait3A_38, %dma_wait3A_39, %dma_wait3A_40] : memref<2x128x16xf32, #tpu.memory_space<vmem>> -> memref<1x128x16xf32, #tpu.memory_space<vmem>>
    %dma_wait3A_42 = tpu.memref_squeeze %dma_wait3A_41 : memref<1x128x16xf32, #tpu.memory_space<vmem>> -> memref<128x16xf32, #tpu.memory_space<vmem>>
    %dma_wait3A_43 = arith.constant 0 : i32
    %dma_wait3A_44 = tpu.memref_slice %arg5[%dma_wait3A_37, %dma_wait3A_43] : memref<2x128xi32, #tpu.memory_space<vmem>> -> memref<1x128xi32, #tpu.memory_space<vmem>>
    %dma_wait3A_45 = tpu.memref_squeeze %dma_wait3A_44 : memref<1x128xi32, #tpu.memory_space<vmem>> -> memref<128xi32, #tpu.memory_space<vmem>>
    %dma_wait3A_46 = arith.constant 0 : i32
    %dma_wait3A_47 = arith.constant 0 : i32
    %dma_wait3A_48 = tpu.memref_slice %arg2[%dma_wait3A_46, %dma_wait3A_47] : memref<100000x16xf32, #tpu.memory_space<hbm>> -> memref<100000x16xf32, #tpu.memory_space<hbm>>
    tpu.wait_indirect_dma semaphore(%arg7 : memref<!tpu.dma_semaphore, #tpu.memory_space<semaphore_mem>>) src(%dma_wait3A_48 : memref<100000x16xf32, #tpu.memory_space<hbm>>) dst(%dma_wait3A_42 : memref<128x16xf32, #tpu.memory_space<vmem>>)
    "tpu.region"() ({
      %run_scoped3A = tpu.sem_alloc : memref<!tpu.dma_semaphore, #tpu.memory_space<semaphore_mem>>
      %dma_start3A_49 = arith.constant 0 : i32
      %dma_start3A_50 = arith.constant 0 : i32
      %dma_start3A_51 = tpu.memref_slice %arg4[%mul3A_2, %dma_start3A_49, %dma_start3A_50] : memref<64x128x16xf32, #tpu.memory_space<hbm>> -> memref<2x128x16xf32, #tpu.memory_space<hbm>>
      %dma_start3A_52 = arith.constant 0 : i32
      %dma_start3A_53 = arith.constant 0 : i32
      %dma_start3A_54 = tpu.memref_slice %arg4[%mul3A_2, %dma_start3A_52, %dma_start3A_53] : memref<64x128x16xf32, #tpu.memory_space<hbm>> -> memref<2x128x16xf32, #tpu.memory_space<hbm>>
      tpu.enqueue_dma source(%arg6 : memref<2x128x16xf32, #tpu.memory_space<vmem>>) target(%dma_start3A_54 : memref<2x128x16xf32, #tpu.memory_space<hbm>>) target_semaphore(%run_scoped3A : memref<!tpu.dma_semaphore, #tpu.memory_space<semaphore_mem>>)
      %dma_wait3A_55 = arith.constant 0 : i32
      %dma_wait3A_56 = arith.constant 0 : i32
      %dma_wait3A_57 = tpu.memref_slice %arg4[%mul3A_2, %dma_wait3A_55, %dma_wait3A_56] : memref<64x128x16xf32, #tpu.memory_space<hbm>> -> memref<2x128x16xf32, #tpu.memory_space<hbm>>
      %dma_wait3A_58 = arith.constant 0 : i32
      %dma_wait3A_59 = arith.constant 0 : i32
      %dma_wait3A_60 = tpu.memref_slice %arg4[%mul3A_2, %dma_wait3A_58, %dma_wait3A_59] : memref<64x128x16xf32, #tpu.memory_space<hbm>> -> memref<2x128x16xf32, #tpu.memory_space<hbm>>
      tpu.wait_dma2 semaphore(%run_scoped3A : memref<!tpu.dma_semaphore, #tpu.memory_space<semaphore_mem>>) src(%arg6 : memref<2x128x16xf32, #tpu.memory_space<vmem>>) dst(%dma_wait3A_60 : memref<2x128x16xf32, #tpu.memory_space<hbm>>)
      tpu.yield
    }) : () -> ()
    return
  }
}

module attributes {stable_mosaic.version = 14 : i64} {
  func.func @_conv_body(%arg0: i32, %arg1: memref<1x2048x2048xf32, #tpu.memory_space<vmem>>, %arg2: memref<1x2048x16xf32, #tpu.memory_space<vmem>>, %arg3: memref<12x16x16xf32, #tpu.memory_space<vmem>>, %arg4: memref<12x16xf32, #tpu.memory_space<vmem>>, %arg5: memref<32x16xf32, #tpu.memory_space<vmem>>, %arg6: memref<1x16xf32, #tpu.memory_space<vmem>>, %arg7: memref<32x16xf32, #tpu.memory_space<vmem>>, %arg8: memref<1x16xf32, #tpu.memory_space<vmem>>, %arg9: memref<1x16xf32, #tpu.memory_space<vmem>>, %arg10: memref<1x16xf32, #tpu.memory_space<vmem>>, %arg11: memref<1x16xf32, #tpu.memory_space<vmem>>, %arg12: memref<4x1xf32, #tpu.memory_space<vmem>>, %arg13: memref<4x16xf32, #tpu.memory_space<vmem>>, %arg14: memref<1x2048x2048xbf16, #tpu.memory_space<vmem>>) attributes {dimension_semantics = [#tpu.dimension_semantics<arbitrary>], iteration_bounds = array<i64: 4>, scalar_prefetch = 0 : i64, scratch_operands = 2 : i64, tpu.core_type = #tpu.core_type<tc>, window_params = [{transform_indices = @transform_0, window_bounds = array<i64: 1, 2048, 2048>}, {transform_indices = @transform_1, window_bounds = array<i64: 1, 2048, 16>}, {pipeline_mode = #tpu.pipeline_mode<synchronous>, transform_indices = @transform_2, window_bounds = array<i64: 12, 16, 16>}, {pipeline_mode = #tpu.pipeline_mode<synchronous>, transform_indices = @transform_3, window_bounds = array<i64: 12, 16>}, {pipeline_mode = #tpu.pipeline_mode<synchronous>, transform_indices = @transform_4, window_bounds = array<i64: 32, 16>}, {pipeline_mode = #tpu.pipeline_mode<synchronous>, transform_indices = @transform_5, window_bounds = array<i64: 1, 16>}, {pipeline_mode = #tpu.pipeline_mode<synchronous>, transform_indices = @transform_6, window_bounds = array<i64: 32, 16>}, {pipeline_mode = #tpu.pipeline_mode<synchronous>, transform_indices = @transform_7, window_bounds = array<i64: 1, 16>}, {pipeline_mode = #tpu.pipeline_mode<synchronous>, transform_indices = @transform_8, window_bounds = array<i64: 1, 16>}, {pipeline_mode = #tpu.pipeline_mode<synchronous>, transform_indices = @transform_9, window_bounds = array<i64: 1, 16>}, {pipeline_mode = #tpu.pipeline_mode<synchronous>, transform_indices = @transform_10, window_bounds = array<i64: 1, 16>}, {pipeline_mode = #tpu.pipeline_mode<synchronous>, transform_indices = @transform_11, window_bounds = array<i64: 4, 1>}]} {
    %get3A = arith.constant 0 : index
    %get3A_0 = arith.constant 0 : index
    %get3A_1 = arith.constant 0 : index
    %get3A_2 = vector.load %arg1[%get3A, %get3A_0, %get3A_1] : memref<1x2048x2048xf32, #tpu.memory_space<vmem>>, vector<1x2048x2048xf32>
    %get3A_3 = vector.shape_cast %get3A_2 : vector<1x2048x2048xf32> to vector<2048x2048xf32>
    %convert_element_type3A = arith.truncf %get3A_3 : vector<2048x2048xf32> to vector<2048x2048xbf16>
    %swap3A = arith.constant 0 : index
    %swap3A_4 = arith.constant 0 : index
    %swap3A_5 = arith.constant 0 : index
    %swap3A_6 = vector.load %arg14[%swap3A, %swap3A_4, %swap3A_5] : memref<1x2048x2048xbf16, #tpu.memory_space<vmem>>, vector<1x2048x2048xbf16>
    %swap3A_7 = vector.shape_cast %swap3A_6 : vector<1x2048x2048xbf16> to vector<2048x2048xbf16>
    %swap3A_8 = vector.shape_cast %convert_element_type3A : vector<2048x2048xbf16> to vector<1x2048x2048xbf16>
    tpu.vector_store %arg14[%swap3A, %swap3A_4, %swap3A_5], %swap3A_8 {strides = array<i32>} : memref<1x2048x2048xbf16, #tpu.memory_space<vmem>>, vector<1x2048x2048xbf16>,
    %get3A_9 = arith.constant 0 : index
    %get3A_10 = arith.constant 0 : index
    %get3A_11 = arith.constant 0 : index
    %get3A_12 = vector.load %arg2[%get3A_9, %get3A_10, %get3A_11] : memref<1x2048x16xf32, #tpu.memory_space<vmem>>, vector<1x2048x16xf32>
    %get3A_13 = vector.shape_cast %get3A_12 : vector<1x2048x16xf32> to vector<2048x16xf32>
    %get3A_14 = arith.constant 0 : index
    %get3A_15 = arith.constant 0 : index
    %get3A_16 = arith.constant 0 : index
    %get3A_17 = vector.load %arg3[%get3A_14, %get3A_15, %get3A_16] : memref<12x16x16xf32, #tpu.memory_space<vmem>>, vector<1x16x16xf32>
    %get3A_18 = vector.shape_cast %get3A_17 : vector<1x16x16xf32> to vector<16x16xf32>
    %convert_element_type3A_19 = arith.truncf %get3A_18 : vector<16x16xf32> to vector<16x16xbf16>
    %convert_element_type3A_20 = arith.truncf %get3A_13 : vector<2048x16xf32> to vector<2048x16xbf16>
    %get3A_21 = arith.constant 0 : index
    %get3A_22 = arith.constant 0 : index
    %get3A_23 = arith.constant 0 : index
    %get3A_24 = vector.load %arg14[%get3A_21, %get3A_22, %get3A_23] : memref<1x2048x2048xbf16, #tpu.memory_space<vmem>>, vector<1x256x2048xbf16>
    %get3A_25 = vector.shape_cast %get3A_24 : vector<1x256x2048xbf16> to vector<256x2048xbf16>
    %dot_general3A = arith.constant dense<0.000000e+00> : vector<256x16xf32>
    %dot_general3A_26 = tpu.matmul %get3A_25, %convert_element_type3A_20, %dot_general3A {dimension_numbers = #tpu.dot_dimension_numbers<[1], [0], [0], [1], [0, 0, 1, 1], [], []>, transpose_lhs_hint = false} : vector<256x2048xbf16>, vector<2048x16xbf16>, vector<256x16xf32> -> vector<256x16xf32>
    %convert_element_type3A_27 = arith.truncf %dot_general3A_26 : vector<256x16xf32> to vector<256x16xbf16>
    %dot_general3A_28 = arith.constant dense<0.000000e+00> : vector<256x16xf32>
    %dot_general3A_29 = tpu.matmul %convert_element_type3A_27, %convert_element_type3A_19, %dot_general3A_28 {dimension_numbers = #tpu.dot_dimension_numbers<[1], [0], [0], [1], [0, 0, 1, 1], [], []>, transpose_lhs_hint = false} : vector<256x16xbf16>, vector<16x16xbf16>, vector<256x16xf32> -> vector<256x16xf32>
    %get3A_30 = arith.constant 0 : index
    %get3A_31 = arith.constant 0 : index
    %get3A_32 = vector.load %arg4[%get3A_30, %get3A_31] : memref<12x16xf32, #tpu.memory_space<vmem>>, vector<1x16xf32>
    %get3A_33 = vector.shape_cast %get3A_32 : vector<1x16xf32> to vector<16xf32>
    %broadcast_in_dim3A = vector.shape_cast %get3A_33 : vector<16xf32> to vector<1x16xf32>
    %add3A = vector.broadcast %broadcast_in_dim3A : vector<1x16xf32> to vector<256x16xf32>
    %add3A_34 = arith.addf %dot_general3A_29, %add3A : vector<256x16xf32>
    %max3A = arith.constant 0.000000e+00 : f32
    %max3A_35 = vector.broadcast %max3A : f32 to vector<256x16xf32>
    %max3A_36 = arith.maximumf %add3A_34, %max3A_35 : vector<256x16xf32>
    %get3A_37 = arith.constant 0 : index
    %get3A_38 = arith.constant 256 : index
    %get3A_39 = arith.constant 0 : index
    %get3A_40 = vector.load %arg14[%get3A_37, %get3A_38, %get3A_39] : memref<1x2048x2048xbf16, #tpu.memory_space<vmem>>, vector<1x256x2048xbf16>
    %get3A_41 = vector.shape_cast %get3A_40 : vector<1x256x2048xbf16> to vector<256x2048xbf16>
    %dot_general3A_42 = arith.constant dense<0.000000e+00> : vector<256x16xf32>
    %dot_general3A_43 = tpu.matmul %get3A_41, %convert_element_type3A_20, %dot_general3A_42 {dimension_numbers = #tpu.dot_dimension_numbers<[1], [0], [0], [1], [0, 0, 1, 1], [], []>, transpose_lhs_hint = false} : vector<256x2048xbf16>, vector<2048x16xbf16>, vector<256x16xf32> -> vector<256x16xf32>
    %convert_element_type3A_44 = arith.truncf %dot_general3A_43 : vector<256x16xf32> to vector<256x16xbf16>
    %dot_general3A_45 = arith.constant dense<0.000000e+00> : vector<256x16xf32>
    %dot_general3A_46 = tpu.matmul %convert_element_type3A_44, %convert_element_type3A_19, %dot_general3A_45 {dimension_numbers = #tpu.dot_dimension_numbers<[1], [0], [0], [1], [0, 0, 1, 1], [], []>, transpose_lhs_hint = false} : vector<256x16xbf16>, vector<16x16xbf16>, vector<256x16xf32> -> vector<256x16xf32>
    %get3A_47 = arith.constant 0 : index
    %get3A_48 = arith.constant 0 : index
    %get3A_49 = vector.load %arg4[%get3A_47, %get3A_48] : memref<12x16xf32, #tpu.memory_space<vmem>>, vector<1x16xf32>
    %get3A_50 = vector.shape_cast %get3A_49 : vector<1x16xf32> to vector<16xf32>
    %broadcast_in_dim3A_51 = vector.shape_cast %get3A_50 : vector<16xf32> to vector<1x16xf32>
    %add3A_52 = vector.broadcast %broadcast_in_dim3A_51 : vector<1x16xf32> to vector<256x16xf32>
    %add3A_53 = arith.addf %dot_general3A_46, %add3A_52 : vector<256x16xf32>
    %max3A_54 = arith.constant 0.000000e+00 : f32
    %max3A_55 = vector.broadcast %max3A_54 : f32 to vector<256x16xf32>
    %max3A_56 = arith.maximumf %add3A_53, %max3A_55 : vector<256x16xf32>
    %get3A_57 = arith.constant 0 : index
    %get3A_58 = arith.constant 512 : index
    %get3A_59 = arith.constant 0 : index
    %get3A_60 = vector.load %arg14[%get3A_57, %get3A_58, %get3A_59] : memref<1x2048x2048xbf16, #tpu.memory_space<vmem>>, vector<1x256x2048xbf16>
    %get3A_61 = vector.shape_cast %get3A_60 : vector<1x256x2048xbf16> to vector<256x2048xbf16>
    %dot_general3A_62 = arith.constant dense<0.000000e+00> : vector<256x16xf32>
    %dot_general3A_63 = tpu.matmul %get3A_61, %convert_element_type3A_20, %dot_general3A_62 {dimension_numbers = #tpu.dot_dimension_numbers<[1], [0], [0], [1], [0, 0, 1, 1], [], []>, transpose_lhs_hint = false} : vector<256x2048xbf16>, vector<2048x16xbf16>, vector<256x16xf32> -> vector<256x16xf32>
    %convert_element_type3A_64 = arith.truncf %dot_general3A_63 : vector<256x16xf32> to vector<256x16xbf16>
    %dot_general3A_65 = arith.constant dense<0.000000e+00> : vector<256x16xf32>
    %dot_general3A_66 = tpu.matmul %convert_element_type3A_64, %convert_element_type3A_19, %dot_general3A_65 {dimension_numbers = #tpu.dot_dimension_numbers<[1], [0], [0], [1], [0, 0, 1, 1], [], []>, transpose_lhs_hint = false} : vector<256x16xbf16>, vector<16x16xbf16>, vector<256x16xf32> -> vector<256x16xf32>
    %get3A_67 = arith.constant 0 : index
    %get3A_68 = arith.constant 0 : index
    %get3A_69 = vector.load %arg4[%get3A_67, %get3A_68] : memref<12x16xf32, #tpu.memory_space<vmem>>, vector<1x16xf32>
    %get3A_70 = vector.shape_cast %get3A_69 : vector<1x16xf32> to vector<16xf32>
    %broadcast_in_dim3A_71 = vector.shape_cast %get3A_70 : vector<16xf32> to vector<1x16xf32>
    %add3A_72 = vector.broadcast %broadcast_in_dim3A_71 : vector<1x16xf32> to vector<256x16xf32>
    %add3A_73 = arith.addf %dot_general3A_66, %add3A_72 : vector<256x16xf32>
    %max3A_74 = arith.constant 0.000000e+00 : f32
    %max3A_75 = vector.broadcast %max3A_74 : f32 to vector<256x16xf32>
    %max3A_76 = arith.maximumf %add3A_73, %max3A_75 : vector<256x16xf32>
    %get3A_77 = arith.constant 0 : index
    %get3A_78 = arith.constant 768 : index
    %get3A_79 = arith.constant 0 : index
    %get3A_80 = vector.load %arg14[%get3A_77, %get3A_78, %get3A_79] : memref<1x2048x2048xbf16, #tpu.memory_space<vmem>>, vector<1x256x2048xbf16>
    %get3A_81 = vector.shape_cast %get3A_80 : vector<1x256x2048xbf16> to vector<256x2048xbf16>
    %dot_general3A_82 = arith.constant dense<0.000000e+00> : vector<256x16xf32>
    %dot_general3A_83 = tpu.matmul %get3A_81, %convert_element_type3A_20, %dot_general3A_82 {dimension_numbers = #tpu.dot_dimension_numbers<[1], [0], [0], [1], [0, 0, 1, 1], [], []>, transpose_lhs_hint = false} : vector<256x2048xbf16>, vector<2048x16xbf16>, vector<256x16xf32> -> vector<256x16xf32>
    %convert_element_type3A_84 = arith.truncf %dot_general3A_83 : vector<256x16xf32> to vector<256x16xbf16>
    %dot_general3A_85 = arith.constant dense<0.000000e+00> : vector<256x16xf32>
    %dot_general3A_86 = tpu.matmul %convert_element_type3A_84, %convert_element_type3A_19, %dot_general3A_85 {dimension_numbers = #tpu.dot_dimension_numbers<[1], [0], [0], [1], [0, 0, 1, 1], [], []>, transpose_lhs_hint = false} : vector<256x16xbf16>, vector<16x16xbf16>, vector<256x16xf32> -> vector<256x16xf32>
    %get3A_87 = arith.constant 0 : index
    %get3A_88 = arith.constant 0 : index
    %get3A_89 = vector.load %arg4[%get3A_87, %get3A_88] : memref<12x16xf32, #tpu.memory_space<vmem>>, vector<1x16xf32>
    %get3A_90 = vector.shape_cast %get3A_89 : vector<1x16xf32> to vector<16xf32>
    %broadcast_in_dim3A_91 = vector.shape_cast %get3A_90 : vector<16xf32> to vector<1x16xf32>
    %add3A_92 = vector.broadcast %broadcast_in_dim3A_91 : vector<1x16xf32> to vector<256x16xf32>
    %add3A_93 = arith.addf %dot_general3A_86, %add3A_92 : vector<256x16xf32>
    %max3A_94 = arith.constant 0.000000e+00 : f32
    %max3A_95 = vector.broadcast %max3A_94 : f32 to vector<256x16xf32>
    %max3A_96 = arith.maximumf %add3A_93, %max3A_95 : vector<256x16xf32>
    %get3A_97 = arith.constant 0 : index
    %get3A_98 = arith.constant 1024 : index
    %get3A_99 = arith.constant 0 : index
    %get3A_100 = vector.load %arg14[%get3A_97, %get3A_98, %get3A_99] : memref<1x2048x2048xbf16, #tpu.memory_space<vmem>>, vector<1x256x2048xbf16>
    %get3A_101 = vector.shape_cast %get3A_100 : vector<1x256x2048xbf16> to vector<256x2048xbf16>
    %dot_general3A_102 = arith.constant dense<0.000000e+00> : vector<256x16xf32>
    %dot_general3A_103 = tpu.matmul %get3A_101, %convert_element_type3A_20, %dot_general3A_102 {dimension_numbers = #tpu.dot_dimension_numbers<[1], [0], [0], [1], [0, 0, 1, 1], [], []>, transpose_lhs_hint = false} : vector<256x2048xbf16>, vector<2048x16xbf16>, vector<256x16xf32> -> vector<256x16xf32>
    %convert_element_type3A_104 = arith.truncf %dot_general3A_103 : vector<256x16xf32> to vector<256x16xbf16>
    %dot_general3A_105 = arith.constant dense<0.000000e+00> : vector<256x16xf32>
    %dot_general3A_106 = tpu.matmul %convert_element_type3A_104, %convert_element_type3A_19, %dot_general3A_105 {dimension_numbers = #tpu.dot_dimension_numbers<[1], [0], [0], [1], [0, 0, 1, 1], [], []>, transpose_lhs_hint = false} : vector<256x16xbf16>, vector<16x16xbf16>, vector<256x16xf32> -> vector<256x16xf32>
    %get3A_107 = arith.constant 0 : index
    %get3A_108 = arith.constant 0 : index
    %get3A_109 = vector.load %arg4[%get3A_107, %get3A_108] : memref<12x16xf32, #tpu.memory_space<vmem>>, vector<1x16xf32>
    %get3A_110 = vector.shape_cast %get3A_109 : vector<1x16xf32> to vector<16xf32>
    %broadcast_in_dim3A_111 = vector.shape_cast %get3A_110 : vector<16xf32> to vector<1x16xf32>
    %add3A_112 = vector.broadcast %broadcast_in_dim3A_111 : vector<1x16xf32> to vector<256x16xf32>
    %add3A_113 = arith.addf %dot_general3A_106, %add3A_112 : vector<256x16xf32>
    %max3A_114 = arith.constant 0.000000e+00 : f32
    %max3A_115 = vector.broadcast %max3A_114 : f32 to vector<256x16xf32>
    %max3A_116 = arith.maximumf %add3A_113, %max3A_115 : vector<256x16xf32>
    %get3A_117 = arith.constant 0 : index
    %get3A_118 = arith.constant 1280 : index
    %get3A_119 = arith.constant 0 : index
    %get3A_120 = vector.load %arg14[%get3A_117, %get3A_118, %get3A_119] : memref<1x2048x2048xbf16, #tpu.memory_space<vmem>>, vector<1x256x2048xbf16>
    %get3A_121 = vector.shape_cast %get3A_120 : vector<1x256x2048xbf16> to vector<256x2048xbf16>
    %dot_general3A_122 = arith.constant dense<0.000000e+00> : vector<256x16xf32>
    %dot_general3A_123 = tpu.matmul %get3A_121, %convert_element_type3A_20, %dot_general3A_122 {dimension_numbers = #tpu.dot_dimension_numbers<[1], [0], [0], [1], [0, 0, 1, 1], [], []>, transpose_lhs_hint = false} : vector<256x2048xbf16>, vector<2048x16xbf16>, vector<256x16xf32> -> vector<256x16xf32>
    %convert_element_type3A_124 = arith.truncf %dot_general3A_123 : vector<256x16xf32> to vector<256x16xbf16>
    %dot_general3A_125 = arith.constant dense<0.000000e+00> : vector<256x16xf32>
    %dot_general3A_126 = tpu.matmul %convert_element_type3A_124, %convert_element_type3A_19, %dot_general3A_125 {dimension_numbers = #tpu.dot_dimension_numbers<[1], [0], [0], [1], [0, 0, 1, 1], [], []>, transpose_lhs_hint = false} : vector<256x16xbf16>, vector<16x16xbf16>, vector<256x16xf32> -> vector<256x16xf32>
    %get3A_127 = arith.constant 0 : index
    %get3A_128 = arith.constant 0 : index
    %get3A_129 = vector.load %arg4[%get3A_127, %get3A_128] : memref<12x16xf32, #tpu.memory_space<vmem>>, vector<1x16xf32>
    %get3A_130 = vector.shape_cast %get3A_129 : vector<1x16xf32> to vector<16xf32>
    %broadcast_in_dim3A_131 = vector.shape_cast %get3A_130 : vector<16xf32> to vector<1x16xf32>
    %add3A_132 = vector.broadcast %broadcast_in_dim3A_131 : vector<1x16xf32> to vector<256x16xf32>
    %add3A_133 = arith.addf %dot_general3A_126, %add3A_132 : vector<256x16xf32>
    %max3A_134 = arith.constant 0.000000e+00 : f32
    %max3A_135 = vector.broadcast %max3A_134 : f32 to vector<256x16xf32>
    %max3A_136 = arith.maximumf %add3A_133, %max3A_135 : vector<256x16xf32>
    %get3A_137 = arith.constant 0 : index
    %get3A_138 = arith.constant 1536 : index
    %get3A_139 = arith.constant 0 : index
    %get3A_140 = vector.load %arg14[%get3A_137, %get3A_138, %get3A_139] : memref<1x2048x2048xbf16, #tpu.memory_space<vmem>>, vector<1x256x2048xbf16>
    %get3A_141 = vector.shape_cast %get3A_140 : vector<1x256x2048xbf16> to vector<256x2048xbf16>
    %dot_general3A_142 = arith.constant dense<0.000000e+00> : vector<256x16xf32>
    %dot_general3A_143 = tpu.matmul %get3A_141, %convert_element_type3A_20, %dot_general3A_142 {dimension_numbers = #tpu.dot_dimension_numbers<[1], [0], [0], [1], [0, 0, 1, 1], [], []>, transpose_lhs_hint = false} : vector<256x2048xbf16>, vector<2048x16xbf16>, vector<256x16xf32> -> vector<256x16xf32>
    %convert_element_type3A_144 = arith.truncf %dot_general3A_143 : vector<256x16xf32> to vector<256x16xbf16>
    %dot_general3A_145 = arith.constant dense<0.000000e+00> : vector<256x16xf32>
    %dot_general3A_146 = tpu.matmul %convert_element_type3A_144, %convert_element_type3A_19, %dot_general3A_145 {dimension_numbers = #tpu.dot_dimension_numbers<[1], [0], [0], [1], [0, 0, 1, 1], [], []>, transpose_lhs_hint = false} : vector<256x16xbf16>, vector<16x16xbf16>, vector<256x16xf32> -> vector<256x16xf32>
    %get3A_147 = arith.constant 0 : index
    %get3A_148 = arith.constant 0 : index
    %get3A_149 = vector.load %arg4[%get3A_147, %get3A_148] : memref<12x16xf32, #tpu.memory_space<vmem>>, vector<1x16xf32>
    %get3A_150 = vector.shape_cast %get3A_149 : vector<1x16xf32> to vector<16xf32>
    %broadcast_in_dim3A_151 = vector.shape_cast %get3A_150 : vector<16xf32> to vector<1x16xf32>
    %add3A_152 = vector.broadcast %broadcast_in_dim3A_151 : vector<1x16xf32> to vector<256x16xf32>
    %add3A_153 = arith.addf %dot_general3A_146, %add3A_152 : vector<256x16xf32>
    %max3A_154 = arith.constant 0.000000e+00 : f32
    %max3A_155 = vector.broadcast %max3A_154 : f32 to vector<256x16xf32>
    %max3A_156 = arith.maximumf %add3A_153, %max3A_155 : vector<256x16xf32>
    %get3A_157 = arith.constant 0 : index
    %get3A_158 = arith.constant 1792 : index
    %get3A_159 = arith.constant 0 : index
    %get3A_160 = vector.load %arg14[%get3A_157, %get3A_158, %get3A_159] : memref<1x2048x2048xbf16, #tpu.memory_space<vmem>>, vector<1x256x2048xbf16>
    %get3A_161 = vector.shape_cast %get3A_160 : vector<1x256x2048xbf16> to vector<256x2048xbf16>
    %dot_general3A_162 = arith.constant dense<0.000000e+00> : vector<256x16xf32>
    %dot_general3A_163 = tpu.matmul %get3A_161, %convert_element_type3A_20, %dot_general3A_162 {dimension_numbers = #tpu.dot_dimension_numbers<[1], [0], [0], [1], [0, 0, 1, 1], [], []>, transpose_lhs_hint = false} : vector<256x2048xbf16>, vector<2048x16xbf16>, vector<256x16xf32> -> vector<256x16xf32>
    %convert_element_type3A_164 = arith.truncf %dot_general3A_163 : vector<256x16xf32> to vector<256x16xbf16>
    %dot_general3A_165 = arith.constant dense<0.000000e+00> : vector<256x16xf32>
    %dot_general3A_166 = tpu.matmul %convert_element_type3A_164, %convert_element_type3A_19, %dot_general3A_165 {dimension_numbers = #tpu.dot_dimension_numbers<[1], [0], [0], [1], [0, 0, 1, 1], [], []>, transpose_lhs_hint = false} : vector<256x16xbf16>, vector<16x16xbf16>, vector<256x16xf32> -> vector<256x16xf32>
    %get3A_167 = arith.constant 0 : index
    %get3A_168 = arith.constant 0 : index
    %get3A_169 = vector.load %arg4[%get3A_167, %get3A_168] : memref<12x16xf32, #tpu.memory_space<vmem>>, vector<1x16xf32>
    %get3A_170 = vector.shape_cast %get3A_169 : vector<1x16xf32> to vector<16xf32>
    %broadcast_in_dim3A_171 = vector.shape_cast %get3A_170 : vector<16xf32> to vector<1x16xf32>
    %add3A_172 = vector.broadcast %broadcast_in_dim3A_171 : vector<1x16xf32> to vector<256x16xf32>
    %add3A_173 = arith.addf %dot_general3A_166, %add3A_172 : vector<256x16xf32>
    %max3A_174 = arith.constant 0.000000e+00 : f32
    %max3A_175 = vector.broadcast %max3A_174 : f32 to vector<256x16xf32>
    %max3A_176 = arith.maximumf %add3A_173, %max3A_175 : vector<256x16xf32>
    %concatenate3A = tpu.concatenate %max3A_36, %max3A_56, %max3A_76, %max3A_96, %max3A_116, %max3A_136, %max3A_156, %max3A_176 in 0 : vector<256x16xf32>, vector<256x16xf32>, vector<256x16xf32>, vector<256x16xf32>, vector<256x16xf32>, vector<256x16xf32>, vector<256x16xf32>, vector<256x16xf32> -> vector<2048x16xf32>
    %get3A_177 = arith.constant 1 : index
    %get3A_178 = arith.constant 0 : index
    %get3A_179 = arith.constant 0 : index
    %get3A_180 = vector.load %arg3[%get3A_177, %get3A_178, %get3A_179] : memref<12x16x16xf32, #tpu.memory_space<vmem>>, vector<1x16x16xf32>
    %get3A_181 = vector.shape_cast %get3A_180 : vector<1x16x16xf32> to vector<16x16xf32>
    %convert_element_type3A_182 = arith.truncf %get3A_181 : vector<16x16xf32> to vector<16x16xbf16>
    %convert_element_type3A_183 = arith.truncf %concatenate3A : vector<2048x16xf32> to vector<2048x16xbf16>
    %get3A_184 = arith.constant 0 : index
    %get3A_185 = arith.constant 0 : index
    %get3A_186 = arith.constant 0 : index
    %get3A_187 = vector.load %arg14[%get3A_184, %get3A_185, %get3A_186] : memref<1x2048x2048xbf16, #tpu.memory_space<vmem>>, vector<1x256x2048xbf16>
    %get3A_188 = vector.shape_cast %get3A_187 : vector<1x256x2048xbf16> to vector<256x2048xbf16>
    %dot_general3A_189 = arith.constant dense<0.000000e+00> : vector<256x16xf32>
    %dot_general3A_190 = tpu.matmul %get3A_188, %convert_element_type3A_183, %dot_general3A_189 {dimension_numbers = #tpu.dot_dimension_numbers<[1], [0], [0], [1], [0, 0, 1, 1], [], []>, transpose_lhs_hint = false} : vector<256x2048xbf16>, vector<2048x16xbf16>, vector<256x16xf32> -> vector<256x16xf32>
    %convert_element_type3A_191 = arith.truncf %dot_general3A_190 : vector<256x16xf32> to vector<256x16xbf16>
    %dot_general3A_192 = arith.constant dense<0.000000e+00> : vector<256x16xf32>
    %dot_general3A_193 = tpu.matmul %convert_element_type3A_191, %convert_element_type3A_182, %dot_general3A_192 {dimension_numbers = #tpu.dot_dimension_numbers<[1], [0], [0], [1], [0, 0, 1, 1], [], []>, transpose_lhs_hint = false} : vector<256x16xbf16>, vector<16x16xbf16>, vector<256x16xf32> -> vector<256x16xf32>
    %get3A_194 = arith.constant 1 : index
    %get3A_195 = arith.constant 0 : index
    %get3A_196 = vector.load %arg4[%get3A_194, %get3A_195] : memref<12x16xf32, #tpu.memory_space<vmem>>, vector<1x16xf32>
    %get3A_197 = vector.shape_cast %get3A_196 : vector<1x16xf32> to vector<16xf32>
    %broadcast_in_dim3A_198 = vector.shape_cast %get3A_197 : vector<16xf32> to vector<1x16xf32>
    %add3A_199 = vector.broadcast %broadcast_in_dim3A_198 : vector<1x16xf32> to vector<256x16xf32>
    %add3A_200 = arith.addf %dot_general3A_193, %add3A_199 : vector<256x16xf32>
    %max3A_201 = arith.constant 0.000000e+00 : f32
    %max3A_202 = vector.broadcast %max3A_201 : f32 to vector<256x16xf32>
    %max3A_203 = arith.maximumf %add3A_200, %max3A_202 : vector<256x16xf32>
    %get3A_204 = arith.constant 0 : index
    %get3A_205 = arith.constant 256 : index
    %get3A_206 = arith.constant 0 : index
    %get3A_207 = vector.load %arg14[%get3A_204, %get3A_205, %get3A_206] : memref<1x2048x2048xbf16, #tpu.memory_space<vmem>>, vector<1x256x2048xbf16>
    %get3A_208 = vector.shape_cast %get3A_207 : vector<1x256x2048xbf16> to vector<256x2048xbf16>
    %dot_general3A_209 = arith.constant dense<0.000000e+00> : vector<256x16xf32>
    %dot_general3A_210 = tpu.matmul %get3A_208, %convert_element_type3A_183, %dot_general3A_209 {dimension_numbers = #tpu.dot_dimension_numbers<[1], [0], [0], [1], [0, 0, 1, 1], [], []>, transpose_lhs_hint = false} : vector<256x2048xbf16>, vector<2048x16xbf16>, vector<256x16xf32> -> vector<256x16xf32>
    %convert_element_type3A_211 = arith.truncf %dot_general3A_210 : vector<256x16xf32> to vector<256x16xbf16>
    %dot_general3A_212 = arith.constant dense<0.000000e+00> : vector<256x16xf32>
    %dot_general3A_213 = tpu.matmul %convert_element_type3A_211, %convert_element_type3A_182, %dot_general3A_212 {dimension_numbers = #tpu.dot_dimension_numbers<[1], [0], [0], [1], [0, 0, 1, 1], [], []>, transpose_lhs_hint = false} : vector<256x16xbf16>, vector<16x16xbf16>, vector<256x16xf32> -> vector<256x16xf32>
    %get3A_214 = arith.constant 1 : index
    %get3A_215 = arith.constant 0 : index
    %get3A_216 = vector.load %arg4[%get3A_214, %get3A_215] : memref<12x16xf32, #tpu.memory_space<vmem>>, vector<1x16xf32>
    %get3A_217 = vector.shape_cast %get3A_216 : vector<1x16xf32> to vector<16xf32>
    %broadcast_in_dim3A_218 = vector.shape_cast %get3A_217 : vector<16xf32> to vector<1x16xf32>
    %add3A_219 = vector.broadcast %broadcast_in_dim3A_218 : vector<1x16xf32> to vector<256x16xf32>
    %add3A_220 = arith.addf %dot_general3A_213, %add3A_219 : vector<256x16xf32>
    %max3A_221 = arith.constant 0.000000e+00 : f32
    %max3A_222 = vector.broadcast %max3A_221 : f32 to vector<256x16xf32>
    %max3A_223 = arith.maximumf %add3A_220, %max3A_222 : vector<256x16xf32>
    %get3A_224 = arith.constant 0 : index
    %get3A_225 = arith.constant 512 : index
    %get3A_226 = arith.constant 0 : index
    %get3A_227 = vector.load %arg14[%get3A_224, %get3A_225, %get3A_226] : memref<1x2048x2048xbf16, #tpu.memory_space<vmem>>, vector<1x256x2048xbf16>
    %get3A_228 = vector.shape_cast %get3A_227 : vector<1x256x2048xbf16> to vector<256x2048xbf16>
    %dot_general3A_229 = arith.constant dense<0.000000e+00> : vector<256x16xf32>
    %dot_general3A_230 = tpu.matmul %get3A_228, %convert_element_type3A_183, %dot_general3A_229 {dimension_numbers = #tpu.dot_dimension_numbers<[1], [0], [0], [1], [0, 0, 1, 1], [], []>, transpose_lhs_hint = false} : vector<256x2048xbf16>, vector<2048x16xbf16>, vector<256x16xf32> -> vector<256x16xf32>
    %convert_element_type3A_231 = arith.truncf %dot_general3A_230 : vector<256x16xf32> to vector<256x16xbf16>
    %dot_general3A_232 = arith.constant dense<0.000000e+00> : vector<256x16xf32>
    %dot_general3A_233 = tpu.matmul %convert_element_type3A_231, %convert_element_type3A_182, %dot_general3A_232 {dimension_numbers = #tpu.dot_dimension_numbers<[1], [0], [0], [1], [0, 0, 1, 1], [], []>, transpose_lhs_hint = false} : vector<256x16xbf16>, vector<16x16xbf16>, vector<256x16xf32> -> vector<256x16xf32>
    %get3A_234 = arith.constant 1 : index
    %get3A_235 = arith.constant 0 : index
    %get3A_236 = vector.load %arg4[%get3A_234, %get3A_235] : memref<12x16xf32, #tpu.memory_space<vmem>>, vector<1x16xf32>
    %get3A_237 = vector.shape_cast %get3A_236 : vector<1x16xf32> to vector<16xf32>
    %broadcast_in_dim3A_238 = vector.shape_cast %get3A_237 : vector<16xf32> to vector<1x16xf32>
    %add3A_239 = vector.broadcast %broadcast_in_dim3A_238 : vector<1x16xf32> to vector<256x16xf32>
    %add3A_240 = arith.addf %dot_general3A_233, %add3A_239 : vector<256x16xf32>
    %max3A_241 = arith.constant 0.000000e+00 : f32
    %max3A_242 = vector.broadcast %max3A_241 : f32 to vector<256x16xf32>
    %max3A_243 = arith.maximumf %add3A_240, %max3A_242 : vector<256x16xf32>
    %get3A_244 = arith.constant 0 : index
    %get3A_245 = arith.constant 768 : index
    %get3A_246 = arith.constant 0 : index
    %get3A_247 = vector.load %arg14[%get3A_244, %get3A_245, %get3A_246] : memref<1x2048x2048xbf16, #tpu.memory_space<vmem>>, vector<1x256x2048xbf16>
    %get3A_248 = vector.shape_cast %get3A_247 : vector<1x256x2048xbf16> to vector<256x2048xbf16>
    %dot_general3A_249 = arith.constant dense<0.000000e+00> : vector<256x16xf32>
    %dot_general3A_250 = tpu.matmul %get3A_248, %convert_element_type3A_183, %dot_general3A_249 {dimension_numbers = #tpu.dot_dimension_numbers<[1], [0], [0], [1], [0, 0, 1, 1], [], []>, transpose_lhs_hint = false} : vector<256x2048xbf16>, vector<2048x16xbf16>, vector<256x16xf32> -> vector<256x16xf32>
    %convert_element_type3A_251 = arith.truncf %dot_general3A_250 : vector<256x16xf32> to vector<256x16xbf16>
    %dot_general3A_252 = arith.constant dense<0.000000e+00> : vector<256x16xf32>
    %dot_general3A_253 = tpu.matmul %convert_element_type3A_251, %convert_element_type3A_182, %dot_general3A_252 {dimension_numbers = #tpu.dot_dimension_numbers<[1], [0], [0], [1], [0, 0, 1, 1], [], []>, transpose_lhs_hint = false} : vector<256x16xbf16>, vector<16x16xbf16>, vector<256x16xf32> -> vector<256x16xf32>
    %get3A_254 = arith.constant 1 : index
    %get3A_255 = arith.constant 0 : index
    %get3A_256 = vector.load %arg4[%get3A_254, %get3A_255] : memref<12x16xf32, #tpu.memory_space<vmem>>, vector<1x16xf32>
    %get3A_257 = vector.shape_cast %get3A_256 : vector<1x16xf32> to vector<16xf32>
    %broadcast_in_dim3A_258 = vector.shape_cast %get3A_257 : vector<16xf32> to vector<1x16xf32>
    %add3A_259 = vector.broadcast %broadcast_in_dim3A_258 : vector<1x16xf32> to vector<256x16xf32>
    %add3A_260 = arith.addf %dot_general3A_253, %add3A_259 : vector<256x16xf32>
    %max3A_261 = arith.constant 0.000000e+00 : f32
    %max3A_262 = vector.broadcast %max3A_261 : f32 to vector<256x16xf32>
    %max3A_263 = arith.maximumf %add3A_260, %max3A_262 : vector<256x16xf32>
    %get3A_264 = arith.constant 0 : index
    %get3A_265 = arith.constant 1024 : index
    %get3A_266 = arith.constant 0 : index
    %get3A_267 = vector.load %arg14[%get3A_264, %get3A_265, %get3A_266] : memref<1x2048x2048xbf16, #tpu.memory_space<vmem>>, vector<1x256x2048xbf16>
    %get3A_268 = vector.shape_cast %get3A_267 : vector<1x256x2048xbf16> to vector<256x2048xbf16>
    %dot_general3A_269 = arith.constant dense<0.000000e+00> : vector<256x16xf32>
    %dot_general3A_270 = tpu.matmul %get3A_268, %convert_element_type3A_183, %dot_general3A_269 {dimension_numbers = #tpu.dot_dimension_numbers<[1], [0], [0], [1], [0, 0, 1, 1], [], []>, transpose_lhs_hint = false} : vector<256x2048xbf16>, vector<2048x16xbf16>, vector<256x16xf32> -> vector<256x16xf32>
    %convert_element_type3A_271 = arith.truncf %dot_general3A_270 : vector<256x16xf32> to vector<256x16xbf16>
    %dot_general3A_272 = arith.constant dense<0.000000e+00> : vector<256x16xf32>
    %dot_general3A_273 = tpu.matmul %convert_element_type3A_271, %convert_element_type3A_182, %dot_general3A_272 {dimension_numbers = #tpu.dot_dimension_numbers<[1], [0], [0], [1], [0, 0, 1, 1], [], []>, transpose_lhs_hint = false} : vector<256x16xbf16>, vector<16x16xbf16>, vector<256x16xf32> -> vector<256x16xf32>
    %get3A_274 = arith.constant 1 : index
    %get3A_275 = arith.constant 0 : index
    %get3A_276 = vector.load %arg4[%get3A_274, %get3A_275] : memref<12x16xf32, #tpu.memory_space<vmem>>, vector<1x16xf32>
    %get3A_277 = vector.shape_cast %get3A_276 : vector<1x16xf32> to vector<16xf32>
    %broadcast_in_dim3A_278 = vector.shape_cast %get3A_277 : vector<16xf32> to vector<1x16xf32>
    %add3A_279 = vector.broadcast %broadcast_in_dim3A_278 : vector<1x16xf32> to vector<256x16xf32>
    %add3A_280 = arith.addf %dot_general3A_273, %add3A_279 : vector<256x16xf32>
    %max3A_281 = arith.constant 0.000000e+00 : f32
    %max3A_282 = vector.broadcast %max3A_281 : f32 to vector<256x16xf32>
    %max3A_283 = arith.maximumf %add3A_280, %max3A_282 : vector<256x16xf32>
    %get3A_284 = arith.constant 0 : index
    %get3A_285 = arith.constant 1280 : index
    %get3A_286 = arith.constant 0 : index
    %get3A_287 = vector.load %arg14[%get3A_284, %get3A_285, %get3A_286] : memref<1x2048x2048xbf16, #tpu.memory_space<vmem>>, vector<1x256x2048xbf16>
    %get3A_288 = vector.shape_cast %get3A_287 : vector<1x256x2048xbf16> to vector<256x2048xbf16>
    %dot_general3A_289 = arith.constant dense<0.000000e+00> : vector<256x16xf32>
    %dot_general3A_290 = tpu.matmul %get3A_288, %convert_element_type3A_183, %dot_general3A_289 {dimension_numbers = #tpu.dot_dimension_numbers<[1], [0], [0], [1], [0, 0, 1, 1], [], []>, transpose_lhs_hint = false} : vector<256x2048xbf16>, vector<2048x16xbf16>, vector<256x16xf32> -> vector<256x16xf32>
    %convert_element_type3A_291 = arith.truncf %dot_general3A_290 : vector<256x16xf32> to vector<256x16xbf16>
    %dot_general3A_292 = arith.constant dense<0.000000e+00> : vector<256x16xf32>
    %dot_general3A_293 = tpu.matmul %convert_element_type3A_291, %convert_element_type3A_182, %dot_general3A_292 {dimension_numbers = #tpu.dot_dimension_numbers<[1], [0], [0], [1], [0, 0, 1, 1], [], []>, transpose_lhs_hint = false} : vector<256x16xbf16>, vector<16x16xbf16>, vector<256x16xf32> -> vector<256x16xf32>
    %get3A_294 = arith.constant 1 : index
    %get3A_295 = arith.constant 0 : index
    %get3A_296 = vector.load %arg4[%get3A_294, %get3A_295] : memref<12x16xf32, #tpu.memory_space<vmem>>, vector<1x16xf32>
    %get3A_297 = vector.shape_cast %get3A_296 : vector<1x16xf32> to vector<16xf32>
    %broadcast_in_dim3A_298 = vector.shape_cast %get3A_297 : vector<16xf32> to vector<1x16xf32>
    %add3A_299 = vector.broadcast %broadcast_in_dim3A_298 : vector<1x16xf32> to vector<256x16xf32>
    %add3A_300 = arith.addf %dot_general3A_293, %add3A_299 : vector<256x16xf32>
    %max3A_301 = arith.constant 0.000000e+00 : f32
    %max3A_302 = vector.broadcast %max3A_301 : f32 to vector<256x16xf32>
    %max3A_303 = arith.maximumf %add3A_300, %max3A_302 : vector<256x16xf32>
    %get3A_304 = arith.constant 0 : index
    %get3A_305 = arith.constant 1536 : index
    %get3A_306 = arith.constant 0 : index
    %get3A_307 = vector.load %arg14[%get3A_304, %get3A_305, %get3A_306] : memref<1x2048x2048xbf16, #tpu.memory_space<vmem>>, vector<1x256x2048xbf16>
    %get3A_308 = vector.shape_cast %get3A_307 : vector<1x256x2048xbf16> to vector<256x2048xbf16>
    %dot_general3A_309 = arith.constant dense<0.000000e+00> : vector<256x16xf32>
    %dot_general3A_310 = tpu.matmul %get3A_308, %convert_element_type3A_183, %dot_general3A_309 {dimension_numbers = #tpu.dot_dimension_numbers<[1], [0], [0], [1], [0, 0, 1, 1], [], []>, transpose_lhs_hint = false} : vector<256x2048xbf16>, vector<2048x16xbf16>, vector<256x16xf32> -> vector<256x16xf32>
    %convert_element_type3A_311 = arith.truncf %dot_general3A_310 : vector<256x16xf32> to vector<256x16xbf16>
    %dot_general3A_312 = arith.constant dense<0.000000e+00> : vector<256x16xf32>
    %dot_general3A_313 = tpu.matmul %convert_element_type3A_311, %convert_element_type3A_182, %dot_general3A_312 {dimension_numbers = #tpu.dot_dimension_numbers<[1], [0], [0], [1], [0, 0, 1, 1], [], []>, transpose_lhs_hint = false} : vector<256x16xbf16>, vector<16x16xbf16>, vector<256x16xf32> -> vector<256x16xf32>
    %get3A_314 = arith.constant 1 : index
    %get3A_315 = arith.constant 0 : index
    %get3A_316 = vector.load %arg4[%get3A_314, %get3A_315] : memref<12x16xf32, #tpu.memory_space<vmem>>, vector<1x16xf32>
    %get3A_317 = vector.shape_cast %get3A_316 : vector<1x16xf32> to vector<16xf32>
    %broadcast_in_dim3A_318 = vector.shape_cast %get3A_317 : vector<16xf32> to vector<1x16xf32>
    %add3A_319 = vector.broadcast %broadcast_in_dim3A_318 : vector<1x16xf32> to vector<256x16xf32>
    %add3A_320 = arith.addf %dot_general3A_313, %add3A_319 : vector<256x16xf32>
    %max3A_321 = arith.constant 0.000000e+00 : f32
    %max3A_322 = vector.broadcast %max3A_321 : f32 to vector<256x16xf32>
    %max3A_323 = arith.maximumf %add3A_320, %max3A_322 : vector<256x16xf32>
    %get3A_324 = arith.constant 0 : index
    %get3A_325 = arith.constant 1792 : index
    %get3A_326 = arith.constant 0 : index
    %get3A_327 = vector.load %arg14[%get3A_324, %get3A_325, %get3A_326] : memref<1x2048x2048xbf16, #tpu.memory_space<vmem>>, vector<1x256x2048xbf16>
    %get3A_328 = vector.shape_cast %get3A_327 : vector<1x256x2048xbf16> to vector<256x2048xbf16>
    %dot_general3A_329 = arith.constant dense<0.000000e+00> : vector<256x16xf32>
    %dot_general3A_330 = tpu.matmul %get3A_328, %convert_element_type3A_183, %dot_general3A_329 {dimension_numbers = #tpu.dot_dimension_numbers<[1], [0], [0], [1], [0, 0, 1, 1], [], []>, transpose_lhs_hint = false} : vector<256x2048xbf16>, vector<2048x16xbf16>, vector<256x16xf32> -> vector<256x16xf32>
    %convert_element_type3A_331 = arith.truncf %dot_general3A_330 : vector<256x16xf32> to vector<256x16xbf16>
    %dot_general3A_332 = arith.constant dense<0.000000e+00> : vector<256x16xf32>
    %dot_general3A_333 = tpu.matmul %convert_element_type3A_331, %convert_element_type3A_182, %dot_general3A_332 {dimension_numbers = #tpu.dot_dimension_numbers<[1], [0], [0], [1], [0, 0, 1, 1], [], []>, transpose_lhs_hint = false} : vector<256x16xbf16>, vector<16x16xbf16>, vector<256x16xf32> -> vector<256x16xf32>
    %get3A_334 = arith.constant 1 : index
    %get3A_335 = arith.constant 0 : index
    %get3A_336 = vector.load %arg4[%get3A_334, %get3A_335] : memref<12x16xf32, #tpu.memory_space<vmem>>, vector<1x16xf32>
    %get3A_337 = vector.shape_cast %get3A_336 : vector<1x16xf32> to vector<16xf32>
    %broadcast_in_dim3A_338 = vector.shape_cast %get3A_337 : vector<16xf32> to vector<1x16xf32>
    %add3A_339 = vector.broadcast %broadcast_in_dim3A_338 : vector<1x16xf32> to vector<256x16xf32>
    %add3A_340 = arith.addf %dot_general3A_333, %add3A_339 : vector<256x16xf32>
    %max3A_341 = arith.constant 0.000000e+00 : f32
    %max3A_342 = vector.broadcast %max3A_341 : f32 to vector<256x16xf32>
    %max3A_343 = arith.maximumf %add3A_340, %max3A_342 : vector<256x16xf32>
    %concatenate3A_344 = tpu.concatenate %max3A_203, %max3A_223, %max3A_243, %max3A_263, %max3A_283, %max3A_303, %max3A_323, %max3A_343 in 0 : vector<256x16xf32>, vector<256x16xf32>, vector<256x16xf32>, vector<256x16xf32>, vector<256x16xf32>, vector<256x16xf32>, vector<256x16xf32>, vector<256x16xf32> -> vector<2048x16xf32>
    %get3A_345 = arith.constant 2 : index
    %get3A_346 = arith.constant 0 : index
    %get3A_347 = arith.constant 0 : index
    %get3A_348 = vector.load %arg3[%get3A_345, %get3A_346, %get3A_347] : memref<12x16x16xf32, #tpu.memory_space<vmem>>, vector<1x16x16xf32>
    %get3A_349 = vector.shape_cast %get3A_348 : vector<1x16x16xf32> to vector<16x16xf32>
    %convert_element_type3A_350 = arith.truncf %get3A_349 : vector<16x16xf32> to vector<16x16xbf16>
    %convert_element_type3A_351 = arith.truncf %concatenate3A_344 : vector<2048x16xf32> to vector<2048x16xbf16>
    %get3A_352 = arith.constant 0 : index
    %get3A_353 = arith.constant 0 : index
    %get3A_354 = arith.constant 0 : index
    %get3A_355 = vector.load %arg14[%get3A_352, %get3A_353, %get3A_354] : memref<1x2048x2048xbf16, #tpu.memory_space<vmem>>, vector<1x256x2048xbf16>
    %get3A_356 = vector.shape_cast %get3A_355 : vector<1x256x2048xbf16> to vector<256x2048xbf16>
    %dot_general3A_357 = arith.constant dense<0.000000e+00> : vector<256x16xf32>
    %dot_general3A_358 = tpu.matmul %get3A_356, %convert_element_type3A_351, %dot_general3A_357 {dimension_numbers = #tpu.dot_dimension_numbers<[1], [0], [0], [1], [0, 0, 1, 1], [], []>, transpose_lhs_hint = false} : vector<256x2048xbf16>, vector<2048x16xbf16>, vector<256x16xf32> -> vector<256x16xf32>
    %convert_element_type3A_359 = arith.truncf %dot_general3A_358 : vector<256x16xf32> to vector<256x16xbf16>
    %dot_general3A_360 = arith.constant dense<0.000000e+00> : vector<256x16xf32>
    %dot_general3A_361 = tpu.matmul %convert_element_type3A_359, %convert_element_type3A_350, %dot_general3A_360 {dimension_numbers = #tpu.dot_dimension_numbers<[1], [0], [0], [1], [0, 0, 1, 1], [], []>, transpose_lhs_hint = false} : vector<256x16xbf16>, vector<16x16xbf16>, vector<256x16xf32> -> vector<256x16xf32>
    %get3A_362 = arith.constant 2 : index
    %get3A_363 = arith.constant 0 : index
    %get3A_364 = vector.load %arg4[%get3A_362, %get3A_363] : memref<12x16xf32, #tpu.memory_space<vmem>>, vector<1x16xf32>
    %get3A_365 = vector.shape_cast %get3A_364 : vector<1x16xf32> to vector<16xf32>
    %broadcast_in_dim3A_366 = vector.shape_cast %get3A_365 : vector<16xf32> to vector<1x16xf32>
    %add3A_367 = vector.broadcast %broadcast_in_dim3A_366 : vector<1x16xf32> to vector<256x16xf32>
    %add3A_368 = arith.addf %dot_general3A_361, %add3A_367 : vector<256x16xf32>
    %max3A_369 = arith.constant 0.000000e+00 : f32
    %max3A_370 = vector.broadcast %max3A_369 : f32 to vector<256x16xf32>
    %max3A_371 = arith.maximumf %add3A_368, %max3A_370 : vector<256x16xf32>
    %get3A_372 = arith.constant 0 : index
    %get3A_373 = arith.constant 256 : index
    %get3A_374 = arith.constant 0 : index
    %get3A_375 = vector.load %arg14[%get3A_372, %get3A_373, %get3A_374] : memref<1x2048x2048xbf16, #tpu.memory_space<vmem>>, vector<1x256x2048xbf16>
    %get3A_376 = vector.shape_cast %get3A_375 : vector<1x256x2048xbf16> to vector<256x2048xbf16>
    %dot_general3A_377 = arith.constant dense<0.000000e+00> : vector<256x16xf32>
    %dot_general3A_378 = tpu.matmul %get3A_376, %convert_element_type3A_351, %dot_general3A_377 {dimension_numbers = #tpu.dot_dimension_numbers<[1], [0], [0], [1], [0, 0, 1, 1], [], []>, transpose_lhs_hint = false} : vector<256x2048xbf16>, vector<2048x16xbf16>, vector<256x16xf32> -> vector<256x16xf32>
    %convert_element_type3A_379 = arith.truncf %dot_general3A_378 : vector<256x16xf32> to vector<256x16xbf16>
    %dot_general3A_380 = arith.constant dense<0.000000e+00> : vector<256x16xf32>
    %dot_general3A_381 = tpu.matmul %convert_element_type3A_379, %convert_element_type3A_350, %dot_general3A_380 {dimension_numbers = #tpu.dot_dimension_numbers<[1], [0], [0], [1], [0, 0, 1, 1], [], []>, transpose_lhs_hint = false} : vector<256x16xbf16>, vector<16x16xbf16>, vector<256x16xf32> -> vector<256x16xf32>
    %get3A_382 = arith.constant 2 : index
    %get3A_383 = arith.constant 0 : index
    %get3A_384 = vector.load %arg4[%get3A_382, %get3A_383] : memref<12x16xf32, #tpu.memory_space<vmem>>, vector<1x16xf32>
    %get3A_385 = vector.shape_cast %get3A_384 : vector<1x16xf32> to vector<16xf32>
    %broadcast_in_dim3A_386 = vector.shape_cast %get3A_385 : vector<16xf32> to vector<1x16xf32>
    %add3A_387 = vector.broadcast %broadcast_in_dim3A_386 : vector<1x16xf32> to vector<256x16xf32>
    %add3A_388 = arith.addf %dot_general3A_381, %add3A_387 : vector<256x16xf32>
    %max3A_389 = arith.constant 0.000000e+00 : f32
    %max3A_390 = vector.broadcast %max3A_389 : f32 to vector<256x16xf32>
    %max3A_391 = arith.maximumf %add3A_388, %max3A_390 : vector<256x16xf32>
    %get3A_392 = arith.constant 0 : index
    %get3A_393 = arith.constant 512 : index
    %get3A_394 = arith.constant 0 : index
    %get3A_395 = vector.load %arg14[%get3A_392, %get3A_393, %get3A_394] : memref<1x2048x2048xbf16, #tpu.memory_space<vmem>>, vector<1x256x2048xbf16>
    %get3A_396 = vector.shape_cast %get3A_395 : vector<1x256x2048xbf16> to vector<256x2048xbf16>
    %dot_general3A_397 = arith.constant dense<0.000000e+00> : vector<256x16xf32>
    %dot_general3A_398 = tpu.matmul %get3A_396, %convert_element_type3A_351, %dot_general3A_397 {dimension_numbers = #tpu.dot_dimension_numbers<[1], [0], [0], [1], [0, 0, 1, 1], [], []>, transpose_lhs_hint = false} : vector<256x2048xbf16>, vector<2048x16xbf16>, vector<256x16xf32> -> vector<256x16xf32>
    %convert_element_type3A_399 = arith.truncf %dot_general3A_398 : vector<256x16xf32> to vector<256x16xbf16>
    %dot_general3A_400 = arith.constant dense<0.000000e+00> : vector<256x16xf32>
    %dot_general3A_401 = tpu.matmul %convert_element_type3A_399, %convert_element_type3A_350, %dot_general3A_400 {dimension_numbers = #tpu.dot_dimension_numbers<[1], [0], [0], [1], [0, 0, 1, 1], [], []>, transpose_lhs_hint = false} : vector<256x16xbf16>, vector<16x16xbf16>, vector<256x16xf32> -> vector<256x16xf32>
    %get3A_402 = arith.constant 2 : index
    %get3A_403 = arith.constant 0 : index
    %get3A_404 = vector.load %arg4[%get3A_402, %get3A_403] : memref<12x16xf32, #tpu.memory_space<vmem>>, vector<1x16xf32>
    %get3A_405 = vector.shape_cast %get3A_404 : vector<1x16xf32> to vector<16xf32>
    %broadcast_in_dim3A_406 = vector.shape_cast %get3A_405 : vector<16xf32> to vector<1x16xf32>
    %add3A_407 = vector.broadcast %broadcast_in_dim3A_406 : vector<1x16xf32> to vector<256x16xf32>
    %add3A_408 = arith.addf %dot_general3A_401, %add3A_407 : vector<256x16xf32>
    %max3A_409 = arith.constant 0.000000e+00 : f32
    %max3A_410 = vector.broadcast %max3A_409 : f32 to vector<256x16xf32>
    %max3A_411 = arith.maximumf %add3A_408, %max3A_410 : vector<256x16xf32>
    %get3A_412 = arith.constant 0 : index
    %get3A_413 = arith.constant 768 : index
    %get3A_414 = arith.constant 0 : index
    %get3A_415 = vector.load %arg14[%get3A_412, %get3A_413, %get3A_414] : memref<1x2048x2048xbf16, #tpu.memory_space<vmem>>, vector<1x256x2048xbf16>
    %get3A_416 = vector.shape_cast %get3A_415 : vector<1x256x2048xbf16> to vector<256x2048xbf16>
    %dot_general3A_417 = arith.constant dense<0.000000e+00> : vector<256x16xf32>
    %dot_general3A_418 = tpu.matmul %get3A_416, %convert_element_type3A_351, %dot_general3A_417 {dimension_numbers = #tpu.dot_dimension_numbers<[1], [0], [0], [1], [0, 0, 1, 1], [], []>, transpose_lhs_hint = false} : vector<256x2048xbf16>, vector<2048x16xbf16>, vector<256x16xf32> -> vector<256x16xf32>
    %convert_element_type3A_419 = arith.truncf %dot_general3A_418 : vector<256x16xf32> to vector<256x16xbf16>
    %dot_general3A_420 = arith.constant dense<0.000000e+00> : vector<256x16xf32>
    %dot_general3A_421 = tpu.matmul %convert_element_type3A_419, %convert_element_type3A_350, %dot_general3A_420 {dimension_numbers = #tpu.dot_dimension_numbers<[1], [0], [0], [1], [0, 0, 1, 1], [], []>, transpose_lhs_hint = false} : vector<256x16xbf16>, vector<16x16xbf16>, vector<256x16xf32> -> vector<256x16xf32>
    %get3A_422 = arith.constant 2 : index
    %get3A_423 = arith.constant 0 : index
    %get3A_424 = vector.load %arg4[%get3A_422, %get3A_423] : memref<12x16xf32, #tpu.memory_space<vmem>>, vector<1x16xf32>
    %get3A_425 = vector.shape_cast %get3A_424 : vector<1x16xf32> to vector<16xf32>
    %broadcast_in_dim3A_426 = vector.shape_cast %get3A_425 : vector<16xf32> to vector<1x16xf32>
    %add3A_427 = vector.broadcast %broadcast_in_dim3A_426 : vector<1x16xf32> to vector<256x16xf32>
    %add3A_428 = arith.addf %dot_general3A_421, %add3A_427 : vector<256x16xf32>
    %max3A_429 = arith.constant 0.000000e+00 : f32
    %max3A_430 = vector.broadcast %max3A_429 : f32 to vector<256x16xf32>
    %max3A_431 = arith.maximumf %add3A_428, %max3A_430 : vector<256x16xf32>
    %get3A_432 = arith.constant 0 : index
    %get3A_433 = arith.constant 1024 : index
    %get3A_434 = arith.constant 0 : index
    %get3A_435 = vector.load %arg14[%get3A_432, %get3A_433, %get3A_434] : memref<1x2048x2048xbf16, #tpu.memory_space<vmem>>, vector<1x256x2048xbf16>
    %get3A_436 = vector.shape_cast %get3A_435 : vector<1x256x2048xbf16> to vector<256x2048xbf16>
    %dot_general3A_437 = arith.constant dense<0.000000e+00> : vector<256x16xf32>
    %dot_general3A_438 = tpu.matmul %get3A_436, %convert_element_type3A_351, %dot_general3A_437 {dimension_numbers = #tpu.dot_dimension_numbers<[1], [0], [0], [1], [0, 0, 1, 1], [], []>, transpose_lhs_hint = false} : vector<256x2048xbf16>, vector<2048x16xbf16>, vector<256x16xf32> -> vector<256x16xf32>
    %convert_element_type3A_439 = arith.truncf %dot_general3A_438 : vector<256x16xf32> to vector<256x16xbf16>
    %dot_general3A_440 = arith.constant dense<0.000000e+00> : vector<256x16xf32>
    %dot_general3A_441 = tpu.matmul %convert_element_type3A_439, %convert_element_type3A_350, %dot_general3A_440 {dimension_numbers = #tpu.dot_dimension_numbers<[1], [0], [0], [1], [0, 0, 1, 1], [], []>, transpose_lhs_hint = false} : vector<256x16xbf16>, vector<16x16xbf16>, vector<256x16xf32> -> vector<256x16xf32>
    %get3A_442 = arith.constant 2 : index
    %get3A_443 = arith.constant 0 : index
    %get3A_444 = vector.load %arg4[%get3A_442, %get3A_443] : memref<12x16xf32, #tpu.memory_space<vmem>>, vector<1x16xf32>
    %get3A_445 = vector.shape_cast %get3A_444 : vector<1x16xf32> to vector<16xf32>
    %broadcast_in_dim3A_446 = vector.shape_cast %get3A_445 : vector<16xf32> to vector<1x16xf32>
    %add3A_447 = vector.broadcast %broadcast_in_dim3A_446 : vector<1x16xf32> to vector<256x16xf32>
    %add3A_448 = arith.addf %dot_general3A_441, %add3A_447 : vector<256x16xf32>
    %max3A_449 = arith.constant 0.000000e+00 : f32
    %max3A_450 = vector.broadcast %max3A_449 : f32 to vector<256x16xf32>
    %max3A_451 = arith.maximumf %add3A_448, %max3A_450 : vector<256x16xf32>
    %get3A_452 = arith.constant 0 : index
    %get3A_453 = arith.constant 1280 : index
    %get3A_454 = arith.constant 0 : index
    %get3A_455 = vector.load %arg14[%get3A_452, %get3A_453, %get3A_454] : memref<1x2048x2048xbf16, #tpu.memory_space<vmem>>, vector<1x256x2048xbf16>
    %get3A_456 = vector.shape_cast %get3A_455 : vector<1x256x2048xbf16> to vector<256x2048xbf16>
    %dot_general3A_457 = arith.constant dense<0.000000e+00> : vector<256x16xf32>
    %dot_general3A_458 = tpu.matmul %get3A_456, %convert_element_type3A_351, %dot_general3A_457 {dimension_numbers = #tpu.dot_dimension_numbers<[1], [0], [0], [1], [0, 0, 1, 1], [], []>, transpose_lhs_hint = false} : vector<256x2048xbf16>, vector<2048x16xbf16>, vector<256x16xf32> -> vector<256x16xf32>
    %convert_element_type3A_459 = arith.truncf %dot_general3A_458 : vector<256x16xf32> to vector<256x16xbf16>
    %dot_general3A_460 = arith.constant dense<0.000000e+00> : vector<256x16xf32>
    %dot_general3A_461 = tpu.matmul %convert_element_type3A_459, %convert_element_type3A_350, %dot_general3A_460 {dimension_numbers = #tpu.dot_dimension_numbers<[1], [0], [0], [1], [0, 0, 1, 1], [], []>, transpose_lhs_hint = false} : vector<256x16xbf16>, vector<16x16xbf16>, vector<256x16xf32> -> vector<256x16xf32>
    %get3A_462 = arith.constant 2 : index
    %get3A_463 = arith.constant 0 : index
    %get3A_464 = vector.load %arg4[%get3A_462, %get3A_463] : memref<12x16xf32, #tpu.memory_space<vmem>>, vector<1x16xf32>
    %get3A_465 = vector.shape_cast %get3A_464 : vector<1x16xf32> to vector<16xf32>
    %broadcast_in_dim3A_466 = vector.shape_cast %get3A_465 : vector<16xf32> to vector<1x16xf32>
    %add3A_467 = vector.broadcast %broadcast_in_dim3A_466 : vector<1x16xf32> to vector<256x16xf32>
    %add3A_468 = arith.addf %dot_general3A_461, %add3A_467 : vector<256x16xf32>
    %max3A_469 = arith.constant 0.000000e+00 : f32
    %max3A_470 = vector.broadcast %max3A_469 : f32 to vector<256x16xf32>
    %max3A_471 = arith.maximumf %add3A_468, %max3A_470 : vector<256x16xf32>
    %get3A_472 = arith.constant 0 : index
    %get3A_473 = arith.constant 1536 : index
    %get3A_474 = arith.constant 0 : index
    %get3A_475 = vector.load %arg14[%get3A_472, %get3A_473, %get3A_474] : memref<1x2048x2048xbf16, #tpu.memory_space<vmem>>, vector<1x256x2048xbf16>
    %get3A_476 = vector.shape_cast %get3A_475 : vector<1x256x2048xbf16> to vector<256x2048xbf16>
    %dot_general3A_477 = arith.constant dense<0.000000e+00> : vector<256x16xf32>
    %dot_general3A_478 = tpu.matmul %get3A_476, %convert_element_type3A_351, %dot_general3A_477 {dimension_numbers = #tpu.dot_dimension_numbers<[1], [0], [0], [1], [0, 0, 1, 1], [], []>, transpose_lhs_hint = false} : vector<256x2048xbf16>, vector<2048x16xbf16>, vector<256x16xf32> -> vector<256x16xf32>
    %convert_element_type3A_479 = arith.truncf %dot_general3A_478 : vector<256x16xf32> to vector<256x16xbf16>
    %dot_general3A_480 = arith.constant dense<0.000000e+00> : vector<256x16xf32>
    %dot_general3A_481 = tpu.matmul %convert_element_type3A_479, %convert_element_type3A_350, %dot_general3A_480 {dimension_numbers = #tpu.dot_dimension_numbers<[1], [0], [0], [1], [0, 0, 1, 1], [], []>, transpose_lhs_hint = false} : vector<256x16xbf16>, vector<16x16xbf16>, vector<256x16xf32> -> vector<256x16xf32>
    %get3A_482 = arith.constant 2 : index
    %get3A_483 = arith.constant 0 : index
    %get3A_484 = vector.load %arg4[%get3A_482, %get3A_483] : memref<12x16xf32, #tpu.memory_space<vmem>>, vector<1x16xf32>
    %get3A_485 = vector.shape_cast %get3A_484 : vector<1x16xf32> to vector<16xf32>
    %broadcast_in_dim3A_486 = vector.shape_cast %get3A_485 : vector<16xf32> to vector<1x16xf32>
    %add3A_487 = vector.broadcast %broadcast_in_dim3A_486 : vector<1x16xf32> to vector<256x16xf32>
    %add3A_488 = arith.addf %dot_general3A_481, %add3A_487 : vector<256x16xf32>
    %max3A_489 = arith.constant 0.000000e+00 : f32
    %max3A_490 = vector.broadcast %max3A_489 : f32 to vector<256x16xf32>
    %max3A_491 = arith.maximumf %add3A_488, %max3A_490 : vector<256x16xf32>
    %get3A_492 = arith.constant 0 : index
    %get3A_493 = arith.constant 1792 : index
    %get3A_494 = arith.constant 0 : index
    %get3A_495 = vector.load %arg14[%get3A_492, %get3A_493, %get3A_494] : memref<1x2048x2048xbf16, #tpu.memory_space<vmem>>, vector<1x256x2048xbf16>
    %get3A_496 = vector.shape_cast %get3A_495 : vector<1x256x2048xbf16> to vector<256x2048xbf16>
    %dot_general3A_497 = arith.constant dense<0.000000e+00> : vector<256x16xf32>
    %dot_general3A_498 = tpu.matmul %get3A_496, %convert_element_type3A_351, %dot_general3A_497 {dimension_numbers = #tpu.dot_dimension_numbers<[1], [0], [0], [1], [0, 0, 1, 1], [], []>, transpose_lhs_hint = false} : vector<256x2048xbf16>, vector<2048x16xbf16>, vector<256x16xf32> -> vector<256x16xf32>
    %convert_element_type3A_499 = arith.truncf %dot_general3A_498 : vector<256x16xf32> to vector<256x16xbf16>
    %dot_general3A_500 = arith.constant dense<0.000000e+00> : vector<256x16xf32>
    %dot_general3A_501 = tpu.matmul %convert_element_type3A_499, %convert_element_type3A_350, %dot_general3A_500 {dimension_numbers = #tpu.dot_dimension_numbers<[1], [0], [0], [1], [0, 0, 1, 1], [], []>, transpose_lhs_hint = false} : vector<256x16xbf16>, vector<16x16xbf16>, vector<256x16xf32> -> vector<256x16xf32>
    %get3A_502 = arith.constant 2 : index
    %get3A_503 = arith.constant 0 : index
    %get3A_504 = vector.load %arg4[%get3A_502, %get3A_503] : memref<12x16xf32, #tpu.memory_space<vmem>>, vector<1x16xf32>
    %get3A_505 = vector.shape_cast %get3A_504 : vector<1x16xf32> to vector<16xf32>
    %broadcast_in_dim3A_506 = vector.shape_cast %get3A_505 : vector<16xf32> to vector<1x16xf32>
    %add3A_507 = vector.broadcast %broadcast_in_dim3A_506 : vector<1x16xf32> to vector<256x16xf32>
    %add3A_508 = arith.addf %dot_general3A_501, %add3A_507 : vector<256x16xf32>
    %max3A_509 = arith.constant 0.000000e+00 : f32
    %max3A_510 = vector.broadcast %max3A_509 : f32 to vector<256x16xf32>
    %max3A_511 = arith.maximumf %add3A_508, %max3A_510 : vector<256x16xf32>
    %concatenate3A_512 = tpu.concatenate %max3A_371, %max3A_391, %max3A_411, %max3A_431, %max3A_451, %max3A_471, %max3A_491, %max3A_511 in 0 : vector<256x16xf32>, vector<256x16xf32>, vector<256x16xf32>, vector<256x16xf32>, vector<256x16xf32>, vector<256x16xf32>, vector<256x16xf32>, vector<256x16xf32> -> vector<2048x16xf32>
    %get3A_513 = arith.constant 3 : index
    %get3A_514 = arith.constant 0 : index
    %get3A_515 = arith.constant 0 : index
    %get3A_516 = vector.load %arg3[%get3A_513, %get3A_514, %get3A_515] : memref<12x16x16xf32, #tpu.memory_space<vmem>>, vector<1x16x16xf32>
    %get3A_517 = vector.shape_cast %get3A_516 : vector<1x16x16xf32> to vector<16x16xf32>
    %convert_element_type3A_518 = arith.truncf %get3A_517 : vector<16x16xf32> to vector<16x16xbf16>
    %convert_element_type3A_519 = arith.truncf %concatenate3A_512 : vector<2048x16xf32> to vector<2048x16xbf16>
    %get3A_520 = arith.constant 0 : index
    %get3A_521 = arith.constant 0 : index
    %get3A_522 = arith.constant 0 : index
    %get3A_523 = vector.load %arg14[%get3A_520, %get3A_521, %get3A_522] : memref<1x2048x2048xbf16, #tpu.memory_space<vmem>>, vector<1x256x2048xbf16>
    %get3A_524 = vector.shape_cast %get3A_523 : vector<1x256x2048xbf16> to vector<256x2048xbf16>
    %dot_general3A_525 = arith.constant dense<0.000000e+00> : vector<256x16xf32>
    %dot_general3A_526 = tpu.matmul %get3A_524, %convert_element_type3A_519, %dot_general3A_525 {dimension_numbers = #tpu.dot_dimension_numbers<[1], [0], [0], [1], [0, 0, 1, 1], [], []>, transpose_lhs_hint = false} : vector<256x2048xbf16>, vector<2048x16xbf16>, vector<256x16xf32> -> vector<256x16xf32>
    %convert_element_type3A_527 = arith.truncf %dot_general3A_526 : vector<256x16xf32> to vector<256x16xbf16>
    %dot_general3A_528 = arith.constant dense<0.000000e+00> : vector<256x16xf32>
    %dot_general3A_529 = tpu.matmul %convert_element_type3A_527, %convert_element_type3A_518, %dot_general3A_528 {dimension_numbers = #tpu.dot_dimension_numbers<[1], [0], [0], [1], [0, 0, 1, 1], [], []>, transpose_lhs_hint = false} : vector<256x16xbf16>, vector<16x16xbf16>, vector<256x16xf32> -> vector<256x16xf32>
    %get3A_530 = arith.constant 3 : index
    %get3A_531 = arith.constant 0 : index
    %get3A_532 = vector.load %arg4[%get3A_530, %get3A_531] : memref<12x16xf32, #tpu.memory_space<vmem>>, vector<1x16xf32>
    %get3A_533 = vector.shape_cast %get3A_532 : vector<1x16xf32> to vector<16xf32>
    %broadcast_in_dim3A_534 = vector.shape_cast %get3A_533 : vector<16xf32> to vector<1x16xf32>
    %add3A_535 = vector.broadcast %broadcast_in_dim3A_534 : vector<1x16xf32> to vector<256x16xf32>
    %add3A_536 = arith.addf %dot_general3A_529, %add3A_535 : vector<256x16xf32>
    %max3A_537 = arith.constant 0.000000e+00 : f32
    %max3A_538 = vector.broadcast %max3A_537 : f32 to vector<256x16xf32>
    %max3A_539 = arith.maximumf %add3A_536, %max3A_538 : vector<256x16xf32>
    %get3A_540 = arith.constant 0 : index
    %get3A_541 = arith.constant 256 : index
    %get3A_542 = arith.constant 0 : index
    %get3A_543 = vector.load %arg14[%get3A_540, %get3A_541, %get3A_542] : memref<1x2048x2048xbf16, #tpu.memory_space<vmem>>, vector<1x256x2048xbf16>
    %get3A_544 = vector.shape_cast %get3A_543 : vector<1x256x2048xbf16> to vector<256x2048xbf16>
    %dot_general3A_545 = arith.constant dense<0.000000e+00> : vector<256x16xf32>
    %dot_general3A_546 = tpu.matmul %get3A_544, %convert_element_type3A_519, %dot_general3A_545 {dimension_numbers = #tpu.dot_dimension_numbers<[1], [0], [0], [1], [0, 0, 1, 1], [], []>, transpose_lhs_hint = false} : vector<256x2048xbf16>, vector<2048x16xbf16>, vector<256x16xf32> -> vector<256x16xf32>
    %convert_element_type3A_547 = arith.truncf %dot_general3A_546 : vector<256x16xf32> to vector<256x16xbf16>
    %dot_general3A_548 = arith.constant dense<0.000000e+00> : vector<256x16xf32>
    %dot_general3A_549 = tpu.matmul %convert_element_type3A_547, %convert_element_type3A_518, %dot_general3A_548 {dimension_numbers = #tpu.dot_dimension_numbers<[1], [0], [0], [1], [0, 0, 1, 1], [], []>, transpose_lhs_hint = false} : vector<256x16xbf16>, vector<16x16xbf16>, vector<256x16xf32> -> vector<256x16xf32>
    %get3A_550 = arith.constant 3 : index
    %get3A_551 = arith.constant 0 : index
    %get3A_552 = vector.load %arg4[%get3A_550, %get3A_551] : memref<12x16xf32, #tpu.memory_space<vmem>>, vector<1x16xf32>
    %get3A_553 = vector.shape_cast %get3A_552 : vector<1x16xf32> to vector<16xf32>
    %broadcast_in_dim3A_554 = vector.shape_cast %get3A_553 : vector<16xf32> to vector<1x16xf32>
    %add3A_555 = vector.broadcast %broadcast_in_dim3A_554 : vector<1x16xf32> to vector<256x16xf32>
    %add3A_556 = arith.addf %dot_general3A_549, %add3A_555 : vector<256x16xf32>
    %max3A_557 = arith.constant 0.000000e+00 : f32
    %max3A_558 = vector.broadcast %max3A_557 : f32 to vector<256x16xf32>
    %max3A_559 = arith.maximumf %add3A_556, %max3A_558 : vector<256x16xf32>
    %get3A_560 = arith.constant 0 : index
    %get3A_561 = arith.constant 512 : index
    %get3A_562 = arith.constant 0 : index
    %get3A_563 = vector.load %arg14[%get3A_560, %get3A_561, %get3A_562] : memref<1x2048x2048xbf16, #tpu.memory_space<vmem>>, vector<1x256x2048xbf16>
    %get3A_564 = vector.shape_cast %get3A_563 : vector<1x256x2048xbf16> to vector<256x2048xbf16>
    %dot_general3A_565 = arith.constant dense<0.000000e+00> : vector<256x16xf32>
    %dot_general3A_566 = tpu.matmul %get3A_564, %convert_element_type3A_519, %dot_general3A_565 {dimension_numbers = #tpu.dot_dimension_numbers<[1], [0], [0], [1], [0, 0, 1, 1], [], []>, transpose_lhs_hint = false} : vector<256x2048xbf16>, vector<2048x16xbf16>, vector<256x16xf32> -> vector<256x16xf32>
    %convert_element_type3A_567 = arith.truncf %dot_general3A_566 : vector<256x16xf32> to vector<256x16xbf16>
    %dot_general3A_568 = arith.constant dense<0.000000e+00> : vector<256x16xf32>
    %dot_general3A_569 = tpu.matmul %convert_element_type3A_567, %convert_element_type3A_518, %dot_general3A_568 {dimension_numbers = #tpu.dot_dimension_numbers<[1], [0], [0], [1], [0, 0, 1, 1], [], []>, transpose_lhs_hint = false} : vector<256x16xbf16>, vector<16x16xbf16>, vector<256x16xf32> -> vector<256x16xf32>
    %get3A_570 = arith.constant 3 : index
    %get3A_571 = arith.constant 0 : index
    %get3A_572 = vector.load %arg4[%get3A_570, %get3A_571] : memref<12x16xf32, #tpu.memory_space<vmem>>, vector<1x16xf32>
    %get3A_573 = vector.shape_cast %get3A_572 : vector<1x16xf32> to vector<16xf32>
    %broadcast_in_dim3A_574 = vector.shape_cast %get3A_573 : vector<16xf32> to vector<1x16xf32>
    %add3A_575 = vector.broadcast %broadcast_in_dim3A_574 : vector<1x16xf32> to vector<256x16xf32>
    %add3A_576 = arith.addf %dot_general3A_569, %add3A_575 : vector<256x16xf32>
    %max3A_577 = arith.constant 0.000000e+00 : f32
    %max3A_578 = vector.broadcast %max3A_577 : f32 to vector<256x16xf32>
    %max3A_579 = arith.maximumf %add3A_576, %max3A_578 : vector<256x16xf32>
    %get3A_580 = arith.constant 0 : index
    %get3A_581 = arith.constant 768 : index
    %get3A_582 = arith.constant 0 : index
    %get3A_583 = vector.load %arg14[%get3A_580, %get3A_581, %get3A_582] : memref<1x2048x2048xbf16, #tpu.memory_space<vmem>>, vector<1x256x2048xbf16>
    %get3A_584 = vector.shape_cast %get3A_583 : vector<1x256x2048xbf16> to vector<256x2048xbf16>
    %dot_general3A_585 = arith.constant dense<0.000000e+00> : vector<256x16xf32>
    %dot_general3A_586 = tpu.matmul %get3A_584, %convert_element_type3A_519, %dot_general3A_585 {dimension_numbers = #tpu.dot_dimension_numbers<[1], [0], [0], [1], [0, 0, 1, 1], [], []>, transpose_lhs_hint = false} : vector<256x2048xbf16>, vector<2048x16xbf16>, vector<256x16xf32> -> vector<256x16xf32>
    %convert_element_type3A_587 = arith.truncf %dot_general3A_586 : vector<256x16xf32> to vector<256x16xbf16>
    %dot_general3A_588 = arith.constant dense<0.000000e+00> : vector<256x16xf32>
    %dot_general3A_589 = tpu.matmul %convert_element_type3A_587, %convert_element_type3A_518, %dot_general3A_588 {dimension_numbers = #tpu.dot_dimension_numbers<[1], [0], [0], [1], [0, 0, 1, 1], [], []>, transpose_lhs_hint = false} : vector<256x16xbf16>, vector<16x16xbf16>, vector<256x16xf32> -> vector<256x16xf32>
    %get3A_590 = arith.constant 3 : index
    %get3A_591 = arith.constant 0 : index
    %get3A_592 = vector.load %arg4[%get3A_590, %get3A_591] : memref<12x16xf32, #tpu.memory_space<vmem>>, vector<1x16xf32>
    %get3A_593 = vector.shape_cast %get3A_592 : vector<1x16xf32> to vector<16xf32>
    %broadcast_in_dim3A_594 = vector.shape_cast %get3A_593 : vector<16xf32> to vector<1x16xf32>
    %add3A_595 = vector.broadcast %broadcast_in_dim3A_594 : vector<1x16xf32> to vector<256x16xf32>
    %add3A_596 = arith.addf %dot_general3A_589, %add3A_595 : vector<256x16xf32>
    %max3A_597 = arith.constant 0.000000e+00 : f32
    %max3A_598 = vector.broadcast %max3A_597 : f32 to vector<256x16xf32>
    %max3A_599 = arith.maximumf %add3A_596, %max3A_598 : vector<256x16xf32>
    %get3A_600 = arith.constant 0 : index
    %get3A_601 = arith.constant 1024 : index
    %get3A_602 = arith.constant 0 : index
    %get3A_603 = vector.load %arg14[%get3A_600, %get3A_601, %get3A_602] : memref<1x2048x2048xbf16, #tpu.memory_space<vmem>>, vector<1x256x2048xbf16>
    %get3A_604 = vector.shape_cast %get3A_603 : vector<1x256x2048xbf16> to vector<256x2048xbf16>
    %dot_general3A_605 = arith.constant dense<0.000000e+00> : vector<256x16xf32>
    %dot_general3A_606 = tpu.matmul %get3A_604, %convert_element_type3A_519, %dot_general3A_605 {dimension_numbers = #tpu.dot_dimension_numbers<[1], [0], [0], [1], [0, 0, 1, 1], [], []>, transpose_lhs_hint = false} : vector<256x2048xbf16>, vector<2048x16xbf16>, vector<256x16xf32> -> vector<256x16xf32>
    %convert_element_type3A_607 = arith.truncf %dot_general3A_606 : vector<256x16xf32> to vector<256x16xbf16>
    %dot_general3A_608 = arith.constant dense<0.000000e+00> : vector<256x16xf32>
    %dot_general3A_609 = tpu.matmul %convert_element_type3A_607, %convert_element_type3A_518, %dot_general3A_608 {dimension_numbers = #tpu.dot_dimension_numbers<[1], [0], [0], [1], [0, 0, 1, 1], [], []>, transpose_lhs_hint = false} : vector<256x16xbf16>, vector<16x16xbf16>, vector<256x16xf32> -> vector<256x16xf32>
    %get3A_610 = arith.constant 3 : index
    %get3A_611 = arith.constant 0 : index
    %get3A_612 = vector.load %arg4[%get3A_610, %get3A_611] : memref<12x16xf32, #tpu.memory_space<vmem>>, vector<1x16xf32>
    %get3A_613 = vector.shape_cast %get3A_612 : vector<1x16xf32> to vector<16xf32>
    %broadcast_in_dim3A_614 = vector.shape_cast %get3A_613 : vector<16xf32> to vector<1x16xf32>
    %add3A_615 = vector.broadcast %broadcast_in_dim3A_614 : vector<1x16xf32> to vector<256x16xf32>
    %add3A_616 = arith.addf %dot_general3A_609, %add3A_615 : vector<256x16xf32>
    %max3A_617 = arith.constant 0.000000e+00 : f32
    %max3A_618 = vector.broadcast %max3A_617 : f32 to vector<256x16xf32>
    %max3A_619 = arith.maximumf %add3A_616, %max3A_618 : vector<256x16xf32>
    %get3A_620 = arith.constant 0 : index
    %get3A_621 = arith.constant 1280 : index
    %get3A_622 = arith.constant 0 : index
    %get3A_623 = vector.load %arg14[%get3A_620, %get3A_621, %get3A_622] : memref<1x2048x2048xbf16, #tpu.memory_space<vmem>>, vector<1x256x2048xbf16>
    %get3A_624 = vector.shape_cast %get3A_623 : vector<1x256x2048xbf16> to vector<256x2048xbf16>
    %dot_general3A_625 = arith.constant dense<0.000000e+00> : vector<256x16xf32>
    %dot_general3A_626 = tpu.matmul %get3A_624, %convert_element_type3A_519, %dot_general3A_625 {dimension_numbers = #tpu.dot_dimension_numbers<[1], [0], [0], [1], [0, 0, 1, 1], [], []>, transpose_lhs_hint = false} : vector<256x2048xbf16>, vector<2048x16xbf16>, vector<256x16xf32> -> vector<256x16xf32>
    %convert_element_type3A_627 = arith.truncf %dot_general3A_626 : vector<256x16xf32> to vector<256x16xbf16>
    %dot_general3A_628 = arith.constant dense<0.000000e+00> : vector<256x16xf32>
    %dot_general3A_629 = tpu.matmul %convert_element_type3A_627, %convert_element_type3A_518, %dot_general3A_628 {dimension_numbers = #tpu.dot_dimension_numbers<[1], [0], [0], [1], [0, 0, 1, 1], [], []>, transpose_lhs_hint = false} : vector<256x16xbf16>, vector<16x16xbf16>, vector<256x16xf32> -> vector<256x16xf32>
    %get3A_630 = arith.constant 3 : index
    %get3A_631 = arith.constant 0 : index
    %get3A_632 = vector.load %arg4[%get3A_630, %get3A_631] : memref<12x16xf32, #tpu.memory_space<vmem>>, vector<1x16xf32>
    %get3A_633 = vector.shape_cast %get3A_632 : vector<1x16xf32> to vector<16xf32>
    %broadcast_in_dim3A_634 = vector.shape_cast %get3A_633 : vector<16xf32> to vector<1x16xf32>
    %add3A_635 = vector.broadcast %broadcast_in_dim3A_634 : vector<1x16xf32> to vector<256x16xf32>
    %add3A_636 = arith.addf %dot_general3A_629, %add3A_635 : vector<256x16xf32>
    %max3A_637 = arith.constant 0.000000e+00 : f32
    %max3A_638 = vector.broadcast %max3A_637 : f32 to vector<256x16xf32>
    %max3A_639 = arith.maximumf %add3A_636, %max3A_638 : vector<256x16xf32>
    %get3A_640 = arith.constant 0 : index
    %get3A_641 = arith.constant 1536 : index
    %get3A_642 = arith.constant 0 : index
    %get3A_643 = vector.load %arg14[%get3A_640, %get3A_641, %get3A_642] : memref<1x2048x2048xbf16, #tpu.memory_space<vmem>>, vector<1x256x2048xbf16>
    %get3A_644 = vector.shape_cast %get3A_643 : vector<1x256x2048xbf16> to vector<256x2048xbf16>
    %dot_general3A_645 = arith.constant dense<0.000000e+00> : vector<256x16xf32>
    %dot_general3A_646 = tpu.matmul %get3A_644, %convert_element_type3A_519, %dot_general3A_645 {dimension_numbers = #tpu.dot_dimension_numbers<[1], [0], [0], [1], [0, 0, 1, 1], [], []>, transpose_lhs_hint = false} : vector<256x2048xbf16>, vector<2048x16xbf16>, vector<256x16xf32> -> vector<256x16xf32>
    %convert_element_type3A_647 = arith.truncf %dot_general3A_646 : vector<256x16xf32> to vector<256x16xbf16>
    %dot_general3A_648 = arith.constant dense<0.000000e+00> : vector<256x16xf32>
    %dot_general3A_649 = tpu.matmul %convert_element_type3A_647, %convert_element_type3A_518, %dot_general3A_648 {dimension_numbers = #tpu.dot_dimension_numbers<[1], [0], [0], [1], [0, 0, 1, 1], [], []>, transpose_lhs_hint = false} : vector<256x16xbf16>, vector<16x16xbf16>, vector<256x16xf32> -> vector<256x16xf32>
    %get3A_650 = arith.constant 3 : index
    %get3A_651 = arith.constant 0 : index
    %get3A_652 = vector.load %arg4[%get3A_650, %get3A_651] : memref<12x16xf32, #tpu.memory_space<vmem>>, vector<1x16xf32>
    %get3A_653 = vector.shape_cast %get3A_652 : vector<1x16xf32> to vector<16xf32>
    %broadcast_in_dim3A_654 = vector.shape_cast %get3A_653 : vector<16xf32> to vector<1x16xf32>
    %add3A_655 = vector.broadcast %broadcast_in_dim3A_654 : vector<1x16xf32> to vector<256x16xf32>
    %add3A_656 = arith.addf %dot_general3A_649, %add3A_655 : vector<256x16xf32>
    %max3A_657 = arith.constant 0.000000e+00 : f32
    %max3A_658 = vector.broadcast %max3A_657 : f32 to vector<256x16xf32>
    %max3A_659 = arith.maximumf %add3A_656, %max3A_658 : vector<256x16xf32>
    %get3A_660 = arith.constant 0 : index
    %get3A_661 = arith.constant 1792 : index
    %get3A_662 = arith.constant 0 : index
    %get3A_663 = vector.load %arg14[%get3A_660, %get3A_661, %get3A_662] : memref<1x2048x2048xbf16, #tpu.memory_space<vmem>>, vector<1x256x2048xbf16>
    %get3A_664 = vector.shape_cast %get3A_663 : vector<1x256x2048xbf16> to vector<256x2048xbf16>
    %dot_general3A_665 = arith.constant dense<0.000000e+00> : vector<256x16xf32>
    %dot_general3A_666 = tpu.matmul %get3A_664, %convert_element_type3A_519, %dot_general3A_665 {dimension_numbers = #tpu.dot_dimension_numbers<[1], [0], [0], [1], [0, 0, 1, 1], [], []>, transpose_lhs_hint = false} : vector<256x2048xbf16>, vector<2048x16xbf16>, vector<256x16xf32> -> vector<256x16xf32>
    %convert_element_type3A_667 = arith.truncf %dot_general3A_666 : vector<256x16xf32> to vector<256x16xbf16>
    %dot_general3A_668 = arith.constant dense<0.000000e+00> : vector<256x16xf32>
    %dot_general3A_669 = tpu.matmul %convert_element_type3A_667, %convert_element_type3A_518, %dot_general3A_668 {dimension_numbers = #tpu.dot_dimension_numbers<[1], [0], [0], [1], [0, 0, 1, 1], [], []>, transpose_lhs_hint = false} : vector<256x16xbf16>, vector<16x16xbf16>, vector<256x16xf32> -> vector<256x16xf32>
    %get3A_670 = arith.constant 3 : index
    %get3A_671 = arith.constant 0 : index
    %get3A_672 = vector.load %arg4[%get3A_670, %get3A_671] : memref<12x16xf32, #tpu.memory_space<vmem>>, vector<1x16xf32>
    %get3A_673 = vector.shape_cast %get3A_672 : vector<1x16xf32> to vector<16xf32>
    %broadcast_in_dim3A_674 = vector.shape_cast %get3A_673 : vector<16xf32> to vector<1x16xf32>
    %add3A_675 = vector.broadcast %broadcast_in_dim3A_674 : vector<1x16xf32> to vector<256x16xf32>
    %add3A_676 = arith.addf %dot_general3A_669, %add3A_675 : vector<256x16xf32>
    %max3A_677 = arith.constant 0.000000e+00 : f32
    %max3A_678 = vector.broadcast %max3A_677 : f32 to vector<256x16xf32>
    %max3A_679 = arith.maximumf %add3A_676, %max3A_678 : vector<256x16xf32>
    %concatenate3A_680 = tpu.concatenate %max3A_539, %max3A_559, %max3A_579, %max3A_599, %max3A_619, %max3A_639, %max3A_659, %max3A_679 in 0 : vector<256x16xf32>, vector<256x16xf32>, vector<256x16xf32>, vector<256x16xf32>, vector<256x16xf32>, vector<256x16xf32>, vector<256x16xf32>, vector<256x16xf32> -> vector<2048x16xf32>
    %get3A_681 = arith.constant 4 : index
    %get3A_682 = arith.constant 0 : index
    %get3A_683 = arith.constant 0 : index
    %get3A_684 = vector.load %arg3[%get3A_681, %get3A_682, %get3A_683] : memref<12x16x16xf32, #tpu.memory_space<vmem>>, vector<1x16x16xf32>
    %get3A_685 = vector.shape_cast %get3A_684 : vector<1x16x16xf32> to vector<16x16xf32>
    %convert_element_type3A_686 = arith.truncf %get3A_685 : vector<16x16xf32> to vector<16x16xbf16>
    %convert_element_type3A_687 = arith.truncf %concatenate3A_680 : vector<2048x16xf32> to vector<2048x16xbf16>
    %get3A_688 = arith.constant 0 : index
    %get3A_689 = arith.constant 0 : index
    %get3A_690 = arith.constant 0 : index
    %get3A_691 = vector.load %arg14[%get3A_688, %get3A_689, %get3A_690] : memref<1x2048x2048xbf16, #tpu.memory_space<vmem>>, vector<1x256x2048xbf16>
    %get3A_692 = vector.shape_cast %get3A_691 : vector<1x256x2048xbf16> to vector<256x2048xbf16>
    %dot_general3A_693 = arith.constant dense<0.000000e+00> : vector<256x16xf32>
    %dot_general3A_694 = tpu.matmul %get3A_692, %convert_element_type3A_687, %dot_general3A_693 {dimension_numbers = #tpu.dot_dimension_numbers<[1], [0], [0], [1], [0, 0, 1, 1], [], []>, transpose_lhs_hint = false} : vector<256x2048xbf16>, vector<2048x16xbf16>, vector<256x16xf32> -> vector<256x16xf32>
    %convert_element_type3A_695 = arith.truncf %dot_general3A_694 : vector<256x16xf32> to vector<256x16xbf16>
    %dot_general3A_696 = arith.constant dense<0.000000e+00> : vector<256x16xf32>
    %dot_general3A_697 = tpu.matmul %convert_element_type3A_695, %convert_element_type3A_686, %dot_general3A_696 {dimension_numbers = #tpu.dot_dimension_numbers<[1], [0], [0], [1], [0, 0, 1, 1], [], []>, transpose_lhs_hint = false} : vector<256x16xbf16>, vector<16x16xbf16>, vector<256x16xf32> -> vector<256x16xf32>
    %get3A_698 = arith.constant 4 : index
    %get3A_699 = arith.constant 0 : index
    %get3A_700 = vector.load %arg4[%get3A_698, %get3A_699] : memref<12x16xf32, #tpu.memory_space<vmem>>, vector<1x16xf32>
    %get3A_701 = vector.shape_cast %get3A_700 : vector<1x16xf32> to vector<16xf32>
    %broadcast_in_dim3A_702 = vector.shape_cast %get3A_701 : vector<16xf32> to vector<1x16xf32>
    %add3A_703 = vector.broadcast %broadcast_in_dim3A_702 : vector<1x16xf32> to vector<256x16xf32>
    %add3A_704 = arith.addf %dot_general3A_697, %add3A_703 : vector<256x16xf32>
    %max3A_705 = arith.constant 0.000000e+00 : f32
    %max3A_706 = vector.broadcast %max3A_705 : f32 to vector<256x16xf32>
    %max3A_707 = arith.maximumf %add3A_704, %max3A_706 : vector<256x16xf32>
    %get3A_708 = arith.constant 0 : index
    %get3A_709 = arith.constant 256 : index
    %get3A_710 = arith.constant 0 : index
    %get3A_711 = vector.load %arg14[%get3A_708, %get3A_709, %get3A_710] : memref<1x2048x2048xbf16, #tpu.memory_space<vmem>>, vector<1x256x2048xbf16>
    %get3A_712 = vector.shape_cast %get3A_711 : vector<1x256x2048xbf16> to vector<256x2048xbf16>
    %dot_general3A_713 = arith.constant dense<0.000000e+00> : vector<256x16xf32>
    %dot_general3A_714 = tpu.matmul %get3A_712, %convert_element_type3A_687, %dot_general3A_713 {dimension_numbers = #tpu.dot_dimension_numbers<[1], [0], [0], [1], [0, 0, 1, 1], [], []>, transpose_lhs_hint = false} : vector<256x2048xbf16>, vector<2048x16xbf16>, vector<256x16xf32> -> vector<256x16xf32>
    %convert_element_type3A_715 = arith.truncf %dot_general3A_714 : vector<256x16xf32> to vector<256x16xbf16>
    %dot_general3A_716 = arith.constant dense<0.000000e+00> : vector<256x16xf32>
    %dot_general3A_717 = tpu.matmul %convert_element_type3A_715, %convert_element_type3A_686, %dot_general3A_716 {dimension_numbers = #tpu.dot_dimension_numbers<[1], [0], [0], [1], [0, 0, 1, 1], [], []>, transpose_lhs_hint = false} : vector<256x16xbf16>, vector<16x16xbf16>, vector<256x16xf32> -> vector<256x16xf32>
    %get3A_718 = arith.constant 4 : index
    %get3A_719 = arith.constant 0 : index
    %get3A_720 = vector.load %arg4[%get3A_718, %get3A_719] : memref<12x16xf32, #tpu.memory_space<vmem>>, vector<1x16xf32>
    %get3A_721 = vector.shape_cast %get3A_720 : vector<1x16xf32> to vector<16xf32>
    %broadcast_in_dim3A_722 = vector.shape_cast %get3A_721 : vector<16xf32> to vector<1x16xf32>
    %add3A_723 = vector.broadcast %broadcast_in_dim3A_722 : vector<1x16xf32> to vector<256x16xf32>
    %add3A_724 = arith.addf %dot_general3A_717, %add3A_723 : vector<256x16xf32>
    %max3A_725 = arith.constant 0.000000e+00 : f32
    %max3A_726 = vector.broadcast %max3A_725 : f32 to vector<256x16xf32>
    %max3A_727 = arith.maximumf %add3A_724, %max3A_726 : vector<256x16xf32>
    %get3A_728 = arith.constant 0 : index
    %get3A_729 = arith.constant 512 : index
    %get3A_730 = arith.constant 0 : index
    %get3A_731 = vector.load %arg14[%get3A_728, %get3A_729, %get3A_730] : memref<1x2048x2048xbf16, #tpu.memory_space<vmem>>, vector<1x256x2048xbf16>
    %get3A_732 = vector.shape_cast %get3A_731 : vector<1x256x2048xbf16> to vector<256x2048xbf16>
    %dot_general3A_733 = arith.constant dense<0.000000e+00> : vector<256x16xf32>
    %dot_general3A_734 = tpu.matmul %get3A_732, %convert_element_type3A_687, %dot_general3A_733 {dimension_numbers = #tpu.dot_dimension_numbers<[1], [0], [0], [1], [0, 0, 1, 1], [], []>, transpose_lhs_hint = false} : vector<256x2048xbf16>, vector<2048x16xbf16>, vector<256x16xf32> -> vector<256x16xf32>
    %convert_element_type3A_735 = arith.truncf %dot_general3A_734 : vector<256x16xf32> to vector<256x16xbf16>
    %dot_general3A_736 = arith.constant dense<0.000000e+00> : vector<256x16xf32>
    %dot_general3A_737 = tpu.matmul %convert_element_type3A_735, %convert_element_type3A_686, %dot_general3A_736 {dimension_numbers = #tpu.dot_dimension_numbers<[1], [0], [0], [1], [0, 0, 1, 1], [], []>, transpose_lhs_hint = false} : vector<256x16xbf16>, vector<16x16xbf16>, vector<256x16xf32> -> vector<256x16xf32>
    %get3A_738 = arith.constant 4 : index
    %get3A_739 = arith.constant 0 : index
    %get3A_740 = vector.load %arg4[%get3A_738, %get3A_739] : memref<12x16xf32, #tpu.memory_space<vmem>>, vector<1x16xf32>
    %get3A_741 = vector.shape_cast %get3A_740 : vector<1x16xf32> to vector<16xf32>
    %broadcast_in_dim3A_742 = vector.shape_cast %get3A_741 : vector<16xf32> to vector<1x16xf32>
    %add3A_743 = vector.broadcast %broadcast_in_dim3A_742 : vector<1x16xf32> to vector<256x16xf32>
    %add3A_744 = arith.addf %dot_general3A_737, %add3A_743 : vector<256x16xf32>
    %max3A_745 = arith.constant 0.000000e+00 : f32
    %max3A_746 = vector.broadcast %max3A_745 : f32 to vector<256x16xf32>
    %max3A_747 = arith.maximumf %add3A_744, %max3A_746 : vector<256x16xf32>
    %get3A_748 = arith.constant 0 : index
    %get3A_749 = arith.constant 768 : index
    %get3A_750 = arith.constant 0 : index
    %get3A_751 = vector.load %arg14[%get3A_748, %get3A_749, %get3A_750] : memref<1x2048x2048xbf16, #tpu.memory_space<vmem>>, vector<1x256x2048xbf16>
    %get3A_752 = vector.shape_cast %get3A_751 : vector<1x256x2048xbf16> to vector<256x2048xbf16>
    %dot_general3A_753 = arith.constant dense<0.000000e+00> : vector<256x16xf32>
    %dot_general3A_754 = tpu.matmul %get3A_752, %convert_element_type3A_687, %dot_general3A_753 {dimension_numbers = #tpu.dot_dimension_numbers<[1], [0], [0], [1], [0, 0, 1, 1], [], []>, transpose_lhs_hint = false} : vector<256x2048xbf16>, vector<2048x16xbf16>, vector<256x16xf32> -> vector<256x16xf32>
    %convert_element_type3A_755 = arith.truncf %dot_general3A_754 : vector<256x16xf32> to vector<256x16xbf16>
    %dot_general3A_756 = arith.constant dense<0.000000e+00> : vector<256x16xf32>
    %dot_general3A_757 = tpu.matmul %convert_element_type3A_755, %convert_element_type3A_686, %dot_general3A_756 {dimension_numbers = #tpu.dot_dimension_numbers<[1], [0], [0], [1], [0, 0, 1, 1], [], []>, transpose_lhs_hint = false} : vector<256x16xbf16>, vector<16x16xbf16>, vector<256x16xf32> -> vector<256x16xf32>
    %get3A_758 = arith.constant 4 : index
    %get3A_759 = arith.constant 0 : index
    %get3A_760 = vector.load %arg4[%get3A_758, %get3A_759] : memref<12x16xf32, #tpu.memory_space<vmem>>, vector<1x16xf32>
    %get3A_761 = vector.shape_cast %get3A_760 : vector<1x16xf32> to vector<16xf32>
    %broadcast_in_dim3A_762 = vector.shape_cast %get3A_761 : vector<16xf32> to vector<1x16xf32>
    %add3A_763 = vector.broadcast %broadcast_in_dim3A_762 : vector<1x16xf32> to vector<256x16xf32>
    %add3A_764 = arith.addf %dot_general3A_757, %add3A_763 : vector<256x16xf32>
    %max3A_765 = arith.constant 0.000000e+00 : f32
    %max3A_766 = vector.broadcast %max3A_765 : f32 to vector<256x16xf32>
    %max3A_767 = arith.maximumf %add3A_764, %max3A_766 : vector<256x16xf32>
    %get3A_768 = arith.constant 0 : index
    %get3A_769 = arith.constant 1024 : index
    %get3A_770 = arith.constant 0 : index
    %get3A_771 = vector.load %arg14[%get3A_768, %get3A_769, %get3A_770] : memref<1x2048x2048xbf16, #tpu.memory_space<vmem>>, vector<1x256x2048xbf16>
    %get3A_772 = vector.shape_cast %get3A_771 : vector<1x256x2048xbf16> to vector<256x2048xbf16>
    %dot_general3A_773 = arith.constant dense<0.000000e+00> : vector<256x16xf32>
    %dot_general3A_774 = tpu.matmul %get3A_772, %convert_element_type3A_687, %dot_general3A_773 {dimension_numbers = #tpu.dot_dimension_numbers<[1], [0], [0], [1], [0, 0, 1, 1], [], []>, transpose_lhs_hint = false} : vector<256x2048xbf16>, vector<2048x16xbf16>, vector<256x16xf32> -> vector<256x16xf32>
    %convert_element_type3A_775 = arith.truncf %dot_general3A_774 : vector<256x16xf32> to vector<256x16xbf16>
    %dot_general3A_776 = arith.constant dense<0.000000e+00> : vector<256x16xf32>
    %dot_general3A_777 = tpu.matmul %convert_element_type3A_775, %convert_element_type3A_686, %dot_general3A_776 {dimension_numbers = #tpu.dot_dimension_numbers<[1], [0], [0], [1], [0, 0, 1, 1], [], []>, transpose_lhs_hint = false} : vector<256x16xbf16>, vector<16x16xbf16>, vector<256x16xf32> -> vector<256x16xf32>
    %get3A_778 = arith.constant 4 : index
    %get3A_779 = arith.constant 0 : index
    %get3A_780 = vector.load %arg4[%get3A_778, %get3A_779] : memref<12x16xf32, #tpu.memory_space<vmem>>, vector<1x16xf32>
    %get3A_781 = vector.shape_cast %get3A_780 : vector<1x16xf32> to vector<16xf32>
    %broadcast_in_dim3A_782 = vector.shape_cast %get3A_781 : vector<16xf32> to vector<1x16xf32>
    %add3A_783 = vector.broadcast %broadcast_in_dim3A_782 : vector<1x16xf32> to vector<256x16xf32>
    %add3A_784 = arith.addf %dot_general3A_777, %add3A_783 : vector<256x16xf32>
    %max3A_785 = arith.constant 0.000000e+00 : f32
    %max3A_786 = vector.broadcast %max3A_785 : f32 to vector<256x16xf32>
    %max3A_787 = arith.maximumf %add3A_784, %max3A_786 : vector<256x16xf32>
    %get3A_788 = arith.constant 0 : index
    %get3A_789 = arith.constant 1280 : index
    %get3A_790 = arith.constant 0 : index
    %get3A_791 = vector.load %arg14[%get3A_788, %get3A_789, %get3A_790] : memref<1x2048x2048xbf16, #tpu.memory_space<vmem>>, vector<1x256x2048xbf16>
    %get3A_792 = vector.shape_cast %get3A_791 : vector<1x256x2048xbf16> to vector<256x2048xbf16>
    %dot_general3A_793 = arith.constant dense<0.000000e+00> : vector<256x16xf32>
    %dot_general3A_794 = tpu.matmul %get3A_792, %convert_element_type3A_687, %dot_general3A_793 {dimension_numbers = #tpu.dot_dimension_numbers<[1], [0], [0], [1], [0, 0, 1, 1], [], []>, transpose_lhs_hint = false} : vector<256x2048xbf16>, vector<2048x16xbf16>, vector<256x16xf32> -> vector<256x16xf32>
    %convert_element_type3A_795 = arith.truncf %dot_general3A_794 : vector<256x16xf32> to vector<256x16xbf16>
    %dot_general3A_796 = arith.constant dense<0.000000e+00> : vector<256x16xf32>
    %dot_general3A_797 = tpu.matmul %convert_element_type3A_795, %convert_element_type3A_686, %dot_general3A_796 {dimension_numbers = #tpu.dot_dimension_numbers<[1], [0], [0], [1], [0, 0, 1, 1], [], []>, transpose_lhs_hint = false} : vector<256x16xbf16>, vector<16x16xbf16>, vector<256x16xf32> -> vector<256x16xf32>
    %get3A_798 = arith.constant 4 : index
    %get3A_799 = arith.constant 0 : index
    %get3A_800 = vector.load %arg4[%get3A_798, %get3A_799] : memref<12x16xf32, #tpu.memory_space<vmem>>, vector<1x16xf32>
    %get3A_801 = vector.shape_cast %get3A_800 : vector<1x16xf32> to vector<16xf32>
    %broadcast_in_dim3A_802 = vector.shape_cast %get3A_801 : vector<16xf32> to vector<1x16xf32>
    %add3A_803 = vector.broadcast %broadcast_in_dim3A_802 : vector<1x16xf32> to vector<256x16xf32>
    %add3A_804 = arith.addf %dot_general3A_797, %add3A_803 : vector<256x16xf32>
    %max3A_805 = arith.constant 0.000000e+00 : f32
    %max3A_806 = vector.broadcast %max3A_805 : f32 to vector<256x16xf32>
    %max3A_807 = arith.maximumf %add3A_804, %max3A_806 : vector<256x16xf32>
    %get3A_808 = arith.constant 0 : index
    %get3A_809 = arith.constant 1536 : index
    %get3A_810 = arith.constant 0 : index
    %get3A_811 = vector.load %arg14[%get3A_808, %get3A_809, %get3A_810] : memref<1x2048x2048xbf16, #tpu.memory_space<vmem>>, vector<1x256x2048xbf16>
    %get3A_812 = vector.shape_cast %get3A_811 : vector<1x256x2048xbf16> to vector<256x2048xbf16>
    %dot_general3A_813 = arith.constant dense<0.000000e+00> : vector<256x16xf32>
    %dot_general3A_814 = tpu.matmul %get3A_812, %convert_element_type3A_687, %dot_general3A_813 {dimension_numbers = #tpu.dot_dimension_numbers<[1], [0], [0], [1], [0, 0, 1, 1], [], []>, transpose_lhs_hint = false} : vector<256x2048xbf16>, vector<2048x16xbf16>, vector<256x16xf32> -> vector<256x16xf32>
    %convert_element_type3A_815 = arith.truncf %dot_general3A_814 : vector<256x16xf32> to vector<256x16xbf16>
    %dot_general3A_816 = arith.constant dense<0.000000e+00> : vector<256x16xf32>
    %dot_general3A_817 = tpu.matmul %convert_element_type3A_815, %convert_element_type3A_686, %dot_general3A_816 {dimension_numbers = #tpu.dot_dimension_numbers<[1], [0], [0], [1], [0, 0, 1, 1], [], []>, transpose_lhs_hint = false} : vector<256x16xbf16>, vector<16x16xbf16>, vector<256x16xf32> -> vector<256x16xf32>
    %get3A_818 = arith.constant 4 : index
    %get3A_819 = arith.constant 0 : index
    %get3A_820 = vector.load %arg4[%get3A_818, %get3A_819] : memref<12x16xf32, #tpu.memory_space<vmem>>, vector<1x16xf32>
    %get3A_821 = vector.shape_cast %get3A_820 : vector<1x16xf32> to vector<16xf32>
    %broadcast_in_dim3A_822 = vector.shape_cast %get3A_821 : vector<16xf32> to vector<1x16xf32>
    %add3A_823 = vector.broadcast %broadcast_in_dim3A_822 : vector<1x16xf32> to vector<256x16xf32>
    %add3A_824 = arith.addf %dot_general3A_817, %add3A_823 : vector<256x16xf32>
    %max3A_825 = arith.constant 0.000000e+00 : f32
    %max3A_826 = vector.broadcast %max3A_825 : f32 to vector<256x16xf32>
    %max3A_827 = arith.maximumf %add3A_824, %max3A_826 : vector<256x16xf32>
    %get3A_828 = arith.constant 0 : index
    %get3A_829 = arith.constant 1792 : index
    %get3A_830 = arith.constant 0 : index
    %get3A_831 = vector.load %arg14[%get3A_828, %get3A_829, %get3A_830] : memref<1x2048x2048xbf16, #tpu.memory_space<vmem>>, vector<1x256x2048xbf16>
    %get3A_832 = vector.shape_cast %get3A_831 : vector<1x256x2048xbf16> to vector<256x2048xbf16>
    %dot_general3A_833 = arith.constant dense<0.000000e+00> : vector<256x16xf32>
    %dot_general3A_834 = tpu.matmul %get3A_832, %convert_element_type3A_687, %dot_general3A_833 {dimension_numbers = #tpu.dot_dimension_numbers<[1], [0], [0], [1], [0, 0, 1, 1], [], []>, transpose_lhs_hint = false} : vector<256x2048xbf16>, vector<2048x16xbf16>, vector<256x16xf32> -> vector<256x16xf32>
    %convert_element_type3A_835 = arith.truncf %dot_general3A_834 : vector<256x16xf32> to vector<256x16xbf16>
    %dot_general3A_836 = arith.constant dense<0.000000e+00> : vector<256x16xf32>
    %dot_general3A_837 = tpu.matmul %convert_element_type3A_835, %convert_element_type3A_686, %dot_general3A_836 {dimension_numbers = #tpu.dot_dimension_numbers<[1], [0], [0], [1], [0, 0, 1, 1], [], []>, transpose_lhs_hint = false} : vector<256x16xbf16>, vector<16x16xbf16>, vector<256x16xf32> -> vector<256x16xf32>
    %get3A_838 = arith.constant 4 : index
    %get3A_839 = arith.constant 0 : index
    %get3A_840 = vector.load %arg4[%get3A_838, %get3A_839] : memref<12x16xf32, #tpu.memory_space<vmem>>, vector<1x16xf32>
    %get3A_841 = vector.shape_cast %get3A_840 : vector<1x16xf32> to vector<16xf32>
    %broadcast_in_dim3A_842 = vector.shape_cast %get3A_841 : vector<16xf32> to vector<1x16xf32>
    %add3A_843 = vector.broadcast %broadcast_in_dim3A_842 : vector<1x16xf32> to vector<256x16xf32>
    %add3A_844 = arith.addf %dot_general3A_837, %add3A_843 : vector<256x16xf32>
    %max3A_845 = arith.constant 0.000000e+00 : f32
    %max3A_846 = vector.broadcast %max3A_845 : f32 to vector<256x16xf32>
    %max3A_847 = arith.maximumf %add3A_844, %max3A_846 : vector<256x16xf32>
    %concatenate3A_848 = tpu.concatenate %max3A_707, %max3A_727, %max3A_747, %max3A_767, %max3A_787, %max3A_807, %max3A_827, %max3A_847 in 0 : vector<256x16xf32>, vector<256x16xf32>, vector<256x16xf32>, vector<256x16xf32>, vector<256x16xf32>, vector<256x16xf32>, vector<256x16xf32>, vector<256x16xf32> -> vector<2048x16xf32>
    %get3A_849 = arith.constant 5 : index
    %get3A_850 = arith.constant 0 : index
    %get3A_851 = arith.constant 0 : index
    %get3A_852 = vector.load %arg3[%get3A_849, %get3A_850, %get3A_851] : memref<12x16x16xf32, #tpu.memory_space<vmem>>, vector<1x16x16xf32>
    %get3A_853 = vector.shape_cast %get3A_852 : vector<1x16x16xf32> to vector<16x16xf32>
    %convert_element_type3A_854 = arith.truncf %get3A_853 : vector<16x16xf32> to vector<16x16xbf16>
    %convert_element_type3A_855 = arith.truncf %concatenate3A_848 : vector<2048x16xf32> to vector<2048x16xbf16>
    %get3A_856 = arith.constant 0 : index
    %get3A_857 = arith.constant 0 : index
    %get3A_858 = arith.constant 0 : index
    %get3A_859 = vector.load %arg14[%get3A_856, %get3A_857, %get3A_858] : memref<1x2048x2048xbf16, #tpu.memory_space<vmem>>, vector<1x256x2048xbf16>
    %get3A_860 = vector.shape_cast %get3A_859 : vector<1x256x2048xbf16> to vector<256x2048xbf16>
    %dot_general3A_861 = arith.constant dense<0.000000e+00> : vector<256x16xf32>
    %dot_general3A_862 = tpu.matmul %get3A_860, %convert_element_type3A_855, %dot_general3A_861 {dimension_numbers = #tpu.dot_dimension_numbers<[1], [0], [0], [1], [0, 0, 1, 1], [], []>, transpose_lhs_hint = false} : vector<256x2048xbf16>, vector<2048x16xbf16>, vector<256x16xf32> -> vector<256x16xf32>
    %convert_element_type3A_863 = arith.truncf %dot_general3A_862 : vector<256x16xf32> to vector<256x16xbf16>
    %dot_general3A_864 = arith.constant dense<0.000000e+00> : vector<256x16xf32>
    %dot_general3A_865 = tpu.matmul %convert_element_type3A_863, %convert_element_type3A_854, %dot_general3A_864 {dimension_numbers = #tpu.dot_dimension_numbers<[1], [0], [0], [1], [0, 0, 1, 1], [], []>, transpose_lhs_hint = false} : vector<256x16xbf16>, vector<16x16xbf16>, vector<256x16xf32> -> vector<256x16xf32>
    %get3A_866 = arith.constant 5 : index
    %get3A_867 = arith.constant 0 : index
    %get3A_868 = vector.load %arg4[%get3A_866, %get3A_867] : memref<12x16xf32, #tpu.memory_space<vmem>>, vector<1x16xf32>
    %get3A_869 = vector.shape_cast %get3A_868 : vector<1x16xf32> to vector<16xf32>
    %broadcast_in_dim3A_870 = vector.shape_cast %get3A_869 : vector<16xf32> to vector<1x16xf32>
    %add3A_871 = vector.broadcast %broadcast_in_dim3A_870 : vector<1x16xf32> to vector<256x16xf32>
    %add3A_872 = arith.addf %dot_general3A_865, %add3A_871 : vector<256x16xf32>
    %max3A_873 = arith.constant 0.000000e+00 : f32
    %max3A_874 = vector.broadcast %max3A_873 : f32 to vector<256x16xf32>
    %max3A_875 = arith.maximumf %add3A_872, %max3A_874 : vector<256x16xf32>
    %get3A_876 = arith.constant 0 : index
    %get3A_877 = arith.constant 256 : index
    %get3A_878 = arith.constant 0 : index
    %get3A_879 = vector.load %arg14[%get3A_876, %get3A_877, %get3A_878] : memref<1x2048x2048xbf16, #tpu.memory_space<vmem>>, vector<1x256x2048xbf16>
    %get3A_880 = vector.shape_cast %get3A_879 : vector<1x256x2048xbf16> to vector<256x2048xbf16>
    %dot_general3A_881 = arith.constant dense<0.000000e+00> : vector<256x16xf32>
    %dot_general3A_882 = tpu.matmul %get3A_880, %convert_element_type3A_855, %dot_general3A_881 {dimension_numbers = #tpu.dot_dimension_numbers<[1], [0], [0], [1], [0, 0, 1, 1], [], []>, transpose_lhs_hint = false} : vector<256x2048xbf16>, vector<2048x16xbf16>, vector<256x16xf32> -> vector<256x16xf32>
    %convert_element_type3A_883 = arith.truncf %dot_general3A_882 : vector<256x16xf32> to vector<256x16xbf16>
    %dot_general3A_884 = arith.constant dense<0.000000e+00> : vector<256x16xf32>
    %dot_general3A_885 = tpu.matmul %convert_element_type3A_883, %convert_element_type3A_854, %dot_general3A_884 {dimension_numbers = #tpu.dot_dimension_numbers<[1], [0], [0], [1], [0, 0, 1, 1], [], []>, transpose_lhs_hint = false} : vector<256x16xbf16>, vector<16x16xbf16>, vector<256x16xf32> -> vector<256x16xf32>
    %get3A_886 = arith.constant 5 : index
    %get3A_887 = arith.constant 0 : index
    %get3A_888 = vector.load %arg4[%get3A_886, %get3A_887] : memref<12x16xf32, #tpu.memory_space<vmem>>, vector<1x16xf32>
    %get3A_889 = vector.shape_cast %get3A_888 : vector<1x16xf32> to vector<16xf32>
    %broadcast_in_dim3A_890 = vector.shape_cast %get3A_889 : vector<16xf32> to vector<1x16xf32>
    %add3A_891 = vector.broadcast %broadcast_in_dim3A_890 : vector<1x16xf32> to vector<256x16xf32>
    %add3A_892 = arith.addf %dot_general3A_885, %add3A_891 : vector<256x16xf32>
    %max3A_893 = arith.constant 0.000000e+00 : f32
    %max3A_894 = vector.broadcast %max3A_893 : f32 to vector<256x16xf32>
    %max3A_895 = arith.maximumf %add3A_892, %max3A_894 : vector<256x16xf32>
    %get3A_896 = arith.constant 0 : index
    %get3A_897 = arith.constant 512 : index
    %get3A_898 = arith.constant 0 : index
    %get3A_899 = vector.load %arg14[%get3A_896, %get3A_897, %get3A_898] : memref<1x2048x2048xbf16, #tpu.memory_space<vmem>>, vector<1x256x2048xbf16>
    %get3A_900 = vector.shape_cast %get3A_899 : vector<1x256x2048xbf16> to vector<256x2048xbf16>
    %dot_general3A_901 = arith.constant dense<0.000000e+00> : vector<256x16xf32>
    %dot_general3A_902 = tpu.matmul %get3A_900, %convert_element_type3A_855, %dot_general3A_901 {dimension_numbers = #tpu.dot_dimension_numbers<[1], [0], [0], [1], [0, 0, 1, 1], [], []>, transpose_lhs_hint = false} : vector<256x2048xbf16>, vector<2048x16xbf16>, vector<256x16xf32> -> vector<256x16xf32>
    %convert_element_type3A_903 = arith.truncf %dot_general3A_902 : vector<256x16xf32> to vector<256x16xbf16>
    %dot_general3A_904 = arith.constant dense<0.000000e+00> : vector<256x16xf32>
    %dot_general3A_905 = tpu.matmul %convert_element_type3A_903, %convert_element_type3A_854, %dot_general3A_904 {dimension_numbers = #tpu.dot_dimension_numbers<[1], [0], [0], [1], [0, 0, 1, 1], [], []>, transpose_lhs_hint = false} : vector<256x16xbf16>, vector<16x16xbf16>, vector<256x16xf32> -> vector<256x16xf32>
    %get3A_906 = arith.constant 5 : index
    %get3A_907 = arith.constant 0 : index
    %get3A_908 = vector.load %arg4[%get3A_906, %get3A_907] : memref<12x16xf32, #tpu.memory_space<vmem>>, vector<1x16xf32>
    %get3A_909 = vector.shape_cast %get3A_908 : vector<1x16xf32> to vector<16xf32>
    %broadcast_in_dim3A_910 = vector.shape_cast %get3A_909 : vector<16xf32> to vector<1x16xf32>
    %add3A_911 = vector.broadcast %broadcast_in_dim3A_910 : vector<1x16xf32> to vector<256x16xf32>
    %add3A_912 = arith.addf %dot_general3A_905, %add3A_911 : vector<256x16xf32>
    %max3A_913 = arith.constant 0.000000e+00 : f32
    %max3A_914 = vector.broadcast %max3A_913 : f32 to vector<256x16xf32>
    %max3A_915 = arith.maximumf %add3A_912, %max3A_914 : vector<256x16xf32>
    %get3A_916 = arith.constant 0 : index
    %get3A_917 = arith.constant 768 : index
    %get3A_918 = arith.constant 0 : index
    %get3A_919 = vector.load %arg14[%get3A_916, %get3A_917, %get3A_918] : memref<1x2048x2048xbf16, #tpu.memory_space<vmem>>, vector<1x256x2048xbf16>
    %get3A_920 = vector.shape_cast %get3A_919 : vector<1x256x2048xbf16> to vector<256x2048xbf16>
    %dot_general3A_921 = arith.constant dense<0.000000e+00> : vector<256x16xf32>
    %dot_general3A_922 = tpu.matmul %get3A_920, %convert_element_type3A_855, %dot_general3A_921 {dimension_numbers = #tpu.dot_dimension_numbers<[1], [0], [0], [1], [0, 0, 1, 1], [], []>, transpose_lhs_hint = false} : vector<256x2048xbf16>, vector<2048x16xbf16>, vector<256x16xf32> -> vector<256x16xf32>
    %convert_element_type3A_923 = arith.truncf %dot_general3A_922 : vector<256x16xf32> to vector<256x16xbf16>
    %dot_general3A_924 = arith.constant dense<0.000000e+00> : vector<256x16xf32>
    %dot_general3A_925 = tpu.matmul %convert_element_type3A_923, %convert_element_type3A_854, %dot_general3A_924 {dimension_numbers = #tpu.dot_dimension_numbers<[1], [0], [0], [1], [0, 0, 1, 1], [], []>, transpose_lhs_hint = false} : vector<256x16xbf16>, vector<16x16xbf16>, vector<256x16xf32> -> vector<256x16xf32>
    %get3A_926 = arith.constant 5 : index
    %get3A_927 = arith.constant 0 : index
    %get3A_928 = vector.load %arg4[%get3A_926, %get3A_927] : memref<12x16xf32, #tpu.memory_space<vmem>>, vector<1x16xf32>
    %get3A_929 = vector.shape_cast %get3A_928 : vector<1x16xf32> to vector<16xf32>
    %broadcast_in_dim3A_930 = vector.shape_cast %get3A_929 : vector<16xf32> to vector<1x16xf32>
    %add3A_931 = vector.broadcast %broadcast_in_dim3A_930 : vector<1x16xf32> to vector<256x16xf32>
    %add3A_932 = arith.addf %dot_general3A_925, %add3A_931 : vector<256x16xf32>
    %max3A_933 = arith.constant 0.000000e+00 : f32
    %max3A_934 = vector.broadcast %max3A_933 : f32 to vector<256x16xf32>
    %max3A_935 = arith.maximumf %add3A_932, %max3A_934 : vector<256x16xf32>
    %get3A_936 = arith.constant 0 : index
    %get3A_937 = arith.constant 1024 : index
    %get3A_938 = arith.constant 0 : index
    %get3A_939 = vector.load %arg14[%get3A_936, %get3A_937, %get3A_938] : memref<1x2048x2048xbf16, #tpu.memory_space<vmem>>, vector<1x256x2048xbf16>
    %get3A_940 = vector.shape_cast %get3A_939 : vector<1x256x2048xbf16> to vector<256x2048xbf16>
    %dot_general3A_941 = arith.constant dense<0.000000e+00> : vector<256x16xf32>
    %dot_general3A_942 = tpu.matmul %get3A_940, %convert_element_type3A_855, %dot_general3A_941 {dimension_numbers = #tpu.dot_dimension_numbers<[1], [0], [0], [1], [0, 0, 1, 1], [], []>, transpose_lhs_hint = false} : vector<256x2048xbf16>, vector<2048x16xbf16>, vector<256x16xf32> -> vector<256x16xf32>
    %convert_element_type3A_943 = arith.truncf %dot_general3A_942 : vector<256x16xf32> to vector<256x16xbf16>
    %dot_general3A_944 = arith.constant dense<0.000000e+00> : vector<256x16xf32>
    %dot_general3A_945 = tpu.matmul %convert_element_type3A_943, %convert_element_type3A_854, %dot_general3A_944 {dimension_numbers = #tpu.dot_dimension_numbers<[1], [0], [0], [1], [0, 0, 1, 1], [], []>, transpose_lhs_hint = false} : vector<256x16xbf16>, vector<16x16xbf16>, vector<256x16xf32> -> vector<256x16xf32>
    %get3A_946 = arith.constant 5 : index
    %get3A_947 = arith.constant 0 : index
    %get3A_948 = vector.load %arg4[%get3A_946, %get3A_947] : memref<12x16xf32, #tpu.memory_space<vmem>>, vector<1x16xf32>
    %get3A_949 = vector.shape_cast %get3A_948 : vector<1x16xf32> to vector<16xf32>
    %broadcast_in_dim3A_950 = vector.shape_cast %get3A_949 : vector<16xf32> to vector<1x16xf32>
    %add3A_951 = vector.broadcast %broadcast_in_dim3A_950 : vector<1x16xf32> to vector<256x16xf32>
    %add3A_952 = arith.addf %dot_general3A_945, %add3A_951 : vector<256x16xf32>
    %max3A_953 = arith.constant 0.000000e+00 : f32
    %max3A_954 = vector.broadcast %max3A_953 : f32 to vector<256x16xf32>
    %max3A_955 = arith.maximumf %add3A_952, %max3A_954 : vector<256x16xf32>
    %get3A_956 = arith.constant 0 : index
    %get3A_957 = arith.constant 1280 : index
    %get3A_958 = arith.constant 0 : index
    %get3A_959 = vector.load %arg14[%get3A_956, %get3A_957, %get3A_958] : memref<1x2048x2048xbf16, #tpu.memory_space<vmem>>, vector<1x256x2048xbf16>
    %get3A_960 = vector.shape_cast %get3A_959 : vector<1x256x2048xbf16> to vector<256x2048xbf16>
    %dot_general3A_961 = arith.constant dense<0.000000e+00> : vector<256x16xf32>
    %dot_general3A_962 = tpu.matmul %get3A_960, %convert_element_type3A_855, %dot_general3A_961 {dimension_numbers = #tpu.dot_dimension_numbers<[1], [0], [0], [1], [0, 0, 1, 1], [], []>, transpose_lhs_hint = false} : vector<256x2048xbf16>, vector<2048x16xbf16>, vector<256x16xf32> -> vector<256x16xf32>
    %convert_element_type3A_963 = arith.truncf %dot_general3A_962 : vector<256x16xf32> to vector<256x16xbf16>
    %dot_general3A_964 = arith.constant dense<0.000000e+00> : vector<256x16xf32>
    %dot_general3A_965 = tpu.matmul %convert_element_type3A_963, %convert_element_type3A_854, %dot_general3A_964 {dimension_numbers = #tpu.dot_dimension_numbers<[1], [0], [0], [1], [0, 0, 1, 1], [], []>, transpose_lhs_hint = false} : vector<256x16xbf16>, vector<16x16xbf16>, vector<256x16xf32> -> vector<256x16xf32>
    %get3A_966 = arith.constant 5 : index
    %get3A_967 = arith.constant 0 : index
    %get3A_968 = vector.load %arg4[%get3A_966, %get3A_967] : memref<12x16xf32, #tpu.memory_space<vmem>>, vector<1x16xf32>
    %get3A_969 = vector.shape_cast %get3A_968 : vector<1x16xf32> to vector<16xf32>
    %broadcast_in_dim3A_970 = vector.shape_cast %get3A_969 : vector<16xf32> to vector<1x16xf32>
    %add3A_971 = vector.broadcast %broadcast_in_dim3A_970 : vector<1x16xf32> to vector<256x16xf32>
    %add3A_972 = arith.addf %dot_general3A_965, %add3A_971 : vector<256x16xf32>
    %max3A_973 = arith.constant 0.000000e+00 : f32
    %max3A_974 = vector.broadcast %max3A_973 : f32 to vector<256x16xf32>
    %max3A_975 = arith.maximumf %add3A_972, %max3A_974 : vector<256x16xf32>
    %get3A_976 = arith.constant 0 : index
    %get3A_977 = arith.constant 1536 : index
    %get3A_978 = arith.constant 0 : index
    %get3A_979 = vector.load %arg14[%get3A_976, %get3A_977, %get3A_978] : memref<1x2048x2048xbf16, #tpu.memory_space<vmem>>, vector<1x256x2048xbf16>
    %get3A_980 = vector.shape_cast %get3A_979 : vector<1x256x2048xbf16> to vector<256x2048xbf16>
    %dot_general3A_981 = arith.constant dense<0.000000e+00> : vector<256x16xf32>
    %dot_general3A_982 = tpu.matmul %get3A_980, %convert_element_type3A_855, %dot_general3A_981 {dimension_numbers = #tpu.dot_dimension_numbers<[1], [0], [0], [1], [0, 0, 1, 1], [], []>, transpose_lhs_hint = false} : vector<256x2048xbf16>, vector<2048x16xbf16>, vector<256x16xf32> -> vector<256x16xf32>
    %convert_element_type3A_983 = arith.truncf %dot_general3A_982 : vector<256x16xf32> to vector<256x16xbf16>
    %dot_general3A_984 = arith.constant dense<0.000000e+00> : vector<256x16xf32>
    %dot_general3A_985 = tpu.matmul %convert_element_type3A_983, %convert_element_type3A_854, %dot_general3A_984 {dimension_numbers = #tpu.dot_dimension_numbers<[1], [0], [0], [1], [0, 0, 1, 1], [], []>, transpose_lhs_hint = false} : vector<256x16xbf16>, vector<16x16xbf16>, vector<256x16xf32> -> vector<256x16xf32>
    %get3A_986 = arith.constant 5 : index
    %get3A_987 = arith.constant 0 : index
    %get3A_988 = vector.load %arg4[%get3A_986, %get3A_987] : memref<12x16xf32, #tpu.memory_space<vmem>>, vector<1x16xf32>
    %get3A_989 = vector.shape_cast %get3A_988 : vector<1x16xf32> to vector<16xf32>
    %broadcast_in_dim3A_990 = vector.shape_cast %get3A_989 : vector<16xf32> to vector<1x16xf32>
    %add3A_991 = vector.broadcast %broadcast_in_dim3A_990 : vector<1x16xf32> to vector<256x16xf32>
    %add3A_992 = arith.addf %dot_general3A_985, %add3A_991 : vector<256x16xf32>
    %max3A_993 = arith.constant 0.000000e+00 : f32
    %max3A_994 = vector.broadcast %max3A_993 : f32 to vector<256x16xf32>
    %max3A_995 = arith.maximumf %add3A_992, %max3A_994 : vector<256x16xf32>
    %get3A_996 = arith.constant 0 : index
    %get3A_997 = arith.constant 1792 : index
    %get3A_998 = arith.constant 0 : index
    %get3A_999 = vector.load %arg14[%get3A_996, %get3A_997, %get3A_998] : memref<1x2048x2048xbf16, #tpu.memory_space<vmem>>, vector<1x256x2048xbf16>
    %get3A_1000 = vector.shape_cast %get3A_999 : vector<1x256x2048xbf16> to vector<256x2048xbf16>
    %dot_general3A_1001 = arith.constant dense<0.000000e+00> : vector<256x16xf32>
    %dot_general3A_1002 = tpu.matmul %get3A_1000, %convert_element_type3A_855, %dot_general3A_1001 {dimension_numbers = #tpu.dot_dimension_numbers<[1], [0], [0], [1], [0, 0, 1, 1], [], []>, transpose_lhs_hint = false} : vector<256x2048xbf16>, vector<2048x16xbf16>, vector<256x16xf32> -> vector<256x16xf32>
    %convert_element_type3A_1003 = arith.truncf %dot_general3A_1002 : vector<256x16xf32> to vector<256x16xbf16>
    %dot_general3A_1004 = arith.constant dense<0.000000e+00> : vector<256x16xf32>
    %dot_general3A_1005 = tpu.matmul %convert_element_type3A_1003, %convert_element_type3A_854, %dot_general3A_1004 {dimension_numbers = #tpu.dot_dimension_numbers<[1], [0], [0], [1], [0, 0, 1, 1], [], []>, transpose_lhs_hint = false} : vector<256x16xbf16>, vector<16x16xbf16>, vector<256x16xf32> -> vector<256x16xf32>
    %get3A_1006 = arith.constant 5 : index
    %get3A_1007 = arith.constant 0 : index
    %get3A_1008 = vector.load %arg4[%get3A_1006, %get3A_1007] : memref<12x16xf32, #tpu.memory_space<vmem>>, vector<1x16xf32>
    %get3A_1009 = vector.shape_cast %get3A_1008 : vector<1x16xf32> to vector<16xf32>
    %broadcast_in_dim3A_1010 = vector.shape_cast %get3A_1009 : vector<16xf32> to vector<1x16xf32>
    %add3A_1011 = vector.broadcast %broadcast_in_dim3A_1010 : vector<1x16xf32> to vector<256x16xf32>
    %add3A_1012 = arith.addf %dot_general3A_1005, %add3A_1011 : vector<256x16xf32>
    %max3A_1013 = arith.constant 0.000000e+00 : f32
    %max3A_1014 = vector.broadcast %max3A_1013 : f32 to vector<256x16xf32>
    %max3A_1015 = arith.maximumf %add3A_1012, %max3A_1014 : vector<256x16xf32>
    %concatenate3A_1016 = tpu.concatenate %max3A_875, %max3A_895, %max3A_915, %max3A_935, %max3A_955, %max3A_975, %max3A_995, %max3A_1015 in 0 : vector<256x16xf32>, vector<256x16xf32>, vector<256x16xf32>, vector<256x16xf32>, vector<256x16xf32>, vector<256x16xf32>, vector<256x16xf32>, vector<256x16xf32> -> vector<2048x16xf32>
    %get3A_1017 = arith.constant 6 : index
    %get3A_1018 = arith.constant 0 : index
    %get3A_1019 = arith.constant 0 : index
    %get3A_1020 = vector.load %arg3[%get3A_1017, %get3A_1018, %get3A_1019] : memref<12x16x16xf32, #tpu.memory_space<vmem>>, vector<1x16x16xf32>
    %get3A_1021 = vector.shape_cast %get3A_1020 : vector<1x16x16xf32> to vector<16x16xf32>
    %convert_element_type3A_1022 = arith.truncf %get3A_1021 : vector<16x16xf32> to vector<16x16xbf16>
    %convert_element_type3A_1023 = arith.truncf %concatenate3A_1016 : vector<2048x16xf32> to vector<2048x16xbf16>
    %get3A_1024 = arith.constant 0 : index
    %get3A_1025 = arith.constant 0 : index
    %get3A_1026 = arith.constant 0 : index
    %get3A_1027 = vector.load %arg14[%get3A_1024, %get3A_1025, %get3A_1026] : memref<1x2048x2048xbf16, #tpu.memory_space<vmem>>, vector<1x256x2048xbf16>
    %get3A_1028 = vector.shape_cast %get3A_1027 : vector<1x256x2048xbf16> to vector<256x2048xbf16>
    %dot_general3A_1029 = arith.constant dense<0.000000e+00> : vector<256x16xf32>
    %dot_general3A_1030 = tpu.matmul %get3A_1028, %convert_element_type3A_1023, %dot_general3A_1029 {dimension_numbers = #tpu.dot_dimension_numbers<[1], [0], [0], [1], [0, 0, 1, 1], [], []>, transpose_lhs_hint = false} : vector<256x2048xbf16>, vector<2048x16xbf16>, vector<256x16xf32> -> vector<256x16xf32>
    %convert_element_type3A_1031 = arith.truncf %dot_general3A_1030 : vector<256x16xf32> to vector<256x16xbf16>
    %dot_general3A_1032 = arith.constant dense<0.000000e+00> : vector<256x16xf32>
    %dot_general3A_1033 = tpu.matmul %convert_element_type3A_1031, %convert_element_type3A_1022, %dot_general3A_1032 {dimension_numbers = #tpu.dot_dimension_numbers<[1], [0], [0], [1], [0, 0, 1, 1], [], []>, transpose_lhs_hint = false} : vector<256x16xbf16>, vector<16x16xbf16>, vector<256x16xf32> -> vector<256x16xf32>
    %get3A_1034 = arith.constant 6 : index
    %get3A_1035 = arith.constant 0 : index
    %get3A_1036 = vector.load %arg4[%get3A_1034, %get3A_1035] : memref<12x16xf32, #tpu.memory_space<vmem>>, vector<1x16xf32>
    %get3A_1037 = vector.shape_cast %get3A_1036 : vector<1x16xf32> to vector<16xf32>
    %broadcast_in_dim3A_1038 = vector.shape_cast %get3A_1037 : vector<16xf32> to vector<1x16xf32>
    %add3A_1039 = vector.broadcast %broadcast_in_dim3A_1038 : vector<1x16xf32> to vector<256x16xf32>
    %add3A_1040 = arith.addf %dot_general3A_1033, %add3A_1039 : vector<256x16xf32>
    %max3A_1041 = arith.constant 0.000000e+00 : f32
    %max3A_1042 = vector.broadcast %max3A_1041 : f32 to vector<256x16xf32>
    %max3A_1043 = arith.maximumf %add3A_1040, %max3A_1042 : vector<256x16xf32>
    %get3A_1044 = arith.constant 0 : index
    %get3A_1045 = arith.constant 256 : index
    %get3A_1046 = arith.constant 0 : index
    %get3A_1047 = vector.load %arg14[%get3A_1044, %get3A_1045, %get3A_1046] : memref<1x2048x2048xbf16, #tpu.memory_space<vmem>>, vector<1x256x2048xbf16>
    %get3A_1048 = vector.shape_cast %get3A_1047 : vector<1x256x2048xbf16> to vector<256x2048xbf16>
    %dot_general3A_1049 = arith.constant dense<0.000000e+00> : vector<256x16xf32>
    %dot_general3A_1050 = tpu.matmul %get3A_1048, %convert_element_type3A_1023, %dot_general3A_1049 {dimension_numbers = #tpu.dot_dimension_numbers<[1], [0], [0], [1], [0, 0, 1, 1], [], []>, transpose_lhs_hint = false} : vector<256x2048xbf16>, vector<2048x16xbf16>, vector<256x16xf32> -> vector<256x16xf32>
    %convert_element_type3A_1051 = arith.truncf %dot_general3A_1050 : vector<256x16xf32> to vector<256x16xbf16>
    %dot_general3A_1052 = arith.constant dense<0.000000e+00> : vector<256x16xf32>
    %dot_general3A_1053 = tpu.matmul %convert_element_type3A_1051, %convert_element_type3A_1022, %dot_general3A_1052 {dimension_numbers = #tpu.dot_dimension_numbers<[1], [0], [0], [1], [0, 0, 1, 1], [], []>, transpose_lhs_hint = false} : vector<256x16xbf16>, vector<16x16xbf16>, vector<256x16xf32> -> vector<256x16xf32>
    %get3A_1054 = arith.constant 6 : index
    %get3A_1055 = arith.constant 0 : index
    %get3A_1056 = vector.load %arg4[%get3A_1054, %get3A_1055] : memref<12x16xf32, #tpu.memory_space<vmem>>, vector<1x16xf32>
    %get3A_1057 = vector.shape_cast %get3A_1056 : vector<1x16xf32> to vector<16xf32>
    %broadcast_in_dim3A_1058 = vector.shape_cast %get3A_1057 : vector<16xf32> to vector<1x16xf32>
    %add3A_1059 = vector.broadcast %broadcast_in_dim3A_1058 : vector<1x16xf32> to vector<256x16xf32>
    %add3A_1060 = arith.addf %dot_general3A_1053, %add3A_1059 : vector<256x16xf32>
    %max3A_1061 = arith.constant 0.000000e+00 : f32
    %max3A_1062 = vector.broadcast %max3A_1061 : f32 to vector<256x16xf32>
    %max3A_1063 = arith.maximumf %add3A_1060, %max3A_1062 : vector<256x16xf32>
    %get3A_1064 = arith.constant 0 : index
    %get3A_1065 = arith.constant 512 : index
    %get3A_1066 = arith.constant 0 : index
    %get3A_1067 = vector.load %arg14[%get3A_1064, %get3A_1065, %get3A_1066] : memref<1x2048x2048xbf16, #tpu.memory_space<vmem>>, vector<1x256x2048xbf16>
    %get3A_1068 = vector.shape_cast %get3A_1067 : vector<1x256x2048xbf16> to vector<256x2048xbf16>
    %dot_general3A_1069 = arith.constant dense<0.000000e+00> : vector<256x16xf32>
    %dot_general3A_1070 = tpu.matmul %get3A_1068, %convert_element_type3A_1023, %dot_general3A_1069 {dimension_numbers = #tpu.dot_dimension_numbers<[1], [0], [0], [1], [0, 0, 1, 1], [], []>, transpose_lhs_hint = false} : vector<256x2048xbf16>, vector<2048x16xbf16>, vector<256x16xf32> -> vector<256x16xf32>
    %convert_element_type3A_1071 = arith.truncf %dot_general3A_1070 : vector<256x16xf32> to vector<256x16xbf16>
    %dot_general3A_1072 = arith.constant dense<0.000000e+00> : vector<256x16xf32>
    %dot_general3A_1073 = tpu.matmul %convert_element_type3A_1071, %convert_element_type3A_1022, %dot_general3A_1072 {dimension_numbers = #tpu.dot_dimension_numbers<[1], [0], [0], [1], [0, 0, 1, 1], [], []>, transpose_lhs_hint = false} : vector<256x16xbf16>, vector<16x16xbf16>, vector<256x16xf32> -> vector<256x16xf32>
    %get3A_1074 = arith.constant 6 : index
    %get3A_1075 = arith.constant 0 : index
    %get3A_1076 = vector.load %arg4[%get3A_1074, %get3A_1075] : memref<12x16xf32, #tpu.memory_space<vmem>>, vector<1x16xf32>
    %get3A_1077 = vector.shape_cast %get3A_1076 : vector<1x16xf32> to vector<16xf32>
    %broadcast_in_dim3A_1078 = vector.shape_cast %get3A_1077 : vector<16xf32> to vector<1x16xf32>
    %add3A_1079 = vector.broadcast %broadcast_in_dim3A_1078 : vector<1x16xf32> to vector<256x16xf32>
    %add3A_1080 = arith.addf %dot_general3A_1073, %add3A_1079 : vector<256x16xf32>
    %max3A_1081 = arith.constant 0.000000e+00 : f32
    %max3A_1082 = vector.broadcast %max3A_1081 : f32 to vector<256x16xf32>
    %max3A_1083 = arith.maximumf %add3A_1080, %max3A_1082 : vector<256x16xf32>
    %get3A_1084 = arith.constant 0 : index
    %get3A_1085 = arith.constant 768 : index
    %get3A_1086 = arith.constant 0 : index
    %get3A_1087 = vector.load %arg14[%get3A_1084, %get3A_1085, %get3A_1086] : memref<1x2048x2048xbf16, #tpu.memory_space<vmem>>, vector<1x256x2048xbf16>
    %get3A_1088 = vector.shape_cast %get3A_1087 : vector<1x256x2048xbf16> to vector<256x2048xbf16>
    %dot_general3A_1089 = arith.constant dense<0.000000e+00> : vector<256x16xf32>
    %dot_general3A_1090 = tpu.matmul %get3A_1088, %convert_element_type3A_1023, %dot_general3A_1089 {dimension_numbers = #tpu.dot_dimension_numbers<[1], [0], [0], [1], [0, 0, 1, 1], [], []>, transpose_lhs_hint = false} : vector<256x2048xbf16>, vector<2048x16xbf16>, vector<256x16xf32> -> vector<256x16xf32>
    %convert_element_type3A_1091 = arith.truncf %dot_general3A_1090 : vector<256x16xf32> to vector<256x16xbf16>
    %dot_general3A_1092 = arith.constant dense<0.000000e+00> : vector<256x16xf32>
    %dot_general3A_1093 = tpu.matmul %convert_element_type3A_1091, %convert_element_type3A_1022, %dot_general3A_1092 {dimension_numbers = #tpu.dot_dimension_numbers<[1], [0], [0], [1], [0, 0, 1, 1], [], []>, transpose_lhs_hint = false} : vector<256x16xbf16>, vector<16x16xbf16>, vector<256x16xf32> -> vector<256x16xf32>
    %get3A_1094 = arith.constant 6 : index
    %get3A_1095 = arith.constant 0 : index
    %get3A_1096 = vector.load %arg4[%get3A_1094, %get3A_1095] : memref<12x16xf32, #tpu.memory_space<vmem>>, vector<1x16xf32>
    %get3A_1097 = vector.shape_cast %get3A_1096 : vector<1x16xf32> to vector<16xf32>
    %broadcast_in_dim3A_1098 = vector.shape_cast %get3A_1097 : vector<16xf32> to vector<1x16xf32>
    %add3A_1099 = vector.broadcast %broadcast_in_dim3A_1098 : vector<1x16xf32> to vector<256x16xf32>
    %add3A_1100 = arith.addf %dot_general3A_1093, %add3A_1099 : vector<256x16xf32>
    %max3A_1101 = arith.constant 0.000000e+00 : f32
    %max3A_1102 = vector.broadcast %max3A_1101 : f32 to vector<256x16xf32>
    %max3A_1103 = arith.maximumf %add3A_1100, %max3A_1102 : vector<256x16xf32>
    %get3A_1104 = arith.constant 0 : index
    %get3A_1105 = arith.constant 1024 : index
    %get3A_1106 = arith.constant 0 : index
    %get3A_1107 = vector.load %arg14[%get3A_1104, %get3A_1105, %get3A_1106] : memref<1x2048x2048xbf16, #tpu.memory_space<vmem>>, vector<1x256x2048xbf16>
    %get3A_1108 = vector.shape_cast %get3A_1107 : vector<1x256x2048xbf16> to vector<256x2048xbf16>
    %dot_general3A_1109 = arith.constant dense<0.000000e+00> : vector<256x16xf32>
    %dot_general3A_1110 = tpu.matmul %get3A_1108, %convert_element_type3A_1023, %dot_general3A_1109 {dimension_numbers = #tpu.dot_dimension_numbers<[1], [0], [0], [1], [0, 0, 1, 1], [], []>, transpose_lhs_hint = false} : vector<256x2048xbf16>, vector<2048x16xbf16>, vector<256x16xf32> -> vector<256x16xf32>
    %convert_element_type3A_1111 = arith.truncf %dot_general3A_1110 : vector<256x16xf32> to vector<256x16xbf16>
    %dot_general3A_1112 = arith.constant dense<0.000000e+00> : vector<256x16xf32>
    %dot_general3A_1113 = tpu.matmul %convert_element_type3A_1111, %convert_element_type3A_1022, %dot_general3A_1112 {dimension_numbers = #tpu.dot_dimension_numbers<[1], [0], [0], [1], [0, 0, 1, 1], [], []>, transpose_lhs_hint = false} : vector<256x16xbf16>, vector<16x16xbf16>, vector<256x16xf32> -> vector<256x16xf32>
    %get3A_1114 = arith.constant 6 : index
    %get3A_1115 = arith.constant 0 : index
    %get3A_1116 = vector.load %arg4[%get3A_1114, %get3A_1115] : memref<12x16xf32, #tpu.memory_space<vmem>>, vector<1x16xf32>
    %get3A_1117 = vector.shape_cast %get3A_1116 : vector<1x16xf32> to vector<16xf32>
    %broadcast_in_dim3A_1118 = vector.shape_cast %get3A_1117 : vector<16xf32> to vector<1x16xf32>
    %add3A_1119 = vector.broadcast %broadcast_in_dim3A_1118 : vector<1x16xf32> to vector<256x16xf32>
    %add3A_1120 = arith.addf %dot_general3A_1113, %add3A_1119 : vector<256x16xf32>
    %max3A_1121 = arith.constant 0.000000e+00 : f32
    %max3A_1122 = vector.broadcast %max3A_1121 : f32 to vector<256x16xf32>
    %max3A_1123 = arith.maximumf %add3A_1120, %max3A_1122 : vector<256x16xf32>
    %get3A_1124 = arith.constant 0 : index
    %get3A_1125 = arith.constant 1280 : index
    %get3A_1126 = arith.constant 0 : index
    %get3A_1127 = vector.load %arg14[%get3A_1124, %get3A_1125, %get3A_1126] : memref<1x2048x2048xbf16, #tpu.memory_space<vmem>>, vector<1x256x2048xbf16>
    %get3A_1128 = vector.shape_cast %get3A_1127 : vector<1x256x2048xbf16> to vector<256x2048xbf16>
    %dot_general3A_1129 = arith.constant dense<0.000000e+00> : vector<256x16xf32>
    %dot_general3A_1130 = tpu.matmul %get3A_1128, %convert_element_type3A_1023, %dot_general3A_1129 {dimension_numbers = #tpu.dot_dimension_numbers<[1], [0], [0], [1], [0, 0, 1, 1], [], []>, transpose_lhs_hint = false} : vector<256x2048xbf16>, vector<2048x16xbf16>, vector<256x16xf32> -> vector<256x16xf32>
    %convert_element_type3A_1131 = arith.truncf %dot_general3A_1130 : vector<256x16xf32> to vector<256x16xbf16>
    %dot_general3A_1132 = arith.constant dense<0.000000e+00> : vector<256x16xf32>
    %dot_general3A_1133 = tpu.matmul %convert_element_type3A_1131, %convert_element_type3A_1022, %dot_general3A_1132 {dimension_numbers = #tpu.dot_dimension_numbers<[1], [0], [0], [1], [0, 0, 1, 1], [], []>, transpose_lhs_hint = false} : vector<256x16xbf16>, vector<16x16xbf16>, vector<256x16xf32> -> vector<256x16xf32>
    %get3A_1134 = arith.constant 6 : index
    %get3A_1135 = arith.constant 0 : index
    %get3A_1136 = vector.load %arg4[%get3A_1134, %get3A_1135] : memref<12x16xf32, #tpu.memory_space<vmem>>, vector<1x16xf32>
    %get3A_1137 = vector.shape_cast %get3A_1136 : vector<1x16xf32> to vector<16xf32>
    %broadcast_in_dim3A_1138 = vector.shape_cast %get3A_1137 : vector<16xf32> to vector<1x16xf32>
    %add3A_1139 = vector.broadcast %broadcast_in_dim3A_1138 : vector<1x16xf32> to vector<256x16xf32>
    %add3A_1140 = arith.addf %dot_general3A_1133, %add3A_1139 : vector<256x16xf32>
    %max3A_1141 = arith.constant 0.000000e+00 : f32
    %max3A_1142 = vector.broadcast %max3A_1141 : f32 to vector<256x16xf32>
    %max3A_1143 = arith.maximumf %add3A_1140, %max3A_1142 : vector<256x16xf32>
    %get3A_1144 = arith.constant 0 : index
    %get3A_1145 = arith.constant 1536 : index
    %get3A_1146 = arith.constant 0 : index
    %get3A_1147 = vector.load %arg14[%get3A_1144, %get3A_1145, %get3A_1146] : memref<1x2048x2048xbf16, #tpu.memory_space<vmem>>, vector<1x256x2048xbf16>
    %get3A_1148 = vector.shape_cast %get3A_1147 : vector<1x256x2048xbf16> to vector<256x2048xbf16>
    %dot_general3A_1149 = arith.constant dense<0.000000e+00> : vector<256x16xf32>
    %dot_general3A_1150 = tpu.matmul %get3A_1148, %convert_element_type3A_1023, %dot_general3A_1149 {dimension_numbers = #tpu.dot_dimension_numbers<[1], [0], [0], [1], [0, 0, 1, 1], [], []>, transpose_lhs_hint = false} : vector<256x2048xbf16>, vector<2048x16xbf16>, vector<256x16xf32> -> vector<256x16xf32>
    %convert_element_type3A_1151 = arith.truncf %dot_general3A_1150 : vector<256x16xf32> to vector<256x16xbf16>
    %dot_general3A_1152 = arith.constant dense<0.000000e+00> : vector<256x16xf32>
    %dot_general3A_1153 = tpu.matmul %convert_element_type3A_1151, %convert_element_type3A_1022, %dot_general3A_1152 {dimension_numbers = #tpu.dot_dimension_numbers<[1], [0], [0], [1], [0, 0, 1, 1], [], []>, transpose_lhs_hint = false} : vector<256x16xbf16>, vector<16x16xbf16>, vector<256x16xf32> -> vector<256x16xf32>
    %get3A_1154 = arith.constant 6 : index
    %get3A_1155 = arith.constant 0 : index
    %get3A_1156 = vector.load %arg4[%get3A_1154, %get3A_1155] : memref<12x16xf32, #tpu.memory_space<vmem>>, vector<1x16xf32>
    %get3A_1157 = vector.shape_cast %get3A_1156 : vector<1x16xf32> to vector<16xf32>
    %broadcast_in_dim3A_1158 = vector.shape_cast %get3A_1157 : vector<16xf32> to vector<1x16xf32>
    %add3A_1159 = vector.broadcast %broadcast_in_dim3A_1158 : vector<1x16xf32> to vector<256x16xf32>
    %add3A_1160 = arith.addf %dot_general3A_1153, %add3A_1159 : vector<256x16xf32>
    %max3A_1161 = arith.constant 0.000000e+00 : f32
    %max3A_1162 = vector.broadcast %max3A_1161 : f32 to vector<256x16xf32>
    %max3A_1163 = arith.maximumf %add3A_1160, %max3A_1162 : vector<256x16xf32>
    %get3A_1164 = arith.constant 0 : index
    %get3A_1165 = arith.constant 1792 : index
    %get3A_1166 = arith.constant 0 : index
    %get3A_1167 = vector.load %arg14[%get3A_1164, %get3A_1165, %get3A_1166] : memref<1x2048x2048xbf16, #tpu.memory_space<vmem>>, vector<1x256x2048xbf16>
    %get3A_1168 = vector.shape_cast %get3A_1167 : vector<1x256x2048xbf16> to vector<256x2048xbf16>
    %dot_general3A_1169 = arith.constant dense<0.000000e+00> : vector<256x16xf32>
    %dot_general3A_1170 = tpu.matmul %get3A_1168, %convert_element_type3A_1023, %dot_general3A_1169 {dimension_numbers = #tpu.dot_dimension_numbers<[1], [0], [0], [1], [0, 0, 1, 1], [], []>, transpose_lhs_hint = false} : vector<256x2048xbf16>, vector<2048x16xbf16>, vector<256x16xf32> -> vector<256x16xf32>
    %convert_element_type3A_1171 = arith.truncf %dot_general3A_1170 : vector<256x16xf32> to vector<256x16xbf16>
    %dot_general3A_1172 = arith.constant dense<0.000000e+00> : vector<256x16xf32>
    %dot_general3A_1173 = tpu.matmul %convert_element_type3A_1171, %convert_element_type3A_1022, %dot_general3A_1172 {dimension_numbers = #tpu.dot_dimension_numbers<[1], [0], [0], [1], [0, 0, 1, 1], [], []>, transpose_lhs_hint = false} : vector<256x16xbf16>, vector<16x16xbf16>, vector<256x16xf32> -> vector<256x16xf32>
    %get3A_1174 = arith.constant 6 : index
    %get3A_1175 = arith.constant 0 : index
    %get3A_1176 = vector.load %arg4[%get3A_1174, %get3A_1175] : memref<12x16xf32, #tpu.memory_space<vmem>>, vector<1x16xf32>
    %get3A_1177 = vector.shape_cast %get3A_1176 : vector<1x16xf32> to vector<16xf32>
    %broadcast_in_dim3A_1178 = vector.shape_cast %get3A_1177 : vector<16xf32> to vector<1x16xf32>
    %add3A_1179 = vector.broadcast %broadcast_in_dim3A_1178 : vector<1x16xf32> to vector<256x16xf32>
    %add3A_1180 = arith.addf %dot_general3A_1173, %add3A_1179 : vector<256x16xf32>
    %max3A_1181 = arith.constant 0.000000e+00 : f32
    %max3A_1182 = vector.broadcast %max3A_1181 : f32 to vector<256x16xf32>
    %max3A_1183 = arith.maximumf %add3A_1180, %max3A_1182 : vector<256x16xf32>
    %concatenate3A_1184 = tpu.concatenate %max3A_1043, %max3A_1063, %max3A_1083, %max3A_1103, %max3A_1123, %max3A_1143, %max3A_1163, %max3A_1183 in 0 : vector<256x16xf32>, vector<256x16xf32>, vector<256x16xf32>, vector<256x16xf32>, vector<256x16xf32>, vector<256x16xf32>, vector<256x16xf32>, vector<256x16xf32> -> vector<2048x16xf32>
    %get3A_1185 = arith.constant 7 : index
    %get3A_1186 = arith.constant 0 : index
    %get3A_1187 = arith.constant 0 : index
    %get3A_1188 = vector.load %arg3[%get3A_1185, %get3A_1186, %get3A_1187] : memref<12x16x16xf32, #tpu.memory_space<vmem>>, vector<1x16x16xf32>
    %get3A_1189 = vector.shape_cast %get3A_1188 : vector<1x16x16xf32> to vector<16x16xf32>
    %convert_element_type3A_1190 = arith.truncf %get3A_1189 : vector<16x16xf32> to vector<16x16xbf16>
    %convert_element_type3A_1191 = arith.truncf %concatenate3A_1184 : vector<2048x16xf32> to vector<2048x16xbf16>
    %get3A_1192 = arith.constant 0 : index
    %get3A_1193 = arith.constant 0 : index
    %get3A_1194 = arith.constant 0 : index
    %get3A_1195 = vector.load %arg14[%get3A_1192, %get3A_1193, %get3A_1194] : memref<1x2048x2048xbf16, #tpu.memory_space<vmem>>, vector<1x256x2048xbf16>
    %get3A_1196 = vector.shape_cast %get3A_1195 : vector<1x256x2048xbf16> to vector<256x2048xbf16>
    %dot_general3A_1197 = arith.constant dense<0.000000e+00> : vector<256x16xf32>
    %dot_general3A_1198 = tpu.matmul %get3A_1196, %convert_element_type3A_1191, %dot_general3A_1197 {dimension_numbers = #tpu.dot_dimension_numbers<[1], [0], [0], [1], [0, 0, 1, 1], [], []>, transpose_lhs_hint = false} : vector<256x2048xbf16>, vector<2048x16xbf16>, vector<256x16xf32> -> vector<256x16xf32>
    %convert_element_type3A_1199 = arith.truncf %dot_general3A_1198 : vector<256x16xf32> to vector<256x16xbf16>
    %dot_general3A_1200 = arith.constant dense<0.000000e+00> : vector<256x16xf32>
    %dot_general3A_1201 = tpu.matmul %convert_element_type3A_1199, %convert_element_type3A_1190, %dot_general3A_1200 {dimension_numbers = #tpu.dot_dimension_numbers<[1], [0], [0], [1], [0, 0, 1, 1], [], []>, transpose_lhs_hint = false} : vector<256x16xbf16>, vector<16x16xbf16>, vector<256x16xf32> -> vector<256x16xf32>
    %get3A_1202 = arith.constant 7 : index
    %get3A_1203 = arith.constant 0 : index
    %get3A_1204 = vector.load %arg4[%get3A_1202, %get3A_1203] : memref<12x16xf32, #tpu.memory_space<vmem>>, vector<1x16xf32>
    %get3A_1205 = vector.shape_cast %get3A_1204 : vector<1x16xf32> to vector<16xf32>
    %broadcast_in_dim3A_1206 = vector.shape_cast %get3A_1205 : vector<16xf32> to vector<1x16xf32>
    %add3A_1207 = vector.broadcast %broadcast_in_dim3A_1206 : vector<1x16xf32> to vector<256x16xf32>
    %add3A_1208 = arith.addf %dot_general3A_1201, %add3A_1207 : vector<256x16xf32>
    %max3A_1209 = arith.constant 0.000000e+00 : f32
    %max3A_1210 = vector.broadcast %max3A_1209 : f32 to vector<256x16xf32>
    %max3A_1211 = arith.maximumf %add3A_1208, %max3A_1210 : vector<256x16xf32>
    %get3A_1212 = arith.constant 0 : index
    %get3A_1213 = arith.constant 256 : index
    %get3A_1214 = arith.constant 0 : index
    %get3A_1215 = vector.load %arg14[%get3A_1212, %get3A_1213, %get3A_1214] : memref<1x2048x2048xbf16, #tpu.memory_space<vmem>>, vector<1x256x2048xbf16>
    %get3A_1216 = vector.shape_cast %get3A_1215 : vector<1x256x2048xbf16> to vector<256x2048xbf16>
    %dot_general3A_1217 = arith.constant dense<0.000000e+00> : vector<256x16xf32>
    %dot_general3A_1218 = tpu.matmul %get3A_1216, %convert_element_type3A_1191, %dot_general3A_1217 {dimension_numbers = #tpu.dot_dimension_numbers<[1], [0], [0], [1], [0, 0, 1, 1], [], []>, transpose_lhs_hint = false} : vector<256x2048xbf16>, vector<2048x16xbf16>, vector<256x16xf32> -> vector<256x16xf32>
    %convert_element_type3A_1219 = arith.truncf %dot_general3A_1218 : vector<256x16xf32> to vector<256x16xbf16>
    %dot_general3A_1220 = arith.constant dense<0.000000e+00> : vector<256x16xf32>
    %dot_general3A_1221 = tpu.matmul %convert_element_type3A_1219, %convert_element_type3A_1190, %dot_general3A_1220 {dimension_numbers = #tpu.dot_dimension_numbers<[1], [0], [0], [1], [0, 0, 1, 1], [], []>, transpose_lhs_hint = false} : vector<256x16xbf16>, vector<16x16xbf16>, vector<256x16xf32> -> vector<256x16xf32>
    %get3A_1222 = arith.constant 7 : index
    %get3A_1223 = arith.constant 0 : index
    %get3A_1224 = vector.load %arg4[%get3A_1222, %get3A_1223] : memref<12x16xf32, #tpu.memory_space<vmem>>, vector<1x16xf32>
    %get3A_1225 = vector.shape_cast %get3A_1224 : vector<1x16xf32> to vector<16xf32>
    %broadcast_in_dim3A_1226 = vector.shape_cast %get3A_1225 : vector<16xf32> to vector<1x16xf32>
    %add3A_1227 = vector.broadcast %broadcast_in_dim3A_1226 : vector<1x16xf32> to vector<256x16xf32>
    %add3A_1228 = arith.addf %dot_general3A_1221, %add3A_1227 : vector<256x16xf32>
    %max3A_1229 = arith.constant 0.000000e+00 : f32
    %max3A_1230 = vector.broadcast %max3A_1229 : f32 to vector<256x16xf32>
    %max3A_1231 = arith.maximumf %add3A_1228, %max3A_1230 : vector<256x16xf32>
    %get3A_1232 = arith.constant 0 : index
    %get3A_1233 = arith.constant 512 : index
    %get3A_1234 = arith.constant 0 : index
    %get3A_1235 = vector.load %arg14[%get3A_1232, %get3A_1233, %get3A_1234] : memref<1x2048x2048xbf16, #tpu.memory_space<vmem>>, vector<1x256x2048xbf16>
    %get3A_1236 = vector.shape_cast %get3A_1235 : vector<1x256x2048xbf16> to vector<256x2048xbf16>
    %dot_general3A_1237 = arith.constant dense<0.000000e+00> : vector<256x16xf32>
    %dot_general3A_1238 = tpu.matmul %get3A_1236, %convert_element_type3A_1191, %dot_general3A_1237 {dimension_numbers = #tpu.dot_dimension_numbers<[1], [0], [0], [1], [0, 0, 1, 1], [], []>, transpose_lhs_hint = false} : vector<256x2048xbf16>, vector<2048x16xbf16>, vector<256x16xf32> -> vector<256x16xf32>
    %convert_element_type3A_1239 = arith.truncf %dot_general3A_1238 : vector<256x16xf32> to vector<256x16xbf16>
    %dot_general3A_1240 = arith.constant dense<0.000000e+00> : vector<256x16xf32>
    %dot_general3A_1241 = tpu.matmul %convert_element_type3A_1239, %convert_element_type3A_1190, %dot_general3A_1240 {dimension_numbers = #tpu.dot_dimension_numbers<[1], [0], [0], [1], [0, 0, 1, 1], [], []>, transpose_lhs_hint = false} : vector<256x16xbf16>, vector<16x16xbf16>, vector<256x16xf32> -> vector<256x16xf32>
    %get3A_1242 = arith.constant 7 : index
    %get3A_1243 = arith.constant 0 : index
    %get3A_1244 = vector.load %arg4[%get3A_1242, %get3A_1243] : memref<12x16xf32, #tpu.memory_space<vmem>>, vector<1x16xf32>
    %get3A_1245 = vector.shape_cast %get3A_1244 : vector<1x16xf32> to vector<16xf32>
    %broadcast_in_dim3A_1246 = vector.shape_cast %get3A_1245 : vector<16xf32> to vector<1x16xf32>
    %add3A_1247 = vector.broadcast %broadcast_in_dim3A_1246 : vector<1x16xf32> to vector<256x16xf32>
    %add3A_1248 = arith.addf %dot_general3A_1241, %add3A_1247 : vector<256x16xf32>
    %max3A_1249 = arith.constant 0.000000e+00 : f32
    %max3A_1250 = vector.broadcast %max3A_1249 : f32 to vector<256x16xf32>
    %max3A_1251 = arith.maximumf %add3A_1248, %max3A_1250 : vector<256x16xf32>
    %get3A_1252 = arith.constant 0 : index
    %get3A_1253 = arith.constant 768 : index
    %get3A_1254 = arith.constant 0 : index
    %get3A_1255 = vector.load %arg14[%get3A_1252, %get3A_1253, %get3A_1254] : memref<1x2048x2048xbf16, #tpu.memory_space<vmem>>, vector<1x256x2048xbf16>
    %get3A_1256 = vector.shape_cast %get3A_1255 : vector<1x256x2048xbf16> to vector<256x2048xbf16>
    %dot_general3A_1257 = arith.constant dense<0.000000e+00> : vector<256x16xf32>
    %dot_general3A_1258 = tpu.matmul %get3A_1256, %convert_element_type3A_1191, %dot_general3A_1257 {dimension_numbers = #tpu.dot_dimension_numbers<[1], [0], [0], [1], [0, 0, 1, 1], [], []>, transpose_lhs_hint = false} : vector<256x2048xbf16>, vector<2048x16xbf16>, vector<256x16xf32> -> vector<256x16xf32>
    %convert_element_type3A_1259 = arith.truncf %dot_general3A_1258 : vector<256x16xf32> to vector<256x16xbf16>
    %dot_general3A_1260 = arith.constant dense<0.000000e+00> : vector<256x16xf32>
    %dot_general3A_1261 = tpu.matmul %convert_element_type3A_1259, %convert_element_type3A_1190, %dot_general3A_1260 {dimension_numbers = #tpu.dot_dimension_numbers<[1], [0], [0], [1], [0, 0, 1, 1], [], []>, transpose_lhs_hint = false} : vector<256x16xbf16>, vector<16x16xbf16>, vector<256x16xf32> -> vector<256x16xf32>
    %get3A_1262 = arith.constant 7 : index
    %get3A_1263 = arith.constant 0 : index
    %get3A_1264 = vector.load %arg4[%get3A_1262, %get3A_1263] : memref<12x16xf32, #tpu.memory_space<vmem>>, vector<1x16xf32>
    %get3A_1265 = vector.shape_cast %get3A_1264 : vector<1x16xf32> to vector<16xf32>
    %broadcast_in_dim3A_1266 = vector.shape_cast %get3A_1265 : vector<16xf32> to vector<1x16xf32>
    %add3A_1267 = vector.broadcast %broadcast_in_dim3A_1266 : vector<1x16xf32> to vector<256x16xf32>
    %add3A_1268 = arith.addf %dot_general3A_1261, %add3A_1267 : vector<256x16xf32>
    %max3A_1269 = arith.constant 0.000000e+00 : f32
    %max3A_1270 = vector.broadcast %max3A_1269 : f32 to vector<256x16xf32>
    %max3A_1271 = arith.maximumf %add3A_1268, %max3A_1270 : vector<256x16xf32>
    %get3A_1272 = arith.constant 0 : index
    %get3A_1273 = arith.constant 1024 : index
    %get3A_1274 = arith.constant 0 : index
    %get3A_1275 = vector.load %arg14[%get3A_1272, %get3A_1273, %get3A_1274] : memref<1x2048x2048xbf16, #tpu.memory_space<vmem>>, vector<1x256x2048xbf16>
    %get3A_1276 = vector.shape_cast %get3A_1275 : vector<1x256x2048xbf16> to vector<256x2048xbf16>
    %dot_general3A_1277 = arith.constant dense<0.000000e+00> : vector<256x16xf32>
    %dot_general3A_1278 = tpu.matmul %get3A_1276, %convert_element_type3A_1191, %dot_general3A_1277 {dimension_numbers = #tpu.dot_dimension_numbers<[1], [0], [0], [1], [0, 0, 1, 1], [], []>, transpose_lhs_hint = false} : vector<256x2048xbf16>, vector<2048x16xbf16>, vector<256x16xf32> -> vector<256x16xf32>
    %convert_element_type3A_1279 = arith.truncf %dot_general3A_1278 : vector<256x16xf32> to vector<256x16xbf16>
    %dot_general3A_1280 = arith.constant dense<0.000000e+00> : vector<256x16xf32>
    %dot_general3A_1281 = tpu.matmul %convert_element_type3A_1279, %convert_element_type3A_1190, %dot_general3A_1280 {dimension_numbers = #tpu.dot_dimension_numbers<[1], [0], [0], [1], [0, 0, 1, 1], [], []>, transpose_lhs_hint = false} : vector<256x16xbf16>, vector<16x16xbf16>, vector<256x16xf32> -> vector<256x16xf32>
    %get3A_1282 = arith.constant 7 : index
    %get3A_1283 = arith.constant 0 : index
    %get3A_1284 = vector.load %arg4[%get3A_1282, %get3A_1283] : memref<12x16xf32, #tpu.memory_space<vmem>>, vector<1x16xf32>
    %get3A_1285 = vector.shape_cast %get3A_1284 : vector<1x16xf32> to vector<16xf32>
    %broadcast_in_dim3A_1286 = vector.shape_cast %get3A_1285 : vector<16xf32> to vector<1x16xf32>
    %add3A_1287 = vector.broadcast %broadcast_in_dim3A_1286 : vector<1x16xf32> to vector<256x16xf32>
    %add3A_1288 = arith.addf %dot_general3A_1281, %add3A_1287 : vector<256x16xf32>
    %max3A_1289 = arith.constant 0.000000e+00 : f32
    %max3A_1290 = vector.broadcast %max3A_1289 : f32 to vector<256x16xf32>
    %max3A_1291 = arith.maximumf %add3A_1288, %max3A_1290 : vector<256x16xf32>
    %get3A_1292 = arith.constant 0 : index
    %get3A_1293 = arith.constant 1280 : index
    %get3A_1294 = arith.constant 0 : index
    %get3A_1295 = vector.load %arg14[%get3A_1292, %get3A_1293, %get3A_1294] : memref<1x2048x2048xbf16, #tpu.memory_space<vmem>>, vector<1x256x2048xbf16>
    %get3A_1296 = vector.shape_cast %get3A_1295 : vector<1x256x2048xbf16> to vector<256x2048xbf16>
    %dot_general3A_1297 = arith.constant dense<0.000000e+00> : vector<256x16xf32>
    %dot_general3A_1298 = tpu.matmul %get3A_1296, %convert_element_type3A_1191, %dot_general3A_1297 {dimension_numbers = #tpu.dot_dimension_numbers<[1], [0], [0], [1], [0, 0, 1, 1], [], []>, transpose_lhs_hint = false} : vector<256x2048xbf16>, vector<2048x16xbf16>, vector<256x16xf32> -> vector<256x16xf32>
    %convert_element_type3A_1299 = arith.truncf %dot_general3A_1298 : vector<256x16xf32> to vector<256x16xbf16>
    %dot_general3A_1300 = arith.constant dense<0.000000e+00> : vector<256x16xf32>
    %dot_general3A_1301 = tpu.matmul %convert_element_type3A_1299, %convert_element_type3A_1190, %dot_general3A_1300 {dimension_numbers = #tpu.dot_dimension_numbers<[1], [0], [0], [1], [0, 0, 1, 1], [], []>, transpose_lhs_hint = false} : vector<256x16xbf16>, vector<16x16xbf16>, vector<256x16xf32> -> vector<256x16xf32>
    %get3A_1302 = arith.constant 7 : index
    %get3A_1303 = arith.constant 0 : index
    %get3A_1304 = vector.load %arg4[%get3A_1302, %get3A_1303] : memref<12x16xf32, #tpu.memory_space<vmem>>, vector<1x16xf32>
    %get3A_1305 = vector.shape_cast %get3A_1304 : vector<1x16xf32> to vector<16xf32>
    %broadcast_in_dim3A_1306 = vector.shape_cast %get3A_1305 : vector<16xf32> to vector<1x16xf32>
    %add3A_1307 = vector.broadcast %broadcast_in_dim3A_1306 : vector<1x16xf32> to vector<256x16xf32>
    %add3A_1308 = arith.addf %dot_general3A_1301, %add3A_1307 : vector<256x16xf32>
    %max3A_1309 = arith.constant 0.000000e+00 : f32
    %max3A_1310 = vector.broadcast %max3A_1309 : f32 to vector<256x16xf32>
    %max3A_1311 = arith.maximumf %add3A_1308, %max3A_1310 : vector<256x16xf32>
    %get3A_1312 = arith.constant 0 : index
    %get3A_1313 = arith.constant 1536 : index
    %get3A_1314 = arith.constant 0 : index
    %get3A_1315 = vector.load %arg14[%get3A_1312, %get3A_1313, %get3A_1314] : memref<1x2048x2048xbf16, #tpu.memory_space<vmem>>, vector<1x256x2048xbf16>
    %get3A_1316 = vector.shape_cast %get3A_1315 : vector<1x256x2048xbf16> to vector<256x2048xbf16>
    %dot_general3A_1317 = arith.constant dense<0.000000e+00> : vector<256x16xf32>
    %dot_general3A_1318 = tpu.matmul %get3A_1316, %convert_element_type3A_1191, %dot_general3A_1317 {dimension_numbers = #tpu.dot_dimension_numbers<[1], [0], [0], [1], [0, 0, 1, 1], [], []>, transpose_lhs_hint = false} : vector<256x2048xbf16>, vector<2048x16xbf16>, vector<256x16xf32> -> vector<256x16xf32>
    %convert_element_type3A_1319 = arith.truncf %dot_general3A_1318 : vector<256x16xf32> to vector<256x16xbf16>
    %dot_general3A_1320 = arith.constant dense<0.000000e+00> : vector<256x16xf32>
    %dot_general3A_1321 = tpu.matmul %convert_element_type3A_1319, %convert_element_type3A_1190, %dot_general3A_1320 {dimension_numbers = #tpu.dot_dimension_numbers<[1], [0], [0], [1], [0, 0, 1, 1], [], []>, transpose_lhs_hint = false} : vector<256x16xbf16>, vector<16x16xbf16>, vector<256x16xf32> -> vector<256x16xf32>
    %get3A_1322 = arith.constant 7 : index
    %get3A_1323 = arith.constant 0 : index
    %get3A_1324 = vector.load %arg4[%get3A_1322, %get3A_1323] : memref<12x16xf32, #tpu.memory_space<vmem>>, vector<1x16xf32>
    %get3A_1325 = vector.shape_cast %get3A_1324 : vector<1x16xf32> to vector<16xf32>
    %broadcast_in_dim3A_1326 = vector.shape_cast %get3A_1325 : vector<16xf32> to vector<1x16xf32>
    %add3A_1327 = vector.broadcast %broadcast_in_dim3A_1326 : vector<1x16xf32> to vector<256x16xf32>
    %add3A_1328 = arith.addf %dot_general3A_1321, %add3A_1327 : vector<256x16xf32>
    %max3A_1329 = arith.constant 0.000000e+00 : f32
    %max3A_1330 = vector.broadcast %max3A_1329 : f32 to vector<256x16xf32>
    %max3A_1331 = arith.maximumf %add3A_1328, %max3A_1330 : vector<256x16xf32>
    %get3A_1332 = arith.constant 0 : index
    %get3A_1333 = arith.constant 1792 : index
    %get3A_1334 = arith.constant 0 : index
    %get3A_1335 = vector.load %arg14[%get3A_1332, %get3A_1333, %get3A_1334] : memref<1x2048x2048xbf16, #tpu.memory_space<vmem>>, vector<1x256x2048xbf16>
    %get3A_1336 = vector.shape_cast %get3A_1335 : vector<1x256x2048xbf16> to vector<256x2048xbf16>
    %dot_general3A_1337 = arith.constant dense<0.000000e+00> : vector<256x16xf32>
    %dot_general3A_1338 = tpu.matmul %get3A_1336, %convert_element_type3A_1191, %dot_general3A_1337 {dimension_numbers = #tpu.dot_dimension_numbers<[1], [0], [0], [1], [0, 0, 1, 1], [], []>, transpose_lhs_hint = false} : vector<256x2048xbf16>, vector<2048x16xbf16>, vector<256x16xf32> -> vector<256x16xf32>
    %convert_element_type3A_1339 = arith.truncf %dot_general3A_1338 : vector<256x16xf32> to vector<256x16xbf16>
    %dot_general3A_1340 = arith.constant dense<0.000000e+00> : vector<256x16xf32>
    %dot_general3A_1341 = tpu.matmul %convert_element_type3A_1339, %convert_element_type3A_1190, %dot_general3A_1340 {dimension_numbers = #tpu.dot_dimension_numbers<[1], [0], [0], [1], [0, 0, 1, 1], [], []>, transpose_lhs_hint = false} : vector<256x16xbf16>, vector<16x16xbf16>, vector<256x16xf32> -> vector<256x16xf32>
    %get3A_1342 = arith.constant 7 : index
    %get3A_1343 = arith.constant 0 : index
    %get3A_1344 = vector.load %arg4[%get3A_1342, %get3A_1343] : memref<12x16xf32, #tpu.memory_space<vmem>>, vector<1x16xf32>
    %get3A_1345 = vector.shape_cast %get3A_1344 : vector<1x16xf32> to vector<16xf32>
    %broadcast_in_dim3A_1346 = vector.shape_cast %get3A_1345 : vector<16xf32> to vector<1x16xf32>
    %add3A_1347 = vector.broadcast %broadcast_in_dim3A_1346 : vector<1x16xf32> to vector<256x16xf32>
    %add3A_1348 = arith.addf %dot_general3A_1341, %add3A_1347 : vector<256x16xf32>
    %max3A_1349 = arith.constant 0.000000e+00 : f32
    %max3A_1350 = vector.broadcast %max3A_1349 : f32 to vector<256x16xf32>
    %max3A_1351 = arith.maximumf %add3A_1348, %max3A_1350 : vector<256x16xf32>
    %concatenate3A_1352 = tpu.concatenate %max3A_1211, %max3A_1231, %max3A_1251, %max3A_1271, %max3A_1291, %max3A_1311, %max3A_1331, %max3A_1351 in 0 : vector<256x16xf32>, vector<256x16xf32>, vector<256x16xf32>, vector<256x16xf32>, vector<256x16xf32>, vector<256x16xf32>, vector<256x16xf32>, vector<256x16xf32> -> vector<2048x16xf32>
    %get3A_1353 = arith.constant 8 : index
    %get3A_1354 = arith.constant 0 : index
    %get3A_1355 = arith.constant 0 : index
    %get3A_1356 = vector.load %arg3[%get3A_1353, %get3A_1354, %get3A_1355] : memref<12x16x16xf32, #tpu.memory_space<vmem>>, vector<1x16x16xf32>
    %get3A_1357 = vector.shape_cast %get3A_1356 : vector<1x16x16xf32> to vector<16x16xf32>
    %convert_element_type3A_1358 = arith.truncf %get3A_1357 : vector<16x16xf32> to vector<16x16xbf16>
    %convert_element_type3A_1359 = arith.truncf %concatenate3A_1352 : vector<2048x16xf32> to vector<2048x16xbf16>
    %get3A_1360 = arith.constant 0 : index
    %get3A_1361 = arith.constant 0 : index
    %get3A_1362 = arith.constant 0 : index
    %get3A_1363 = vector.load %arg14[%get3A_1360, %get3A_1361, %get3A_1362] : memref<1x2048x2048xbf16, #tpu.memory_space<vmem>>, vector<1x256x2048xbf16>
    %get3A_1364 = vector.shape_cast %get3A_1363 : vector<1x256x2048xbf16> to vector<256x2048xbf16>
    %dot_general3A_1365 = arith.constant dense<0.000000e+00> : vector<256x16xf32>
    %dot_general3A_1366 = tpu.matmul %get3A_1364, %convert_element_type3A_1359, %dot_general3A_1365 {dimension_numbers = #tpu.dot_dimension_numbers<[1], [0], [0], [1], [0, 0, 1, 1], [], []>, transpose_lhs_hint = false} : vector<256x2048xbf16>, vector<2048x16xbf16>, vector<256x16xf32> -> vector<256x16xf32>
    %convert_element_type3A_1367 = arith.truncf %dot_general3A_1366 : vector<256x16xf32> to vector<256x16xbf16>
    %dot_general3A_1368 = arith.constant dense<0.000000e+00> : vector<256x16xf32>
    %dot_general3A_1369 = tpu.matmul %convert_element_type3A_1367, %convert_element_type3A_1358, %dot_general3A_1368 {dimension_numbers = #tpu.dot_dimension_numbers<[1], [0], [0], [1], [0, 0, 1, 1], [], []>, transpose_lhs_hint = false} : vector<256x16xbf16>, vector<16x16xbf16>, vector<256x16xf32> -> vector<256x16xf32>
    %get3A_1370 = arith.constant 8 : index
    %get3A_1371 = arith.constant 0 : index
    %get3A_1372 = vector.load %arg4[%get3A_1370, %get3A_1371] : memref<12x16xf32, #tpu.memory_space<vmem>>, vector<1x16xf32>
    %get3A_1373 = vector.shape_cast %get3A_1372 : vector<1x16xf32> to vector<16xf32>
    %broadcast_in_dim3A_1374 = vector.shape_cast %get3A_1373 : vector<16xf32> to vector<1x16xf32>
    %add3A_1375 = vector.broadcast %broadcast_in_dim3A_1374 : vector<1x16xf32> to vector<256x16xf32>
    %add3A_1376 = arith.addf %dot_general3A_1369, %add3A_1375 : vector<256x16xf32>
    %max3A_1377 = arith.constant 0.000000e+00 : f32
    %max3A_1378 = vector.broadcast %max3A_1377 : f32 to vector<256x16xf32>
    %max3A_1379 = arith.maximumf %add3A_1376, %max3A_1378 : vector<256x16xf32>
    %get3A_1380 = arith.constant 0 : index
    %get3A_1381 = arith.constant 256 : index
    %get3A_1382 = arith.constant 0 : index
    %get3A_1383 = vector.load %arg14[%get3A_1380, %get3A_1381, %get3A_1382] : memref<1x2048x2048xbf16, #tpu.memory_space<vmem>>, vector<1x256x2048xbf16>
    %get3A_1384 = vector.shape_cast %get3A_1383 : vector<1x256x2048xbf16> to vector<256x2048xbf16>
    %dot_general3A_1385 = arith.constant dense<0.000000e+00> : vector<256x16xf32>
    %dot_general3A_1386 = tpu.matmul %get3A_1384, %convert_element_type3A_1359, %dot_general3A_1385 {dimension_numbers = #tpu.dot_dimension_numbers<[1], [0], [0], [1], [0, 0, 1, 1], [], []>, transpose_lhs_hint = false} : vector<256x2048xbf16>, vector<2048x16xbf16>, vector<256x16xf32> -> vector<256x16xf32>
    %convert_element_type3A_1387 = arith.truncf %dot_general3A_1386 : vector<256x16xf32> to vector<256x16xbf16>
    %dot_general3A_1388 = arith.constant dense<0.000000e+00> : vector<256x16xf32>
    %dot_general3A_1389 = tpu.matmul %convert_element_type3A_1387, %convert_element_type3A_1358, %dot_general3A_1388 {dimension_numbers = #tpu.dot_dimension_numbers<[1], [0], [0], [1], [0, 0, 1, 1], [], []>, transpose_lhs_hint = false} : vector<256x16xbf16>, vector<16x16xbf16>, vector<256x16xf32> -> vector<256x16xf32>
    %get3A_1390 = arith.constant 8 : index
    %get3A_1391 = arith.constant 0 : index
    %get3A_1392 = vector.load %arg4[%get3A_1390, %get3A_1391] : memref<12x16xf32, #tpu.memory_space<vmem>>, vector<1x16xf32>
    %get3A_1393 = vector.shape_cast %get3A_1392 : vector<1x16xf32> to vector<16xf32>
    %broadcast_in_dim3A_1394 = vector.shape_cast %get3A_1393 : vector<16xf32> to vector<1x16xf32>
    %add3A_1395 = vector.broadcast %broadcast_in_dim3A_1394 : vector<1x16xf32> to vector<256x16xf32>
    %add3A_1396 = arith.addf %dot_general3A_1389, %add3A_1395 : vector<256x16xf32>
    %max3A_1397 = arith.constant 0.000000e+00 : f32
    %max3A_1398 = vector.broadcast %max3A_1397 : f32 to vector<256x16xf32>
    %max3A_1399 = arith.maximumf %add3A_1396, %max3A_1398 : vector<256x16xf32>
    %get3A_1400 = arith.constant 0 : index
    %get3A_1401 = arith.constant 512 : index
    %get3A_1402 = arith.constant 0 : index
    %get3A_1403 = vector.load %arg14[%get3A_1400, %get3A_1401, %get3A_1402] : memref<1x2048x2048xbf16, #tpu.memory_space<vmem>>, vector<1x256x2048xbf16>
    %get3A_1404 = vector.shape_cast %get3A_1403 : vector<1x256x2048xbf16> to vector<256x2048xbf16>
    %dot_general3A_1405 = arith.constant dense<0.000000e+00> : vector<256x16xf32>
    %dot_general3A_1406 = tpu.matmul %get3A_1404, %convert_element_type3A_1359, %dot_general3A_1405 {dimension_numbers = #tpu.dot_dimension_numbers<[1], [0], [0], [1], [0, 0, 1, 1], [], []>, transpose_lhs_hint = false} : vector<256x2048xbf16>, vector<2048x16xbf16>, vector<256x16xf32> -> vector<256x16xf32>
    %convert_element_type3A_1407 = arith.truncf %dot_general3A_1406 : vector<256x16xf32> to vector<256x16xbf16>
    %dot_general3A_1408 = arith.constant dense<0.000000e+00> : vector<256x16xf32>
    %dot_general3A_1409 = tpu.matmul %convert_element_type3A_1407, %convert_element_type3A_1358, %dot_general3A_1408 {dimension_numbers = #tpu.dot_dimension_numbers<[1], [0], [0], [1], [0, 0, 1, 1], [], []>, transpose_lhs_hint = false} : vector<256x16xbf16>, vector<16x16xbf16>, vector<256x16xf32> -> vector<256x16xf32>
    %get3A_1410 = arith.constant 8 : index
    %get3A_1411 = arith.constant 0 : index
    %get3A_1412 = vector.load %arg4[%get3A_1410, %get3A_1411] : memref<12x16xf32, #tpu.memory_space<vmem>>, vector<1x16xf32>
    %get3A_1413 = vector.shape_cast %get3A_1412 : vector<1x16xf32> to vector<16xf32>
    %broadcast_in_dim3A_1414 = vector.shape_cast %get3A_1413 : vector<16xf32> to vector<1x16xf32>
    %add3A_1415 = vector.broadcast %broadcast_in_dim3A_1414 : vector<1x16xf32> to vector<256x16xf32>
    %add3A_1416 = arith.addf %dot_general3A_1409, %add3A_1415 : vector<256x16xf32>
    %max3A_1417 = arith.constant 0.000000e+00 : f32
    %max3A_1418 = vector.broadcast %max3A_1417 : f32 to vector<256x16xf32>
    %max3A_1419 = arith.maximumf %add3A_1416, %max3A_1418 : vector<256x16xf32>
    %get3A_1420 = arith.constant 0 : index
    %get3A_1421 = arith.constant 768 : index
    %get3A_1422 = arith.constant 0 : index
    %get3A_1423 = vector.load %arg14[%get3A_1420, %get3A_1421, %get3A_1422] : memref<1x2048x2048xbf16, #tpu.memory_space<vmem>>, vector<1x256x2048xbf16>
    %get3A_1424 = vector.shape_cast %get3A_1423 : vector<1x256x2048xbf16> to vector<256x2048xbf16>
    %dot_general3A_1425 = arith.constant dense<0.000000e+00> : vector<256x16xf32>
    %dot_general3A_1426 = tpu.matmul %get3A_1424, %convert_element_type3A_1359, %dot_general3A_1425 {dimension_numbers = #tpu.dot_dimension_numbers<[1], [0], [0], [1], [0, 0, 1, 1], [], []>, transpose_lhs_hint = false} : vector<256x2048xbf16>, vector<2048x16xbf16>, vector<256x16xf32> -> vector<256x16xf32>
    %convert_element_type3A_1427 = arith.truncf %dot_general3A_1426 : vector<256x16xf32> to vector<256x16xbf16>
    %dot_general3A_1428 = arith.constant dense<0.000000e+00> : vector<256x16xf32>
    %dot_general3A_1429 = tpu.matmul %convert_element_type3A_1427, %convert_element_type3A_1358, %dot_general3A_1428 {dimension_numbers = #tpu.dot_dimension_numbers<[1], [0], [0], [1], [0, 0, 1, 1], [], []>, transpose_lhs_hint = false} : vector<256x16xbf16>, vector<16x16xbf16>, vector<256x16xf32> -> vector<256x16xf32>
    %get3A_1430 = arith.constant 8 : index
    %get3A_1431 = arith.constant 0 : index
    %get3A_1432 = vector.load %arg4[%get3A_1430, %get3A_1431] : memref<12x16xf32, #tpu.memory_space<vmem>>, vector<1x16xf32>
    %get3A_1433 = vector.shape_cast %get3A_1432 : vector<1x16xf32> to vector<16xf32>
    %broadcast_in_dim3A_1434 = vector.shape_cast %get3A_1433 : vector<16xf32> to vector<1x16xf32>
    %add3A_1435 = vector.broadcast %broadcast_in_dim3A_1434 : vector<1x16xf32> to vector<256x16xf32>
    %add3A_1436 = arith.addf %dot_general3A_1429, %add3A_1435 : vector<256x16xf32>
    %max3A_1437 = arith.constant 0.000000e+00 : f32
    %max3A_1438 = vector.broadcast %max3A_1437 : f32 to vector<256x16xf32>
    %max3A_1439 = arith.maximumf %add3A_1436, %max3A_1438 : vector<256x16xf32>
    %get3A_1440 = arith.constant 0 : index
    %get3A_1441 = arith.constant 1024 : index
    %get3A_1442 = arith.constant 0 : index
    %get3A_1443 = vector.load %arg14[%get3A_1440, %get3A_1441, %get3A_1442] : memref<1x2048x2048xbf16, #tpu.memory_space<vmem>>, vector<1x256x2048xbf16>
    %get3A_1444 = vector.shape_cast %get3A_1443 : vector<1x256x2048xbf16> to vector<256x2048xbf16>
    %dot_general3A_1445 = arith.constant dense<0.000000e+00> : vector<256x16xf32>
    %dot_general3A_1446 = tpu.matmul %get3A_1444, %convert_element_type3A_1359, %dot_general3A_1445 {dimension_numbers = #tpu.dot_dimension_numbers<[1], [0], [0], [1], [0, 0, 1, 1], [], []>, transpose_lhs_hint = false} : vector<256x2048xbf16>, vector<2048x16xbf16>, vector<256x16xf32> -> vector<256x16xf32>
    %convert_element_type3A_1447 = arith.truncf %dot_general3A_1446 : vector<256x16xf32> to vector<256x16xbf16>
    %dot_general3A_1448 = arith.constant dense<0.000000e+00> : vector<256x16xf32>
    %dot_general3A_1449 = tpu.matmul %convert_element_type3A_1447, %convert_element_type3A_1358, %dot_general3A_1448 {dimension_numbers = #tpu.dot_dimension_numbers<[1], [0], [0], [1], [0, 0, 1, 1], [], []>, transpose_lhs_hint = false} : vector<256x16xbf16>, vector<16x16xbf16>, vector<256x16xf32> -> vector<256x16xf32>
    %get3A_1450 = arith.constant 8 : index
    %get3A_1451 = arith.constant 0 : index
    %get3A_1452 = vector.load %arg4[%get3A_1450, %get3A_1451] : memref<12x16xf32, #tpu.memory_space<vmem>>, vector<1x16xf32>
    %get3A_1453 = vector.shape_cast %get3A_1452 : vector<1x16xf32> to vector<16xf32>
    %broadcast_in_dim3A_1454 = vector.shape_cast %get3A_1453 : vector<16xf32> to vector<1x16xf32>
    %add3A_1455 = vector.broadcast %broadcast_in_dim3A_1454 : vector<1x16xf32> to vector<256x16xf32>
    %add3A_1456 = arith.addf %dot_general3A_1449, %add3A_1455 : vector<256x16xf32>
    %max3A_1457 = arith.constant 0.000000e+00 : f32
    %max3A_1458 = vector.broadcast %max3A_1457 : f32 to vector<256x16xf32>
    %max3A_1459 = arith.maximumf %add3A_1456, %max3A_1458 : vector<256x16xf32>
    %get3A_1460 = arith.constant 0 : index
    %get3A_1461 = arith.constant 1280 : index
    %get3A_1462 = arith.constant 0 : index
    %get3A_1463 = vector.load %arg14[%get3A_1460, %get3A_1461, %get3A_1462] : memref<1x2048x2048xbf16, #tpu.memory_space<vmem>>, vector<1x256x2048xbf16>
    %get3A_1464 = vector.shape_cast %get3A_1463 : vector<1x256x2048xbf16> to vector<256x2048xbf16>
    %dot_general3A_1465 = arith.constant dense<0.000000e+00> : vector<256x16xf32>
    %dot_general3A_1466 = tpu.matmul %get3A_1464, %convert_element_type3A_1359, %dot_general3A_1465 {dimension_numbers = #tpu.dot_dimension_numbers<[1], [0], [0], [1], [0, 0, 1, 1], [], []>, transpose_lhs_hint = false} : vector<256x2048xbf16>, vector<2048x16xbf16>, vector<256x16xf32> -> vector<256x16xf32>
    %convert_element_type3A_1467 = arith.truncf %dot_general3A_1466 : vector<256x16xf32> to vector<256x16xbf16>
    %dot_general3A_1468 = arith.constant dense<0.000000e+00> : vector<256x16xf32>
    %dot_general3A_1469 = tpu.matmul %convert_element_type3A_1467, %convert_element_type3A_1358, %dot_general3A_1468 {dimension_numbers = #tpu.dot_dimension_numbers<[1], [0], [0], [1], [0, 0, 1, 1], [], []>, transpose_lhs_hint = false} : vector<256x16xbf16>, vector<16x16xbf16>, vector<256x16xf32> -> vector<256x16xf32>
    %get3A_1470 = arith.constant 8 : index
    %get3A_1471 = arith.constant 0 : index
    %get3A_1472 = vector.load %arg4[%get3A_1470, %get3A_1471] : memref<12x16xf32, #tpu.memory_space<vmem>>, vector<1x16xf32>
    %get3A_1473 = vector.shape_cast %get3A_1472 : vector<1x16xf32> to vector<16xf32>
    %broadcast_in_dim3A_1474 = vector.shape_cast %get3A_1473 : vector<16xf32> to vector<1x16xf32>
    %add3A_1475 = vector.broadcast %broadcast_in_dim3A_1474 : vector<1x16xf32> to vector<256x16xf32>
    %add3A_1476 = arith.addf %dot_general3A_1469, %add3A_1475 : vector<256x16xf32>
    %max3A_1477 = arith.constant 0.000000e+00 : f32
    %max3A_1478 = vector.broadcast %max3A_1477 : f32 to vector<256x16xf32>
    %max3A_1479 = arith.maximumf %add3A_1476, %max3A_1478 : vector<256x16xf32>
    %get3A_1480 = arith.constant 0 : index
    %get3A_1481 = arith.constant 1536 : index
    %get3A_1482 = arith.constant 0 : index
    %get3A_1483 = vector.load %arg14[%get3A_1480, %get3A_1481, %get3A_1482] : memref<1x2048x2048xbf16, #tpu.memory_space<vmem>>, vector<1x256x2048xbf16>
    %get3A_1484 = vector.shape_cast %get3A_1483 : vector<1x256x2048xbf16> to vector<256x2048xbf16>
    %dot_general3A_1485 = arith.constant dense<0.000000e+00> : vector<256x16xf32>
    %dot_general3A_1486 = tpu.matmul %get3A_1484, %convert_element_type3A_1359, %dot_general3A_1485 {dimension_numbers = #tpu.dot_dimension_numbers<[1], [0], [0], [1], [0, 0, 1, 1], [], []>, transpose_lhs_hint = false} : vector<256x2048xbf16>, vector<2048x16xbf16>, vector<256x16xf32> -> vector<256x16xf32>
    %convert_element_type3A_1487 = arith.truncf %dot_general3A_1486 : vector<256x16xf32> to vector<256x16xbf16>
    %dot_general3A_1488 = arith.constant dense<0.000000e+00> : vector<256x16xf32>
    %dot_general3A_1489 = tpu.matmul %convert_element_type3A_1487, %convert_element_type3A_1358, %dot_general3A_1488 {dimension_numbers = #tpu.dot_dimension_numbers<[1], [0], [0], [1], [0, 0, 1, 1], [], []>, transpose_lhs_hint = false} : vector<256x16xbf16>, vector<16x16xbf16>, vector<256x16xf32> -> vector<256x16xf32>
    %get3A_1490 = arith.constant 8 : index
    %get3A_1491 = arith.constant 0 : index
    %get3A_1492 = vector.load %arg4[%get3A_1490, %get3A_1491] : memref<12x16xf32, #tpu.memory_space<vmem>>, vector<1x16xf32>
    %get3A_1493 = vector.shape_cast %get3A_1492 : vector<1x16xf32> to vector<16xf32>
    %broadcast_in_dim3A_1494 = vector.shape_cast %get3A_1493 : vector<16xf32> to vector<1x16xf32>
    %add3A_1495 = vector.broadcast %broadcast_in_dim3A_1494 : vector<1x16xf32> to vector<256x16xf32>
    %add3A_1496 = arith.addf %dot_general3A_1489, %add3A_1495 : vector<256x16xf32>
    %max3A_1497 = arith.constant 0.000000e+00 : f32
    %max3A_1498 = vector.broadcast %max3A_1497 : f32 to vector<256x16xf32>
    %max3A_1499 = arith.maximumf %add3A_1496, %max3A_1498 : vector<256x16xf32>
    %get3A_1500 = arith.constant 0 : index
    %get3A_1501 = arith.constant 1792 : index
    %get3A_1502 = arith.constant 0 : index
    %get3A_1503 = vector.load %arg14[%get3A_1500, %get3A_1501, %get3A_1502] : memref<1x2048x2048xbf16, #tpu.memory_space<vmem>>, vector<1x256x2048xbf16>
    %get3A_1504 = vector.shape_cast %get3A_1503 : vector<1x256x2048xbf16> to vector<256x2048xbf16>
    %dot_general3A_1505 = arith.constant dense<0.000000e+00> : vector<256x16xf32>
    %dot_general3A_1506 = tpu.matmul %get3A_1504, %convert_element_type3A_1359, %dot_general3A_1505 {dimension_numbers = #tpu.dot_dimension_numbers<[1], [0], [0], [1], [0, 0, 1, 1], [], []>, transpose_lhs_hint = false} : vector<256x2048xbf16>, vector<2048x16xbf16>, vector<256x16xf32> -> vector<256x16xf32>
    %convert_element_type3A_1507 = arith.truncf %dot_general3A_1506 : vector<256x16xf32> to vector<256x16xbf16>
    %dot_general3A_1508 = arith.constant dense<0.000000e+00> : vector<256x16xf32>
    %dot_general3A_1509 = tpu.matmul %convert_element_type3A_1507, %convert_element_type3A_1358, %dot_general3A_1508 {dimension_numbers = #tpu.dot_dimension_numbers<[1], [0], [0], [1], [0, 0, 1, 1], [], []>, transpose_lhs_hint = false} : vector<256x16xbf16>, vector<16x16xbf16>, vector<256x16xf32> -> vector<256x16xf32>
    %get3A_1510 = arith.constant 8 : index
    %get3A_1511 = arith.constant 0 : index
    %get3A_1512 = vector.load %arg4[%get3A_1510, %get3A_1511] : memref<12x16xf32, #tpu.memory_space<vmem>>, vector<1x16xf32>
    %get3A_1513 = vector.shape_cast %get3A_1512 : vector<1x16xf32> to vector<16xf32>
    %broadcast_in_dim3A_1514 = vector.shape_cast %get3A_1513 : vector<16xf32> to vector<1x16xf32>
    %add3A_1515 = vector.broadcast %broadcast_in_dim3A_1514 : vector<1x16xf32> to vector<256x16xf32>
    %add3A_1516 = arith.addf %dot_general3A_1509, %add3A_1515 : vector<256x16xf32>
    %max3A_1517 = arith.constant 0.000000e+00 : f32
    %max3A_1518 = vector.broadcast %max3A_1517 : f32 to vector<256x16xf32>
    %max3A_1519 = arith.maximumf %add3A_1516, %max3A_1518 : vector<256x16xf32>
    %concatenate3A_1520 = tpu.concatenate %max3A_1379, %max3A_1399, %max3A_1419, %max3A_1439, %max3A_1459, %max3A_1479, %max3A_1499, %max3A_1519 in 0 : vector<256x16xf32>, vector<256x16xf32>, vector<256x16xf32>, vector<256x16xf32>, vector<256x16xf32>, vector<256x16xf32>, vector<256x16xf32>, vector<256x16xf32> -> vector<2048x16xf32>
    %get3A_1521 = arith.constant 9 : index
    %get3A_1522 = arith.constant 0 : index
    %get3A_1523 = arith.constant 0 : index
    %get3A_1524 = vector.load %arg3[%get3A_1521, %get3A_1522, %get3A_1523] : memref<12x16x16xf32, #tpu.memory_space<vmem>>, vector<1x16x16xf32>
    %get3A_1525 = vector.shape_cast %get3A_1524 : vector<1x16x16xf32> to vector<16x16xf32>
    %convert_element_type3A_1526 = arith.truncf %get3A_1525 : vector<16x16xf32> to vector<16x16xbf16>
    %convert_element_type3A_1527 = arith.truncf %concatenate3A_1520 : vector<2048x16xf32> to vector<2048x16xbf16>
    %get3A_1528 = arith.constant 0 : index
    %get3A_1529 = arith.constant 0 : index
    %get3A_1530 = arith.constant 0 : index
    %get3A_1531 = vector.load %arg14[%get3A_1528, %get3A_1529, %get3A_1530] : memref<1x2048x2048xbf16, #tpu.memory_space<vmem>>, vector<1x256x2048xbf16>
    %get3A_1532 = vector.shape_cast %get3A_1531 : vector<1x256x2048xbf16> to vector<256x2048xbf16>
    %dot_general3A_1533 = arith.constant dense<0.000000e+00> : vector<256x16xf32>
    %dot_general3A_1534 = tpu.matmul %get3A_1532, %convert_element_type3A_1527, %dot_general3A_1533 {dimension_numbers = #tpu.dot_dimension_numbers<[1], [0], [0], [1], [0, 0, 1, 1], [], []>, transpose_lhs_hint = false} : vector<256x2048xbf16>, vector<2048x16xbf16>, vector<256x16xf32> -> vector<256x16xf32>
    %convert_element_type3A_1535 = arith.truncf %dot_general3A_1534 : vector<256x16xf32> to vector<256x16xbf16>
    %dot_general3A_1536 = arith.constant dense<0.000000e+00> : vector<256x16xf32>
    %dot_general3A_1537 = tpu.matmul %convert_element_type3A_1535, %convert_element_type3A_1526, %dot_general3A_1536 {dimension_numbers = #tpu.dot_dimension_numbers<[1], [0], [0], [1], [0, 0, 1, 1], [], []>, transpose_lhs_hint = false} : vector<256x16xbf16>, vector<16x16xbf16>, vector<256x16xf32> -> vector<256x16xf32>
    %get3A_1538 = arith.constant 9 : index
    %get3A_1539 = arith.constant 0 : index
    %get3A_1540 = vector.load %arg4[%get3A_1538, %get3A_1539] : memref<12x16xf32, #tpu.memory_space<vmem>>, vector<1x16xf32>
    %get3A_1541 = vector.shape_cast %get3A_1540 : vector<1x16xf32> to vector<16xf32>
    %broadcast_in_dim3A_1542 = vector.shape_cast %get3A_1541 : vector<16xf32> to vector<1x16xf32>
    %add3A_1543 = vector.broadcast %broadcast_in_dim3A_1542 : vector<1x16xf32> to vector<256x16xf32>
    %add3A_1544 = arith.addf %dot_general3A_1537, %add3A_1543 : vector<256x16xf32>
    %max3A_1545 = arith.constant 0.000000e+00 : f32
    %max3A_1546 = vector.broadcast %max3A_1545 : f32 to vector<256x16xf32>
    %max3A_1547 = arith.maximumf %add3A_1544, %max3A_1546 : vector<256x16xf32>
    %get3A_1548 = arith.constant 0 : index
    %get3A_1549 = arith.constant 256 : index
    %get3A_1550 = arith.constant 0 : index
    %get3A_1551 = vector.load %arg14[%get3A_1548, %get3A_1549, %get3A_1550] : memref<1x2048x2048xbf16, #tpu.memory_space<vmem>>, vector<1x256x2048xbf16>
    %get3A_1552 = vector.shape_cast %get3A_1551 : vector<1x256x2048xbf16> to vector<256x2048xbf16>
    %dot_general3A_1553 = arith.constant dense<0.000000e+00> : vector<256x16xf32>
    %dot_general3A_1554 = tpu.matmul %get3A_1552, %convert_element_type3A_1527, %dot_general3A_1553 {dimension_numbers = #tpu.dot_dimension_numbers<[1], [0], [0], [1], [0, 0, 1, 1], [], []>, transpose_lhs_hint = false} : vector<256x2048xbf16>, vector<2048x16xbf16>, vector<256x16xf32> -> vector<256x16xf32>
    %convert_element_type3A_1555 = arith.truncf %dot_general3A_1554 : vector<256x16xf32> to vector<256x16xbf16>
    %dot_general3A_1556 = arith.constant dense<0.000000e+00> : vector<256x16xf32>
    %dot_general3A_1557 = tpu.matmul %convert_element_type3A_1555, %convert_element_type3A_1526, %dot_general3A_1556 {dimension_numbers = #tpu.dot_dimension_numbers<[1], [0], [0], [1], [0, 0, 1, 1], [], []>, transpose_lhs_hint = false} : vector<256x16xbf16>, vector<16x16xbf16>, vector<256x16xf32> -> vector<256x16xf32>
    %get3A_1558 = arith.constant 9 : index
    %get3A_1559 = arith.constant 0 : index
    %get3A_1560 = vector.load %arg4[%get3A_1558, %get3A_1559] : memref<12x16xf32, #tpu.memory_space<vmem>>, vector<1x16xf32>
    %get3A_1561 = vector.shape_cast %get3A_1560 : vector<1x16xf32> to vector<16xf32>
    %broadcast_in_dim3A_1562 = vector.shape_cast %get3A_1561 : vector<16xf32> to vector<1x16xf32>
    %add3A_1563 = vector.broadcast %broadcast_in_dim3A_1562 : vector<1x16xf32> to vector<256x16xf32>
    %add3A_1564 = arith.addf %dot_general3A_1557, %add3A_1563 : vector<256x16xf32>
    %max3A_1565 = arith.constant 0.000000e+00 : f32
    %max3A_1566 = vector.broadcast %max3A_1565 : f32 to vector<256x16xf32>
    %max3A_1567 = arith.maximumf %add3A_1564, %max3A_1566 : vector<256x16xf32>
    %get3A_1568 = arith.constant 0 : index
    %get3A_1569 = arith.constant 512 : index
    %get3A_1570 = arith.constant 0 : index
    %get3A_1571 = vector.load %arg14[%get3A_1568, %get3A_1569, %get3A_1570] : memref<1x2048x2048xbf16, #tpu.memory_space<vmem>>, vector<1x256x2048xbf16>
    %get3A_1572 = vector.shape_cast %get3A_1571 : vector<1x256x2048xbf16> to vector<256x2048xbf16>
    %dot_general3A_1573 = arith.constant dense<0.000000e+00> : vector<256x16xf32>
    %dot_general3A_1574 = tpu.matmul %get3A_1572, %convert_element_type3A_1527, %dot_general3A_1573 {dimension_numbers = #tpu.dot_dimension_numbers<[1], [0], [0], [1], [0, 0, 1, 1], [], []>, transpose_lhs_hint = false} : vector<256x2048xbf16>, vector<2048x16xbf16>, vector<256x16xf32> -> vector<256x16xf32>
    %convert_element_type3A_1575 = arith.truncf %dot_general3A_1574 : vector<256x16xf32> to vector<256x16xbf16>
    %dot_general3A_1576 = arith.constant dense<0.000000e+00> : vector<256x16xf32>
    %dot_general3A_1577 = tpu.matmul %convert_element_type3A_1575, %convert_element_type3A_1526, %dot_general3A_1576 {dimension_numbers = #tpu.dot_dimension_numbers<[1], [0], [0], [1], [0, 0, 1, 1], [], []>, transpose_lhs_hint = false} : vector<256x16xbf16>, vector<16x16xbf16>, vector<256x16xf32> -> vector<256x16xf32>
    %get3A_1578 = arith.constant 9 : index
    %get3A_1579 = arith.constant 0 : index
    %get3A_1580 = vector.load %arg4[%get3A_1578, %get3A_1579] : memref<12x16xf32, #tpu.memory_space<vmem>>, vector<1x16xf32>
    %get3A_1581 = vector.shape_cast %get3A_1580 : vector<1x16xf32> to vector<16xf32>
    %broadcast_in_dim3A_1582 = vector.shape_cast %get3A_1581 : vector<16xf32> to vector<1x16xf32>
    %add3A_1583 = vector.broadcast %broadcast_in_dim3A_1582 : vector<1x16xf32> to vector<256x16xf32>
    %add3A_1584 = arith.addf %dot_general3A_1577, %add3A_1583 : vector<256x16xf32>
    %max3A_1585 = arith.constant 0.000000e+00 : f32
    %max3A_1586 = vector.broadcast %max3A_1585 : f32 to vector<256x16xf32>
    %max3A_1587 = arith.maximumf %add3A_1584, %max3A_1586 : vector<256x16xf32>
    %get3A_1588 = arith.constant 0 : index
    %get3A_1589 = arith.constant 768 : index
    %get3A_1590 = arith.constant 0 : index
    %get3A_1591 = vector.load %arg14[%get3A_1588, %get3A_1589, %get3A_1590] : memref<1x2048x2048xbf16, #tpu.memory_space<vmem>>, vector<1x256x2048xbf16>
    %get3A_1592 = vector.shape_cast %get3A_1591 : vector<1x256x2048xbf16> to vector<256x2048xbf16>
    %dot_general3A_1593 = arith.constant dense<0.000000e+00> : vector<256x16xf32>
    %dot_general3A_1594 = tpu.matmul %get3A_1592, %convert_element_type3A_1527, %dot_general3A_1593 {dimension_numbers = #tpu.dot_dimension_numbers<[1], [0], [0], [1], [0, 0, 1, 1], [], []>, transpose_lhs_hint = false} : vector<256x2048xbf16>, vector<2048x16xbf16>, vector<256x16xf32> -> vector<256x16xf32>
    %convert_element_type3A_1595 = arith.truncf %dot_general3A_1594 : vector<256x16xf32> to vector<256x16xbf16>
    %dot_general3A_1596 = arith.constant dense<0.000000e+00> : vector<256x16xf32>
    %dot_general3A_1597 = tpu.matmul %convert_element_type3A_1595, %convert_element_type3A_1526, %dot_general3A_1596 {dimension_numbers = #tpu.dot_dimension_numbers<[1], [0], [0], [1], [0, 0, 1, 1], [], []>, transpose_lhs_hint = false} : vector<256x16xbf16>, vector<16x16xbf16>, vector<256x16xf32> -> vector<256x16xf32>
    %get3A_1598 = arith.constant 9 : index
    %get3A_1599 = arith.constant 0 : index
    %get3A_1600 = vector.load %arg4[%get3A_1598, %get3A_1599] : memref<12x16xf32, #tpu.memory_space<vmem>>, vector<1x16xf32>
    %get3A_1601 = vector.shape_cast %get3A_1600 : vector<1x16xf32> to vector<16xf32>
    %broadcast_in_dim3A_1602 = vector.shape_cast %get3A_1601 : vector<16xf32> to vector<1x16xf32>
    %add3A_1603 = vector.broadcast %broadcast_in_dim3A_1602 : vector<1x16xf32> to vector<256x16xf32>
    %add3A_1604 = arith.addf %dot_general3A_1597, %add3A_1603 : vector<256x16xf32>
    %max3A_1605 = arith.constant 0.000000e+00 : f32
    %max3A_1606 = vector.broadcast %max3A_1605 : f32 to vector<256x16xf32>
    %max3A_1607 = arith.maximumf %add3A_1604, %max3A_1606 : vector<256x16xf32>
    %get3A_1608 = arith.constant 0 : index
    %get3A_1609 = arith.constant 1024 : index
    %get3A_1610 = arith.constant 0 : index
    %get3A_1611 = vector.load %arg14[%get3A_1608, %get3A_1609, %get3A_1610] : memref<1x2048x2048xbf16, #tpu.memory_space<vmem>>, vector<1x256x2048xbf16>
    %get3A_1612 = vector.shape_cast %get3A_1611 : vector<1x256x2048xbf16> to vector<256x2048xbf16>
    %dot_general3A_1613 = arith.constant dense<0.000000e+00> : vector<256x16xf32>
    %dot_general3A_1614 = tpu.matmul %get3A_1612, %convert_element_type3A_1527, %dot_general3A_1613 {dimension_numbers = #tpu.dot_dimension_numbers<[1], [0], [0], [1], [0, 0, 1, 1], [], []>, transpose_lhs_hint = false} : vector<256x2048xbf16>, vector<2048x16xbf16>, vector<256x16xf32> -> vector<256x16xf32>
    %convert_element_type3A_1615 = arith.truncf %dot_general3A_1614 : vector<256x16xf32> to vector<256x16xbf16>
    %dot_general3A_1616 = arith.constant dense<0.000000e+00> : vector<256x16xf32>
    %dot_general3A_1617 = tpu.matmul %convert_element_type3A_1615, %convert_element_type3A_1526, %dot_general3A_1616 {dimension_numbers = #tpu.dot_dimension_numbers<[1], [0], [0], [1], [0, 0, 1, 1], [], []>, transpose_lhs_hint = false} : vector<256x16xbf16>, vector<16x16xbf16>, vector<256x16xf32> -> vector<256x16xf32>
    %get3A_1618 = arith.constant 9 : index
    %get3A_1619 = arith.constant 0 : index
    %get3A_1620 = vector.load %arg4[%get3A_1618, %get3A_1619] : memref<12x16xf32, #tpu.memory_space<vmem>>, vector<1x16xf32>
    %get3A_1621 = vector.shape_cast %get3A_1620 : vector<1x16xf32> to vector<16xf32>
    %broadcast_in_dim3A_1622 = vector.shape_cast %get3A_1621 : vector<16xf32> to vector<1x16xf32>
    %add3A_1623 = vector.broadcast %broadcast_in_dim3A_1622 : vector<1x16xf32> to vector<256x16xf32>
    %add3A_1624 = arith.addf %dot_general3A_1617, %add3A_1623 : vector<256x16xf32>
    %max3A_1625 = arith.constant 0.000000e+00 : f32
    %max3A_1626 = vector.broadcast %max3A_1625 : f32 to vector<256x16xf32>
    %max3A_1627 = arith.maximumf %add3A_1624, %max3A_1626 : vector<256x16xf32>
    %get3A_1628 = arith.constant 0 : index
    %get3A_1629 = arith.constant 1280 : index
    %get3A_1630 = arith.constant 0 : index
    %get3A_1631 = vector.load %arg14[%get3A_1628, %get3A_1629, %get3A_1630] : memref<1x2048x2048xbf16, #tpu.memory_space<vmem>>, vector<1x256x2048xbf16>
    %get3A_1632 = vector.shape_cast %get3A_1631 : vector<1x256x2048xbf16> to vector<256x2048xbf16>
    %dot_general3A_1633 = arith.constant dense<0.000000e+00> : vector<256x16xf32>
    %dot_general3A_1634 = tpu.matmul %get3A_1632, %convert_element_type3A_1527, %dot_general3A_1633 {dimension_numbers = #tpu.dot_dimension_numbers<[1], [0], [0], [1], [0, 0, 1, 1], [], []>, transpose_lhs_hint = false} : vector<256x2048xbf16>, vector<2048x16xbf16>, vector<256x16xf32> -> vector<256x16xf32>
    %convert_element_type3A_1635 = arith.truncf %dot_general3A_1634 : vector<256x16xf32> to vector<256x16xbf16>
    %dot_general3A_1636 = arith.constant dense<0.000000e+00> : vector<256x16xf32>
    %dot_general3A_1637 = tpu.matmul %convert_element_type3A_1635, %convert_element_type3A_1526, %dot_general3A_1636 {dimension_numbers = #tpu.dot_dimension_numbers<[1], [0], [0], [1], [0, 0, 1, 1], [], []>, transpose_lhs_hint = false} : vector<256x16xbf16>, vector<16x16xbf16>, vector<256x16xf32> -> vector<256x16xf32>
    %get3A_1638 = arith.constant 9 : index
    %get3A_1639 = arith.constant 0 : index
    %get3A_1640 = vector.load %arg4[%get3A_1638, %get3A_1639] : memref<12x16xf32, #tpu.memory_space<vmem>>, vector<1x16xf32>
    %get3A_1641 = vector.shape_cast %get3A_1640 : vector<1x16xf32> to vector<16xf32>
    %broadcast_in_dim3A_1642 = vector.shape_cast %get3A_1641 : vector<16xf32> to vector<1x16xf32>
    %add3A_1643 = vector.broadcast %broadcast_in_dim3A_1642 : vector<1x16xf32> to vector<256x16xf32>
    %add3A_1644 = arith.addf %dot_general3A_1637, %add3A_1643 : vector<256x16xf32>
    %max3A_1645 = arith.constant 0.000000e+00 : f32
    %max3A_1646 = vector.broadcast %max3A_1645 : f32 to vector<256x16xf32>
    %max3A_1647 = arith.maximumf %add3A_1644, %max3A_1646 : vector<256x16xf32>
    %get3A_1648 = arith.constant 0 : index
    %get3A_1649 = arith.constant 1536 : index
    %get3A_1650 = arith.constant 0 : index
    %get3A_1651 = vector.load %arg14[%get3A_1648, %get3A_1649, %get3A_1650] : memref<1x2048x2048xbf16, #tpu.memory_space<vmem>>, vector<1x256x2048xbf16>
    %get3A_1652 = vector.shape_cast %get3A_1651 : vector<1x256x2048xbf16> to vector<256x2048xbf16>
    %dot_general3A_1653 = arith.constant dense<0.000000e+00> : vector<256x16xf32>
    %dot_general3A_1654 = tpu.matmul %get3A_1652, %convert_element_type3A_1527, %dot_general3A_1653 {dimension_numbers = #tpu.dot_dimension_numbers<[1], [0], [0], [1], [0, 0, 1, 1], [], []>, transpose_lhs_hint = false} : vector<256x2048xbf16>, vector<2048x16xbf16>, vector<256x16xf32> -> vector<256x16xf32>
    %convert_element_type3A_1655 = arith.truncf %dot_general3A_1654 : vector<256x16xf32> to vector<256x16xbf16>
    %dot_general3A_1656 = arith.constant dense<0.000000e+00> : vector<256x16xf32>
    %dot_general3A_1657 = tpu.matmul %convert_element_type3A_1655, %convert_element_type3A_1526, %dot_general3A_1656 {dimension_numbers = #tpu.dot_dimension_numbers<[1], [0], [0], [1], [0, 0, 1, 1], [], []>, transpose_lhs_hint = false} : vector<256x16xbf16>, vector<16x16xbf16>, vector<256x16xf32> -> vector<256x16xf32>
    %get3A_1658 = arith.constant 9 : index
    %get3A_1659 = arith.constant 0 : index
    %get3A_1660 = vector.load %arg4[%get3A_1658, %get3A_1659] : memref<12x16xf32, #tpu.memory_space<vmem>>, vector<1x16xf32>
    %get3A_1661 = vector.shape_cast %get3A_1660 : vector<1x16xf32> to vector<16xf32>
    %broadcast_in_dim3A_1662 = vector.shape_cast %get3A_1661 : vector<16xf32> to vector<1x16xf32>
    %add3A_1663 = vector.broadcast %broadcast_in_dim3A_1662 : vector<1x16xf32> to vector<256x16xf32>
    %add3A_1664 = arith.addf %dot_general3A_1657, %add3A_1663 : vector<256x16xf32>
    %max3A_1665 = arith.constant 0.000000e+00 : f32
    %max3A_1666 = vector.broadcast %max3A_1665 : f32 to vector<256x16xf32>
    %max3A_1667 = arith.maximumf %add3A_1664, %max3A_1666 : vector<256x16xf32>
    %get3A_1668 = arith.constant 0 : index
    %get3A_1669 = arith.constant 1792 : index
    %get3A_1670 = arith.constant 0 : index
    %get3A_1671 = vector.load %arg14[%get3A_1668, %get3A_1669, %get3A_1670] : memref<1x2048x2048xbf16, #tpu.memory_space<vmem>>, vector<1x256x2048xbf16>
    %get3A_1672 = vector.shape_cast %get3A_1671 : vector<1x256x2048xbf16> to vector<256x2048xbf16>
    %dot_general3A_1673 = arith.constant dense<0.000000e+00> : vector<256x16xf32>
    %dot_general3A_1674 = tpu.matmul %get3A_1672, %convert_element_type3A_1527, %dot_general3A_1673 {dimension_numbers = #tpu.dot_dimension_numbers<[1], [0], [0], [1], [0, 0, 1, 1], [], []>, transpose_lhs_hint = false} : vector<256x2048xbf16>, vector<2048x16xbf16>, vector<256x16xf32> -> vector<256x16xf32>
    %convert_element_type3A_1675 = arith.truncf %dot_general3A_1674 : vector<256x16xf32> to vector<256x16xbf16>
    %dot_general3A_1676 = arith.constant dense<0.000000e+00> : vector<256x16xf32>
    %dot_general3A_1677 = tpu.matmul %convert_element_type3A_1675, %convert_element_type3A_1526, %dot_general3A_1676 {dimension_numbers = #tpu.dot_dimension_numbers<[1], [0], [0], [1], [0, 0, 1, 1], [], []>, transpose_lhs_hint = false} : vector<256x16xbf16>, vector<16x16xbf16>, vector<256x16xf32> -> vector<256x16xf32>
    %get3A_1678 = arith.constant 9 : index
    %get3A_1679 = arith.constant 0 : index
    %get3A_1680 = vector.load %arg4[%get3A_1678, %get3A_1679] : memref<12x16xf32, #tpu.memory_space<vmem>>, vector<1x16xf32>
    %get3A_1681 = vector.shape_cast %get3A_1680 : vector<1x16xf32> to vector<16xf32>
    %broadcast_in_dim3A_1682 = vector.shape_cast %get3A_1681 : vector<16xf32> to vector<1x16xf32>
    %add3A_1683 = vector.broadcast %broadcast_in_dim3A_1682 : vector<1x16xf32> to vector<256x16xf32>
    %add3A_1684 = arith.addf %dot_general3A_1677, %add3A_1683 : vector<256x16xf32>
    %max3A_1685 = arith.constant 0.000000e+00 : f32
    %max3A_1686 = vector.broadcast %max3A_1685 : f32 to vector<256x16xf32>
    %max3A_1687 = arith.maximumf %add3A_1684, %max3A_1686 : vector<256x16xf32>
    %concatenate3A_1688 = tpu.concatenate %max3A_1547, %max3A_1567, %max3A_1587, %max3A_1607, %max3A_1627, %max3A_1647, %max3A_1667, %max3A_1687 in 0 : vector<256x16xf32>, vector<256x16xf32>, vector<256x16xf32>, vector<256x16xf32>, vector<256x16xf32>, vector<256x16xf32>, vector<256x16xf32>, vector<256x16xf32> -> vector<2048x16xf32>
    %get3A_1689 = arith.constant 10 : index
    %get3A_1690 = arith.constant 0 : index
    %get3A_1691 = arith.constant 0 : index
    %get3A_1692 = vector.load %arg3[%get3A_1689, %get3A_1690, %get3A_1691] : memref<12x16x16xf32, #tpu.memory_space<vmem>>, vector<1x16x16xf32>
    %get3A_1693 = vector.shape_cast %get3A_1692 : vector<1x16x16xf32> to vector<16x16xf32>
    %convert_element_type3A_1694 = arith.truncf %get3A_1693 : vector<16x16xf32> to vector<16x16xbf16>
    %convert_element_type3A_1695 = arith.truncf %concatenate3A_1688 : vector<2048x16xf32> to vector<2048x16xbf16>
    %get3A_1696 = arith.constant 0 : index
    %get3A_1697 = arith.constant 0 : index
    %get3A_1698 = arith.constant 0 : index
    %get3A_1699 = vector.load %arg14[%get3A_1696, %get3A_1697, %get3A_1698] : memref<1x2048x2048xbf16, #tpu.memory_space<vmem>>, vector<1x256x2048xbf16>
    %get3A_1700 = vector.shape_cast %get3A_1699 : vector<1x256x2048xbf16> to vector<256x2048xbf16>
    %dot_general3A_1701 = arith.constant dense<0.000000e+00> : vector<256x16xf32>
    %dot_general3A_1702 = tpu.matmul %get3A_1700, %convert_element_type3A_1695, %dot_general3A_1701 {dimension_numbers = #tpu.dot_dimension_numbers<[1], [0], [0], [1], [0, 0, 1, 1], [], []>, transpose_lhs_hint = false} : vector<256x2048xbf16>, vector<2048x16xbf16>, vector<256x16xf32> -> vector<256x16xf32>
    %convert_element_type3A_1703 = arith.truncf %dot_general3A_1702 : vector<256x16xf32> to vector<256x16xbf16>
    %dot_general3A_1704 = arith.constant dense<0.000000e+00> : vector<256x16xf32>
    %dot_general3A_1705 = tpu.matmul %convert_element_type3A_1703, %convert_element_type3A_1694, %dot_general3A_1704 {dimension_numbers = #tpu.dot_dimension_numbers<[1], [0], [0], [1], [0, 0, 1, 1], [], []>, transpose_lhs_hint = false} : vector<256x16xbf16>, vector<16x16xbf16>, vector<256x16xf32> -> vector<256x16xf32>
    %get3A_1706 = arith.constant 10 : index
    %get3A_1707 = arith.constant 0 : index
    %get3A_1708 = vector.load %arg4[%get3A_1706, %get3A_1707] : memref<12x16xf32, #tpu.memory_space<vmem>>, vector<1x16xf32>
    %get3A_1709 = vector.shape_cast %get3A_1708 : vector<1x16xf32> to vector<16xf32>
    %broadcast_in_dim3A_1710 = vector.shape_cast %get3A_1709 : vector<16xf32> to vector<1x16xf32>
    %add3A_1711 = vector.broadcast %broadcast_in_dim3A_1710 : vector<1x16xf32> to vector<256x16xf32>
    %add3A_1712 = arith.addf %dot_general3A_1705, %add3A_1711 : vector<256x16xf32>
    %max3A_1713 = arith.constant 0.000000e+00 : f32
    %max3A_1714 = vector.broadcast %max3A_1713 : f32 to vector<256x16xf32>
    %max3A_1715 = arith.maximumf %add3A_1712, %max3A_1714 : vector<256x16xf32>
    %get3A_1716 = arith.constant 0 : index
    %get3A_1717 = arith.constant 256 : index
    %get3A_1718 = arith.constant 0 : index
    %get3A_1719 = vector.load %arg14[%get3A_1716, %get3A_1717, %get3A_1718] : memref<1x2048x2048xbf16, #tpu.memory_space<vmem>>, vector<1x256x2048xbf16>
    %get3A_1720 = vector.shape_cast %get3A_1719 : vector<1x256x2048xbf16> to vector<256x2048xbf16>
    %dot_general3A_1721 = arith.constant dense<0.000000e+00> : vector<256x16xf32>
    %dot_general3A_1722 = tpu.matmul %get3A_1720, %convert_element_type3A_1695, %dot_general3A_1721 {dimension_numbers = #tpu.dot_dimension_numbers<[1], [0], [0], [1], [0, 0, 1, 1], [], []>, transpose_lhs_hint = false} : vector<256x2048xbf16>, vector<2048x16xbf16>, vector<256x16xf32> -> vector<256x16xf32>
    %convert_element_type3A_1723 = arith.truncf %dot_general3A_1722 : vector<256x16xf32> to vector<256x16xbf16>
    %dot_general3A_1724 = arith.constant dense<0.000000e+00> : vector<256x16xf32>
    %dot_general3A_1725 = tpu.matmul %convert_element_type3A_1723, %convert_element_type3A_1694, %dot_general3A_1724 {dimension_numbers = #tpu.dot_dimension_numbers<[1], [0], [0], [1], [0, 0, 1, 1], [], []>, transpose_lhs_hint = false} : vector<256x16xbf16>, vector<16x16xbf16>, vector<256x16xf32> -> vector<256x16xf32>
    %get3A_1726 = arith.constant 10 : index
    %get3A_1727 = arith.constant 0 : index
    %get3A_1728 = vector.load %arg4[%get3A_1726, %get3A_1727] : memref<12x16xf32, #tpu.memory_space<vmem>>, vector<1x16xf32>
    %get3A_1729 = vector.shape_cast %get3A_1728 : vector<1x16xf32> to vector<16xf32>
    %broadcast_in_dim3A_1730 = vector.shape_cast %get3A_1729 : vector<16xf32> to vector<1x16xf32>
    %add3A_1731 = vector.broadcast %broadcast_in_dim3A_1730 : vector<1x16xf32> to vector<256x16xf32>
    %add3A_1732 = arith.addf %dot_general3A_1725, %add3A_1731 : vector<256x16xf32>
    %max3A_1733 = arith.constant 0.000000e+00 : f32
    %max3A_1734 = vector.broadcast %max3A_1733 : f32 to vector<256x16xf32>
    %max3A_1735 = arith.maximumf %add3A_1732, %max3A_1734 : vector<256x16xf32>
    %get3A_1736 = arith.constant 0 : index
    %get3A_1737 = arith.constant 512 : index
    %get3A_1738 = arith.constant 0 : index
    %get3A_1739 = vector.load %arg14[%get3A_1736, %get3A_1737, %get3A_1738] : memref<1x2048x2048xbf16, #tpu.memory_space<vmem>>, vector<1x256x2048xbf16>
    %get3A_1740 = vector.shape_cast %get3A_1739 : vector<1x256x2048xbf16> to vector<256x2048xbf16>
    %dot_general3A_1741 = arith.constant dense<0.000000e+00> : vector<256x16xf32>
    %dot_general3A_1742 = tpu.matmul %get3A_1740, %convert_element_type3A_1695, %dot_general3A_1741 {dimension_numbers = #tpu.dot_dimension_numbers<[1], [0], [0], [1], [0, 0, 1, 1], [], []>, transpose_lhs_hint = false} : vector<256x2048xbf16>, vector<2048x16xbf16>, vector<256x16xf32> -> vector<256x16xf32>
    %convert_element_type3A_1743 = arith.truncf %dot_general3A_1742 : vector<256x16xf32> to vector<256x16xbf16>
    %dot_general3A_1744 = arith.constant dense<0.000000e+00> : vector<256x16xf32>
    %dot_general3A_1745 = tpu.matmul %convert_element_type3A_1743, %convert_element_type3A_1694, %dot_general3A_1744 {dimension_numbers = #tpu.dot_dimension_numbers<[1], [0], [0], [1], [0, 0, 1, 1], [], []>, transpose_lhs_hint = false} : vector<256x16xbf16>, vector<16x16xbf16>, vector<256x16xf32> -> vector<256x16xf32>
    %get3A_1746 = arith.constant 10 : index
    %get3A_1747 = arith.constant 0 : index
    %get3A_1748 = vector.load %arg4[%get3A_1746, %get3A_1747] : memref<12x16xf32, #tpu.memory_space<vmem>>, vector<1x16xf32>
    %get3A_1749 = vector.shape_cast %get3A_1748 : vector<1x16xf32> to vector<16xf32>
    %broadcast_in_dim3A_1750 = vector.shape_cast %get3A_1749 : vector<16xf32> to vector<1x16xf32>
    %add3A_1751 = vector.broadcast %broadcast_in_dim3A_1750 : vector<1x16xf32> to vector<256x16xf32>
    %add3A_1752 = arith.addf %dot_general3A_1745, %add3A_1751 : vector<256x16xf32>
    %max3A_1753 = arith.constant 0.000000e+00 : f32
    %max3A_1754 = vector.broadcast %max3A_1753 : f32 to vector<256x16xf32>
    %max3A_1755 = arith.maximumf %add3A_1752, %max3A_1754 : vector<256x16xf32>
    %get3A_1756 = arith.constant 0 : index
    %get3A_1757 = arith.constant 768 : index
    %get3A_1758 = arith.constant 0 : index
    %get3A_1759 = vector.load %arg14[%get3A_1756, %get3A_1757, %get3A_1758] : memref<1x2048x2048xbf16, #tpu.memory_space<vmem>>, vector<1x256x2048xbf16>
    %get3A_1760 = vector.shape_cast %get3A_1759 : vector<1x256x2048xbf16> to vector<256x2048xbf16>
    %dot_general3A_1761 = arith.constant dense<0.000000e+00> : vector<256x16xf32>
    %dot_general3A_1762 = tpu.matmul %get3A_1760, %convert_element_type3A_1695, %dot_general3A_1761 {dimension_numbers = #tpu.dot_dimension_numbers<[1], [0], [0], [1], [0, 0, 1, 1], [], []>, transpose_lhs_hint = false} : vector<256x2048xbf16>, vector<2048x16xbf16>, vector<256x16xf32> -> vector<256x16xf32>
    %convert_element_type3A_1763 = arith.truncf %dot_general3A_1762 : vector<256x16xf32> to vector<256x16xbf16>
    %dot_general3A_1764 = arith.constant dense<0.000000e+00> : vector<256x16xf32>
    %dot_general3A_1765 = tpu.matmul %convert_element_type3A_1763, %convert_element_type3A_1694, %dot_general3A_1764 {dimension_numbers = #tpu.dot_dimension_numbers<[1], [0], [0], [1], [0, 0, 1, 1], [], []>, transpose_lhs_hint = false} : vector<256x16xbf16>, vector<16x16xbf16>, vector<256x16xf32> -> vector<256x16xf32>
    %get3A_1766 = arith.constant 10 : index
    %get3A_1767 = arith.constant 0 : index
    %get3A_1768 = vector.load %arg4[%get3A_1766, %get3A_1767] : memref<12x16xf32, #tpu.memory_space<vmem>>, vector<1x16xf32>
    %get3A_1769 = vector.shape_cast %get3A_1768 : vector<1x16xf32> to vector<16xf32>
    %broadcast_in_dim3A_1770 = vector.shape_cast %get3A_1769 : vector<16xf32> to vector<1x16xf32>
    %add3A_1771 = vector.broadcast %broadcast_in_dim3A_1770 : vector<1x16xf32> to vector<256x16xf32>
    %add3A_1772 = arith.addf %dot_general3A_1765, %add3A_1771 : vector<256x16xf32>
    %max3A_1773 = arith.constant 0.000000e+00 : f32
    %max3A_1774 = vector.broadcast %max3A_1773 : f32 to vector<256x16xf32>
    %max3A_1775 = arith.maximumf %add3A_1772, %max3A_1774 : vector<256x16xf32>
    %get3A_1776 = arith.constant 0 : index
    %get3A_1777 = arith.constant 1024 : index
    %get3A_1778 = arith.constant 0 : index
    %get3A_1779 = vector.load %arg14[%get3A_1776, %get3A_1777, %get3A_1778] : memref<1x2048x2048xbf16, #tpu.memory_space<vmem>>, vector<1x256x2048xbf16>
    %get3A_1780 = vector.shape_cast %get3A_1779 : vector<1x256x2048xbf16> to vector<256x2048xbf16>
    %dot_general3A_1781 = arith.constant dense<0.000000e+00> : vector<256x16xf32>
    %dot_general3A_1782 = tpu.matmul %get3A_1780, %convert_element_type3A_1695, %dot_general3A_1781 {dimension_numbers = #tpu.dot_dimension_numbers<[1], [0], [0], [1], [0, 0, 1, 1], [], []>, transpose_lhs_hint = false} : vector<256x2048xbf16>, vector<2048x16xbf16>, vector<256x16xf32> -> vector<256x16xf32>
    %convert_element_type3A_1783 = arith.truncf %dot_general3A_1782 : vector<256x16xf32> to vector<256x16xbf16>
    %dot_general3A_1784 = arith.constant dense<0.000000e+00> : vector<256x16xf32>
    %dot_general3A_1785 = tpu.matmul %convert_element_type3A_1783, %convert_element_type3A_1694, %dot_general3A_1784 {dimension_numbers = #tpu.dot_dimension_numbers<[1], [0], [0], [1], [0, 0, 1, 1], [], []>, transpose_lhs_hint = false} : vector<256x16xbf16>, vector<16x16xbf16>, vector<256x16xf32> -> vector<256x16xf32>
    %get3A_1786 = arith.constant 10 : index
    %get3A_1787 = arith.constant 0 : index
    %get3A_1788 = vector.load %arg4[%get3A_1786, %get3A_1787] : memref<12x16xf32, #tpu.memory_space<vmem>>, vector<1x16xf32>
    %get3A_1789 = vector.shape_cast %get3A_1788 : vector<1x16xf32> to vector<16xf32>
    %broadcast_in_dim3A_1790 = vector.shape_cast %get3A_1789 : vector<16xf32> to vector<1x16xf32>
    %add3A_1791 = vector.broadcast %broadcast_in_dim3A_1790 : vector<1x16xf32> to vector<256x16xf32>
    %add3A_1792 = arith.addf %dot_general3A_1785, %add3A_1791 : vector<256x16xf32>
    %max3A_1793 = arith.constant 0.000000e+00 : f32
    %max3A_1794 = vector.broadcast %max3A_1793 : f32 to vector<256x16xf32>
    %max3A_1795 = arith.maximumf %add3A_1792, %max3A_1794 : vector<256x16xf32>
    %get3A_1796 = arith.constant 0 : index
    %get3A_1797 = arith.constant 1280 : index
    %get3A_1798 = arith.constant 0 : index
    %get3A_1799 = vector.load %arg14[%get3A_1796, %get3A_1797, %get3A_1798] : memref<1x2048x2048xbf16, #tpu.memory_space<vmem>>, vector<1x256x2048xbf16>
    %get3A_1800 = vector.shape_cast %get3A_1799 : vector<1x256x2048xbf16> to vector<256x2048xbf16>
    %dot_general3A_1801 = arith.constant dense<0.000000e+00> : vector<256x16xf32>
    %dot_general3A_1802 = tpu.matmul %get3A_1800, %convert_element_type3A_1695, %dot_general3A_1801 {dimension_numbers = #tpu.dot_dimension_numbers<[1], [0], [0], [1], [0, 0, 1, 1], [], []>, transpose_lhs_hint = false} : vector<256x2048xbf16>, vector<2048x16xbf16>, vector<256x16xf32> -> vector<256x16xf32>
    %convert_element_type3A_1803 = arith.truncf %dot_general3A_1802 : vector<256x16xf32> to vector<256x16xbf16>
    %dot_general3A_1804 = arith.constant dense<0.000000e+00> : vector<256x16xf32>
    %dot_general3A_1805 = tpu.matmul %convert_element_type3A_1803, %convert_element_type3A_1694, %dot_general3A_1804 {dimension_numbers = #tpu.dot_dimension_numbers<[1], [0], [0], [1], [0, 0, 1, 1], [], []>, transpose_lhs_hint = false} : vector<256x16xbf16>, vector<16x16xbf16>, vector<256x16xf32> -> vector<256x16xf32>
    %get3A_1806 = arith.constant 10 : index
    %get3A_1807 = arith.constant 0 : index
    %get3A_1808 = vector.load %arg4[%get3A_1806, %get3A_1807] : memref<12x16xf32, #tpu.memory_space<vmem>>, vector<1x16xf32>
    %get3A_1809 = vector.shape_cast %get3A_1808 : vector<1x16xf32> to vector<16xf32>
    %broadcast_in_dim3A_1810 = vector.shape_cast %get3A_1809 : vector<16xf32> to vector<1x16xf32>
    %add3A_1811 = vector.broadcast %broadcast_in_dim3A_1810 : vector<1x16xf32> to vector<256x16xf32>
    %add3A_1812 = arith.addf %dot_general3A_1805, %add3A_1811 : vector<256x16xf32>
    %max3A_1813 = arith.constant 0.000000e+00 : f32
    %max3A_1814 = vector.broadcast %max3A_1813 : f32 to vector<256x16xf32>
    %max3A_1815 = arith.maximumf %add3A_1812, %max3A_1814 : vector<256x16xf32>
    %get3A_1816 = arith.constant 0 : index
    %get3A_1817 = arith.constant 1536 : index
    %get3A_1818 = arith.constant 0 : index
    %get3A_1819 = vector.load %arg14[%get3A_1816, %get3A_1817, %get3A_1818] : memref<1x2048x2048xbf16, #tpu.memory_space<vmem>>, vector<1x256x2048xbf16>
    %get3A_1820 = vector.shape_cast %get3A_1819 : vector<1x256x2048xbf16> to vector<256x2048xbf16>
    %dot_general3A_1821 = arith.constant dense<0.000000e+00> : vector<256x16xf32>
    %dot_general3A_1822 = tpu.matmul %get3A_1820, %convert_element_type3A_1695, %dot_general3A_1821 {dimension_numbers = #tpu.dot_dimension_numbers<[1], [0], [0], [1], [0, 0, 1, 1], [], []>, transpose_lhs_hint = false} : vector<256x2048xbf16>, vector<2048x16xbf16>, vector<256x16xf32> -> vector<256x16xf32>
    %convert_element_type3A_1823 = arith.truncf %dot_general3A_1822 : vector<256x16xf32> to vector<256x16xbf16>
    %dot_general3A_1824 = arith.constant dense<0.000000e+00> : vector<256x16xf32>
    %dot_general3A_1825 = tpu.matmul %convert_element_type3A_1823, %convert_element_type3A_1694, %dot_general3A_1824 {dimension_numbers = #tpu.dot_dimension_numbers<[1], [0], [0], [1], [0, 0, 1, 1], [], []>, transpose_lhs_hint = false} : vector<256x16xbf16>, vector<16x16xbf16>, vector<256x16xf32> -> vector<256x16xf32>
    %get3A_1826 = arith.constant 10 : index
    %get3A_1827 = arith.constant 0 : index
    %get3A_1828 = vector.load %arg4[%get3A_1826, %get3A_1827] : memref<12x16xf32, #tpu.memory_space<vmem>>, vector<1x16xf32>
    %get3A_1829 = vector.shape_cast %get3A_1828 : vector<1x16xf32> to vector<16xf32>
    %broadcast_in_dim3A_1830 = vector.shape_cast %get3A_1829 : vector<16xf32> to vector<1x16xf32>
    %add3A_1831 = vector.broadcast %broadcast_in_dim3A_1830 : vector<1x16xf32> to vector<256x16xf32>
    %add3A_1832 = arith.addf %dot_general3A_1825, %add3A_1831 : vector<256x16xf32>
    %max3A_1833 = arith.constant 0.000000e+00 : f32
    %max3A_1834 = vector.broadcast %max3A_1833 : f32 to vector<256x16xf32>
    %max3A_1835 = arith.maximumf %add3A_1832, %max3A_1834 : vector<256x16xf32>
    %get3A_1836 = arith.constant 0 : index
    %get3A_1837 = arith.constant 1792 : index
    %get3A_1838 = arith.constant 0 : index
    %get3A_1839 = vector.load %arg14[%get3A_1836, %get3A_1837, %get3A_1838] : memref<1x2048x2048xbf16, #tpu.memory_space<vmem>>, vector<1x256x2048xbf16>
    %get3A_1840 = vector.shape_cast %get3A_1839 : vector<1x256x2048xbf16> to vector<256x2048xbf16>
    %dot_general3A_1841 = arith.constant dense<0.000000e+00> : vector<256x16xf32>
    %dot_general3A_1842 = tpu.matmul %get3A_1840, %convert_element_type3A_1695, %dot_general3A_1841 {dimension_numbers = #tpu.dot_dimension_numbers<[1], [0], [0], [1], [0, 0, 1, 1], [], []>, transpose_lhs_hint = false} : vector<256x2048xbf16>, vector<2048x16xbf16>, vector<256x16xf32> -> vector<256x16xf32>
    %convert_element_type3A_1843 = arith.truncf %dot_general3A_1842 : vector<256x16xf32> to vector<256x16xbf16>
    %dot_general3A_1844 = arith.constant dense<0.000000e+00> : vector<256x16xf32>
    %dot_general3A_1845 = tpu.matmul %convert_element_type3A_1843, %convert_element_type3A_1694, %dot_general3A_1844 {dimension_numbers = #tpu.dot_dimension_numbers<[1], [0], [0], [1], [0, 0, 1, 1], [], []>, transpose_lhs_hint = false} : vector<256x16xbf16>, vector<16x16xbf16>, vector<256x16xf32> -> vector<256x16xf32>
    %get3A_1846 = arith.constant 10 : index
    %get3A_1847 = arith.constant 0 : index
    %get3A_1848 = vector.load %arg4[%get3A_1846, %get3A_1847] : memref<12x16xf32, #tpu.memory_space<vmem>>, vector<1x16xf32>
    %get3A_1849 = vector.shape_cast %get3A_1848 : vector<1x16xf32> to vector<16xf32>
    %broadcast_in_dim3A_1850 = vector.shape_cast %get3A_1849 : vector<16xf32> to vector<1x16xf32>
    %add3A_1851 = vector.broadcast %broadcast_in_dim3A_1850 : vector<1x16xf32> to vector<256x16xf32>
    %add3A_1852 = arith.addf %dot_general3A_1845, %add3A_1851 : vector<256x16xf32>
    %max3A_1853 = arith.constant 0.000000e+00 : f32
    %max3A_1854 = vector.broadcast %max3A_1853 : f32 to vector<256x16xf32>
    %max3A_1855 = arith.maximumf %add3A_1852, %max3A_1854 : vector<256x16xf32>
    %concatenate3A_1856 = tpu.concatenate %max3A_1715, %max3A_1735, %max3A_1755, %max3A_1775, %max3A_1795, %max3A_1815, %max3A_1835, %max3A_1855 in 0 : vector<256x16xf32>, vector<256x16xf32>, vector<256x16xf32>, vector<256x16xf32>, vector<256x16xf32>, vector<256x16xf32>, vector<256x16xf32>, vector<256x16xf32> -> vector<2048x16xf32>
    %get3A_1857 = arith.constant 11 : index
    %get3A_1858 = arith.constant 0 : index
    %get3A_1859 = arith.constant 0 : index
    %get3A_1860 = vector.load %arg3[%get3A_1857, %get3A_1858, %get3A_1859] : memref<12x16x16xf32, #tpu.memory_space<vmem>>, vector<1x16x16xf32>
    %get3A_1861 = vector.shape_cast %get3A_1860 : vector<1x16x16xf32> to vector<16x16xf32>
    %convert_element_type3A_1862 = arith.truncf %get3A_1861 : vector<16x16xf32> to vector<16x16xbf16>
    %convert_element_type3A_1863 = arith.truncf %concatenate3A_1856 : vector<2048x16xf32> to vector<2048x16xbf16>
    %get3A_1864 = arith.constant 0 : index
    %get3A_1865 = arith.constant 0 : index
    %get3A_1866 = arith.constant 0 : index
    %get3A_1867 = vector.load %arg14[%get3A_1864, %get3A_1865, %get3A_1866] : memref<1x2048x2048xbf16, #tpu.memory_space<vmem>>, vector<1x256x2048xbf16>
    %get3A_1868 = vector.shape_cast %get3A_1867 : vector<1x256x2048xbf16> to vector<256x2048xbf16>
    %dot_general3A_1869 = arith.constant dense<0.000000e+00> : vector<256x16xf32>
    %dot_general3A_1870 = tpu.matmul %get3A_1868, %convert_element_type3A_1863, %dot_general3A_1869 {dimension_numbers = #tpu.dot_dimension_numbers<[1], [0], [0], [1], [0, 0, 1, 1], [], []>, transpose_lhs_hint = false} : vector<256x2048xbf16>, vector<2048x16xbf16>, vector<256x16xf32> -> vector<256x16xf32>
    %convert_element_type3A_1871 = arith.truncf %dot_general3A_1870 : vector<256x16xf32> to vector<256x16xbf16>
    %dot_general3A_1872 = arith.constant dense<0.000000e+00> : vector<256x16xf32>
    %dot_general3A_1873 = tpu.matmul %convert_element_type3A_1871, %convert_element_type3A_1862, %dot_general3A_1872 {dimension_numbers = #tpu.dot_dimension_numbers<[1], [0], [0], [1], [0, 0, 1, 1], [], []>, transpose_lhs_hint = false} : vector<256x16xbf16>, vector<16x16xbf16>, vector<256x16xf32> -> vector<256x16xf32>
    %get3A_1874 = arith.constant 11 : index
    %get3A_1875 = arith.constant 0 : index
    %get3A_1876 = vector.load %arg4[%get3A_1874, %get3A_1875] : memref<12x16xf32, #tpu.memory_space<vmem>>, vector<1x16xf32>
    %get3A_1877 = vector.shape_cast %get3A_1876 : vector<1x16xf32> to vector<16xf32>
    %broadcast_in_dim3A_1878 = vector.shape_cast %get3A_1877 : vector<16xf32> to vector<1x16xf32>
    %add3A_1879 = vector.broadcast %broadcast_in_dim3A_1878 : vector<1x16xf32> to vector<256x16xf32>
    %add3A_1880 = arith.addf %dot_general3A_1873, %add3A_1879 : vector<256x16xf32>
    %max3A_1881 = arith.constant 0.000000e+00 : f32
    %max3A_1882 = vector.broadcast %max3A_1881 : f32 to vector<256x16xf32>
    %max3A_1883 = arith.maximumf %add3A_1880, %max3A_1882 : vector<256x16xf32>
    %get3A_1884 = arith.constant 0 : index
    %get3A_1885 = arith.constant 256 : index
    %get3A_1886 = arith.constant 0 : index
    %get3A_1887 = vector.load %arg14[%get3A_1884, %get3A_1885, %get3A_1886] : memref<1x2048x2048xbf16, #tpu.memory_space<vmem>>, vector<1x256x2048xbf16>
    %get3A_1888 = vector.shape_cast %get3A_1887 : vector<1x256x2048xbf16> to vector<256x2048xbf16>
    %dot_general3A_1889 = arith.constant dense<0.000000e+00> : vector<256x16xf32>
    %dot_general3A_1890 = tpu.matmul %get3A_1888, %convert_element_type3A_1863, %dot_general3A_1889 {dimension_numbers = #tpu.dot_dimension_numbers<[1], [0], [0], [1], [0, 0, 1, 1], [], []>, transpose_lhs_hint = false} : vector<256x2048xbf16>, vector<2048x16xbf16>, vector<256x16xf32> -> vector<256x16xf32>
    %convert_element_type3A_1891 = arith.truncf %dot_general3A_1890 : vector<256x16xf32> to vector<256x16xbf16>
    %dot_general3A_1892 = arith.constant dense<0.000000e+00> : vector<256x16xf32>
    %dot_general3A_1893 = tpu.matmul %convert_element_type3A_1891, %convert_element_type3A_1862, %dot_general3A_1892 {dimension_numbers = #tpu.dot_dimension_numbers<[1], [0], [0], [1], [0, 0, 1, 1], [], []>, transpose_lhs_hint = false} : vector<256x16xbf16>, vector<16x16xbf16>, vector<256x16xf32> -> vector<256x16xf32>
    %get3A_1894 = arith.constant 11 : index
    %get3A_1895 = arith.constant 0 : index
    %get3A_1896 = vector.load %arg4[%get3A_1894, %get3A_1895] : memref<12x16xf32, #tpu.memory_space<vmem>>, vector<1x16xf32>
    %get3A_1897 = vector.shape_cast %get3A_1896 : vector<1x16xf32> to vector<16xf32>
    %broadcast_in_dim3A_1898 = vector.shape_cast %get3A_1897 : vector<16xf32> to vector<1x16xf32>
    %add3A_1899 = vector.broadcast %broadcast_in_dim3A_1898 : vector<1x16xf32> to vector<256x16xf32>
    %add3A_1900 = arith.addf %dot_general3A_1893, %add3A_1899 : vector<256x16xf32>
    %max3A_1901 = arith.constant 0.000000e+00 : f32
    %max3A_1902 = vector.broadcast %max3A_1901 : f32 to vector<256x16xf32>
    %max3A_1903 = arith.maximumf %add3A_1900, %max3A_1902 : vector<256x16xf32>
    %get3A_1904 = arith.constant 0 : index
    %get3A_1905 = arith.constant 512 : index
    %get3A_1906 = arith.constant 0 : index
    %get3A_1907 = vector.load %arg14[%get3A_1904, %get3A_1905, %get3A_1906] : memref<1x2048x2048xbf16, #tpu.memory_space<vmem>>, vector<1x256x2048xbf16>
    %get3A_1908 = vector.shape_cast %get3A_1907 : vector<1x256x2048xbf16> to vector<256x2048xbf16>
    %dot_general3A_1909 = arith.constant dense<0.000000e+00> : vector<256x16xf32>
    %dot_general3A_1910 = tpu.matmul %get3A_1908, %convert_element_type3A_1863, %dot_general3A_1909 {dimension_numbers = #tpu.dot_dimension_numbers<[1], [0], [0], [1], [0, 0, 1, 1], [], []>, transpose_lhs_hint = false} : vector<256x2048xbf16>, vector<2048x16xbf16>, vector<256x16xf32> -> vector<256x16xf32>
    %convert_element_type3A_1911 = arith.truncf %dot_general3A_1910 : vector<256x16xf32> to vector<256x16xbf16>
    %dot_general3A_1912 = arith.constant dense<0.000000e+00> : vector<256x16xf32>
    %dot_general3A_1913 = tpu.matmul %convert_element_type3A_1911, %convert_element_type3A_1862, %dot_general3A_1912 {dimension_numbers = #tpu.dot_dimension_numbers<[1], [0], [0], [1], [0, 0, 1, 1], [], []>, transpose_lhs_hint = false} : vector<256x16xbf16>, vector<16x16xbf16>, vector<256x16xf32> -> vector<256x16xf32>
    %get3A_1914 = arith.constant 11 : index
    %get3A_1915 = arith.constant 0 : index
    %get3A_1916 = vector.load %arg4[%get3A_1914, %get3A_1915] : memref<12x16xf32, #tpu.memory_space<vmem>>, vector<1x16xf32>
    %get3A_1917 = vector.shape_cast %get3A_1916 : vector<1x16xf32> to vector<16xf32>
    %broadcast_in_dim3A_1918 = vector.shape_cast %get3A_1917 : vector<16xf32> to vector<1x16xf32>
    %add3A_1919 = vector.broadcast %broadcast_in_dim3A_1918 : vector<1x16xf32> to vector<256x16xf32>
    %add3A_1920 = arith.addf %dot_general3A_1913, %add3A_1919 : vector<256x16xf32>
    %max3A_1921 = arith.constant 0.000000e+00 : f32
    %max3A_1922 = vector.broadcast %max3A_1921 : f32 to vector<256x16xf32>
    %max3A_1923 = arith.maximumf %add3A_1920, %max3A_1922 : vector<256x16xf32>
    %get3A_1924 = arith.constant 0 : index
    %get3A_1925 = arith.constant 768 : index
    %get3A_1926 = arith.constant 0 : index
    %get3A_1927 = vector.load %arg14[%get3A_1924, %get3A_1925, %get3A_1926] : memref<1x2048x2048xbf16, #tpu.memory_space<vmem>>, vector<1x256x2048xbf16>
    %get3A_1928 = vector.shape_cast %get3A_1927 : vector<1x256x2048xbf16> to vector<256x2048xbf16>
    %dot_general3A_1929 = arith.constant dense<0.000000e+00> : vector<256x16xf32>
    %dot_general3A_1930 = tpu.matmul %get3A_1928, %convert_element_type3A_1863, %dot_general3A_1929 {dimension_numbers = #tpu.dot_dimension_numbers<[1], [0], [0], [1], [0, 0, 1, 1], [], []>, transpose_lhs_hint = false} : vector<256x2048xbf16>, vector<2048x16xbf16>, vector<256x16xf32> -> vector<256x16xf32>
    %convert_element_type3A_1931 = arith.truncf %dot_general3A_1930 : vector<256x16xf32> to vector<256x16xbf16>
    %dot_general3A_1932 = arith.constant dense<0.000000e+00> : vector<256x16xf32>
    %dot_general3A_1933 = tpu.matmul %convert_element_type3A_1931, %convert_element_type3A_1862, %dot_general3A_1932 {dimension_numbers = #tpu.dot_dimension_numbers<[1], [0], [0], [1], [0, 0, 1, 1], [], []>, transpose_lhs_hint = false} : vector<256x16xbf16>, vector<16x16xbf16>, vector<256x16xf32> -> vector<256x16xf32>
    %get3A_1934 = arith.constant 11 : index
    %get3A_1935 = arith.constant 0 : index
    %get3A_1936 = vector.load %arg4[%get3A_1934, %get3A_1935] : memref<12x16xf32, #tpu.memory_space<vmem>>, vector<1x16xf32>
    %get3A_1937 = vector.shape_cast %get3A_1936 : vector<1x16xf32> to vector<16xf32>
    %broadcast_in_dim3A_1938 = vector.shape_cast %get3A_1937 : vector<16xf32> to vector<1x16xf32>
    %add3A_1939 = vector.broadcast %broadcast_in_dim3A_1938 : vector<1x16xf32> to vector<256x16xf32>
    %add3A_1940 = arith.addf %dot_general3A_1933, %add3A_1939 : vector<256x16xf32>
    %max3A_1941 = arith.constant 0.000000e+00 : f32
    %max3A_1942 = vector.broadcast %max3A_1941 : f32 to vector<256x16xf32>
    %max3A_1943 = arith.maximumf %add3A_1940, %max3A_1942 : vector<256x16xf32>
    %get3A_1944 = arith.constant 0 : index
    %get3A_1945 = arith.constant 1024 : index
    %get3A_1946 = arith.constant 0 : index
    %get3A_1947 = vector.load %arg14[%get3A_1944, %get3A_1945, %get3A_1946] : memref<1x2048x2048xbf16, #tpu.memory_space<vmem>>, vector<1x256x2048xbf16>
    %get3A_1948 = vector.shape_cast %get3A_1947 : vector<1x256x2048xbf16> to vector<256x2048xbf16>
    %dot_general3A_1949 = arith.constant dense<0.000000e+00> : vector<256x16xf32>
    %dot_general3A_1950 = tpu.matmul %get3A_1948, %convert_element_type3A_1863, %dot_general3A_1949 {dimension_numbers = #tpu.dot_dimension_numbers<[1], [0], [0], [1], [0, 0, 1, 1], [], []>, transpose_lhs_hint = false} : vector<256x2048xbf16>, vector<2048x16xbf16>, vector<256x16xf32> -> vector<256x16xf32>
    %convert_element_type3A_1951 = arith.truncf %dot_general3A_1950 : vector<256x16xf32> to vector<256x16xbf16>
    %dot_general3A_1952 = arith.constant dense<0.000000e+00> : vector<256x16xf32>
    %dot_general3A_1953 = tpu.matmul %convert_element_type3A_1951, %convert_element_type3A_1862, %dot_general3A_1952 {dimension_numbers = #tpu.dot_dimension_numbers<[1], [0], [0], [1], [0, 0, 1, 1], [], []>, transpose_lhs_hint = false} : vector<256x16xbf16>, vector<16x16xbf16>, vector<256x16xf32> -> vector<256x16xf32>
    %get3A_1954 = arith.constant 11 : index
    %get3A_1955 = arith.constant 0 : index
    %get3A_1956 = vector.load %arg4[%get3A_1954, %get3A_1955] : memref<12x16xf32, #tpu.memory_space<vmem>>, vector<1x16xf32>
    %get3A_1957 = vector.shape_cast %get3A_1956 : vector<1x16xf32> to vector<16xf32>
    %broadcast_in_dim3A_1958 = vector.shape_cast %get3A_1957 : vector<16xf32> to vector<1x16xf32>
    %add3A_1959 = vector.broadcast %broadcast_in_dim3A_1958 : vector<1x16xf32> to vector<256x16xf32>
    %add3A_1960 = arith.addf %dot_general3A_1953, %add3A_1959 : vector<256x16xf32>
    %max3A_1961 = arith.constant 0.000000e+00 : f32
    %max3A_1962 = vector.broadcast %max3A_1961 : f32 to vector<256x16xf32>
    %max3A_1963 = arith.maximumf %add3A_1960, %max3A_1962 : vector<256x16xf32>
    %get3A_1964 = arith.constant 0 : index
    %get3A_1965 = arith.constant 1280 : index
    %get3A_1966 = arith.constant 0 : index
    %get3A_1967 = vector.load %arg14[%get3A_1964, %get3A_1965, %get3A_1966] : memref<1x2048x2048xbf16, #tpu.memory_space<vmem>>, vector<1x256x2048xbf16>
    %get3A_1968 = vector.shape_cast %get3A_1967 : vector<1x256x2048xbf16> to vector<256x2048xbf16>
    %dot_general3A_1969 = arith.constant dense<0.000000e+00> : vector<256x16xf32>
    %dot_general3A_1970 = tpu.matmul %get3A_1968, %convert_element_type3A_1863, %dot_general3A_1969 {dimension_numbers = #tpu.dot_dimension_numbers<[1], [0], [0], [1], [0, 0, 1, 1], [], []>, transpose_lhs_hint = false} : vector<256x2048xbf16>, vector<2048x16xbf16>, vector<256x16xf32> -> vector<256x16xf32>
    %convert_element_type3A_1971 = arith.truncf %dot_general3A_1970 : vector<256x16xf32> to vector<256x16xbf16>
    %dot_general3A_1972 = arith.constant dense<0.000000e+00> : vector<256x16xf32>
    %dot_general3A_1973 = tpu.matmul %convert_element_type3A_1971, %convert_element_type3A_1862, %dot_general3A_1972 {dimension_numbers = #tpu.dot_dimension_numbers<[1], [0], [0], [1], [0, 0, 1, 1], [], []>, transpose_lhs_hint = false} : vector<256x16xbf16>, vector<16x16xbf16>, vector<256x16xf32> -> vector<256x16xf32>
    %get3A_1974 = arith.constant 11 : index
    %get3A_1975 = arith.constant 0 : index
    %get3A_1976 = vector.load %arg4[%get3A_1974, %get3A_1975] : memref<12x16xf32, #tpu.memory_space<vmem>>, vector<1x16xf32>
    %get3A_1977 = vector.shape_cast %get3A_1976 : vector<1x16xf32> to vector<16xf32>
    %broadcast_in_dim3A_1978 = vector.shape_cast %get3A_1977 : vector<16xf32> to vector<1x16xf32>
    %add3A_1979 = vector.broadcast %broadcast_in_dim3A_1978 : vector<1x16xf32> to vector<256x16xf32>
    %add3A_1980 = arith.addf %dot_general3A_1973, %add3A_1979 : vector<256x16xf32>
    %max3A_1981 = arith.constant 0.000000e+00 : f32
    %max3A_1982 = vector.broadcast %max3A_1981 : f32 to vector<256x16xf32>
    %max3A_1983 = arith.maximumf %add3A_1980, %max3A_1982 : vector<256x16xf32>
    %get3A_1984 = arith.constant 0 : index
    %get3A_1985 = arith.constant 1536 : index
    %get3A_1986 = arith.constant 0 : index
    %get3A_1987 = vector.load %arg14[%get3A_1984, %get3A_1985, %get3A_1986] : memref<1x2048x2048xbf16, #tpu.memory_space<vmem>>, vector<1x256x2048xbf16>
    %get3A_1988 = vector.shape_cast %get3A_1987 : vector<1x256x2048xbf16> to vector<256x2048xbf16>
    %dot_general3A_1989 = arith.constant dense<0.000000e+00> : vector<256x16xf32>
    %dot_general3A_1990 = tpu.matmul %get3A_1988, %convert_element_type3A_1863, %dot_general3A_1989 {dimension_numbers = #tpu.dot_dimension_numbers<[1], [0], [0], [1], [0, 0, 1, 1], [], []>, transpose_lhs_hint = false} : vector<256x2048xbf16>, vector<2048x16xbf16>, vector<256x16xf32> -> vector<256x16xf32>
    %convert_element_type3A_1991 = arith.truncf %dot_general3A_1990 : vector<256x16xf32> to vector<256x16xbf16>
    %dot_general3A_1992 = arith.constant dense<0.000000e+00> : vector<256x16xf32>
    %dot_general3A_1993 = tpu.matmul %convert_element_type3A_1991, %convert_element_type3A_1862, %dot_general3A_1992 {dimension_numbers = #tpu.dot_dimension_numbers<[1], [0], [0], [1], [0, 0, 1, 1], [], []>, transpose_lhs_hint = false} : vector<256x16xbf16>, vector<16x16xbf16>, vector<256x16xf32> -> vector<256x16xf32>
    %get3A_1994 = arith.constant 11 : index
    %get3A_1995 = arith.constant 0 : index
    %get3A_1996 = vector.load %arg4[%get3A_1994, %get3A_1995] : memref<12x16xf32, #tpu.memory_space<vmem>>, vector<1x16xf32>
    %get3A_1997 = vector.shape_cast %get3A_1996 : vector<1x16xf32> to vector<16xf32>
    %broadcast_in_dim3A_1998 = vector.shape_cast %get3A_1997 : vector<16xf32> to vector<1x16xf32>
    %add3A_1999 = vector.broadcast %broadcast_in_dim3A_1998 : vector<1x16xf32> to vector<256x16xf32>
    %add3A_2000 = arith.addf %dot_general3A_1993, %add3A_1999 : vector<256x16xf32>
    %max3A_2001 = arith.constant 0.000000e+00 : f32
    %max3A_2002 = vector.broadcast %max3A_2001 : f32 to vector<256x16xf32>
    %max3A_2003 = arith.maximumf %add3A_2000, %max3A_2002 : vector<256x16xf32>
    %get3A_2004 = arith.constant 0 : index
    %get3A_2005 = arith.constant 1792 : index
    %get3A_2006 = arith.constant 0 : index
    %get3A_2007 = vector.load %arg14[%get3A_2004, %get3A_2005, %get3A_2006] : memref<1x2048x2048xbf16, #tpu.memory_space<vmem>>, vector<1x256x2048xbf16>
    %get3A_2008 = vector.shape_cast %get3A_2007 : vector<1x256x2048xbf16> to vector<256x2048xbf16>
    %dot_general3A_2009 = arith.constant dense<0.000000e+00> : vector<256x16xf32>
    %dot_general3A_2010 = tpu.matmul %get3A_2008, %convert_element_type3A_1863, %dot_general3A_2009 {dimension_numbers = #tpu.dot_dimension_numbers<[1], [0], [0], [1], [0, 0, 1, 1], [], []>, transpose_lhs_hint = false} : vector<256x2048xbf16>, vector<2048x16xbf16>, vector<256x16xf32> -> vector<256x16xf32>
    %convert_element_type3A_2011 = arith.truncf %dot_general3A_2010 : vector<256x16xf32> to vector<256x16xbf16>
    %dot_general3A_2012 = arith.constant dense<0.000000e+00> : vector<256x16xf32>
    %dot_general3A_2013 = tpu.matmul %convert_element_type3A_2011, %convert_element_type3A_1862, %dot_general3A_2012 {dimension_numbers = #tpu.dot_dimension_numbers<[1], [0], [0], [1], [0, 0, 1, 1], [], []>, transpose_lhs_hint = false} : vector<256x16xbf16>, vector<16x16xbf16>, vector<256x16xf32> -> vector<256x16xf32>
    %get3A_2014 = arith.constant 11 : index
    %get3A_2015 = arith.constant 0 : index
    %get3A_2016 = vector.load %arg4[%get3A_2014, %get3A_2015] : memref<12x16xf32, #tpu.memory_space<vmem>>, vector<1x16xf32>
    %get3A_2017 = vector.shape_cast %get3A_2016 : vector<1x16xf32> to vector<16xf32>
    %broadcast_in_dim3A_2018 = vector.shape_cast %get3A_2017 : vector<16xf32> to vector<1x16xf32>
    %add3A_2019 = vector.broadcast %broadcast_in_dim3A_2018 : vector<1x16xf32> to vector<256x16xf32>
    %add3A_2020 = arith.addf %dot_general3A_2013, %add3A_2019 : vector<256x16xf32>
    %max3A_2021 = arith.constant 0.000000e+00 : f32
    %max3A_2022 = vector.broadcast %max3A_2021 : f32 to vector<256x16xf32>
    %max3A_2023 = arith.maximumf %add3A_2020, %max3A_2022 : vector<256x16xf32>
    %concatenate3A_2024 = tpu.concatenate %max3A_1883, %max3A_1903, %max3A_1923, %max3A_1943, %max3A_1963, %max3A_1983, %max3A_2003, %max3A_2023 in 0 : vector<256x16xf32>, vector<256x16xf32>, vector<256x16xf32>, vector<256x16xf32>, vector<256x16xf32>, vector<256x16xf32>, vector<256x16xf32>, vector<256x16xf32> -> vector<2048x16xf32>
    %concatenate3A_2025 = tpu.concatenate %concatenate3A_2024, %get3A_13 in 1 : vector<2048x16xf32>, vector<2048x16xf32> -> vector<2048x32xf32>
    %get3A_2026 = arith.constant 0 : index
    %get3A_2027 = arith.constant 0 : index
    %get3A_2028 = vector.load %arg5[%get3A_2026, %get3A_2027] : memref<32x16xf32, #tpu.memory_space<vmem>>, vector<32x16xf32>
    %dot_general3A_2029 = arith.constant dense<0.000000e+00> : vector<2048x16xf32>
    %dot_general3A_2030 = tpu.matmul %concatenate3A_2025, %get3A_2028, %dot_general3A_2029 {dimension_numbers = #tpu.dot_dimension_numbers<[1], [0], [0], [1], [0, 0, 1, 1], [], []>, transpose_lhs_hint = false} : vector<2048x32xf32>, vector<32x16xf32>, vector<2048x16xf32> -> vector<2048x16xf32>
    %get3A_2031 = arith.constant 0 : index
    %get3A_2032 = arith.constant 0 : index
    %get3A_2033 = vector.load %arg6[%get3A_2031, %get3A_2032] : memref<1x16xf32, #tpu.memory_space<vmem>>, vector<1x16xf32>
    %add3A_2034 = vector.broadcast %get3A_2033 : vector<1x16xf32> to vector<2048x16xf32>
    %add3A_2035 = arith.addf %dot_general3A_2030, %add3A_2034 : vector<2048x16xf32>
    %logistic3A = arith.negf %add3A_2035 : vector<2048x16xf32>
    %logistic3A_2036 = math.exp %logistic3A : vector<2048x16xf32>
    %logistic3A_2037 = arith.constant 1.000000e+00 : f32
    %logistic3A_2038 = vector.broadcast %logistic3A_2037 : f32 to vector<2048x16xf32>
    %logistic3A_2039 = arith.addf %logistic3A_2038, %logistic3A_2036 : vector<2048x16xf32>
    %logistic3A_2040 = arith.divf %logistic3A_2038, %logistic3A_2039 : vector<2048x16xf32>
    %get3A_2041 = arith.constant 0 : index
    %get3A_2042 = arith.constant 0 : index
    %get3A_2043 = vector.load %arg7[%get3A_2041, %get3A_2042] : memref<32x16xf32, #tpu.memory_space<vmem>>, vector<32x16xf32>
    %dot_general3A_2044 = arith.constant dense<0.000000e+00> : vector<2048x16xf32>
    %dot_general3A_2045 = tpu.matmul %concatenate3A_2025, %get3A_2043, %dot_general3A_2044 {dimension_numbers = #tpu.dot_dimension_numbers<[1], [0], [0], [1], [0, 0, 1, 1], [], []>, transpose_lhs_hint = false} : vector<2048x32xf32>, vector<32x16xf32>, vector<2048x16xf32> -> vector<2048x16xf32>
    %get3A_2046 = arith.constant 0 : index
    %get3A_2047 = arith.constant 0 : index
    %get3A_2048 = vector.load %arg8[%get3A_2046, %get3A_2047] : memref<1x16xf32, #tpu.memory_space<vmem>>, vector<1x16xf32>
    %add3A_2049 = vector.broadcast %get3A_2048 : vector<1x16xf32> to vector<2048x16xf32>
    %add3A_2050 = arith.addf %dot_general3A_2045, %add3A_2049 : vector<2048x16xf32>
    %tanh3A = math.tanh %add3A_2050 : vector<2048x16xf32>
    %mul3A = arith.mulf %logistic3A_2040, %tanh3A : vector<2048x16xf32>
    %reduce_sum3A = arith.constant dense<0.000000e+00> : vector<16xf32>
    %reduce_sum3A_2051 = vector.multi_reduction <add>, %mul3A, %reduce_sum3A [0] : vector<2048x16xf32> to vector<16xf32>
    %broadcast_in_dim3A_2052 = vector.shape_cast %reduce_sum3A_2051 : vector<16xf32> to vector<1x16xf32>
    %mul3A_2053 = arith.constant 1 : i32
    %mul3A_2054 = arith.muli %arg0, %mul3A_2053 : i32
    %add3A_2055 = arith.constant 0 : i32
    %add3A_2056 = arith.addi %mul3A_2054, %add3A_2055 : i32
    %swap3A_2057 = arith.index_cast %add3A_2056 : i32 to index
    %swap3A_2058 = arith.constant 0 : index
    %swap3A_2059 = vector.load %arg13[%swap3A_2057, %swap3A_2058] : memref<4x16xf32, #tpu.memory_space<vmem>>, vector<1x16xf32>
    tpu.vector_store %arg13[%swap3A_2057, %swap3A_2058], %broadcast_in_dim3A_2052 {strides = array<i32>} : memref<4x16xf32, #tpu.memory_space<vmem>>, vector<1x16xf32>,
    %eq3A = arith.constant 3 : i32
    %eq3A_2060 = arith.cmpi eq, %arg0, %eq3A : i32
    %convert_element_type3A_2061 = arith.extui %eq3A_2060 : i1 to i32
    %cond3A = arith.constant 0 : i32
    %cond3A_2062 = arith.cmpi ne, %convert_element_type3A_2061, %cond3A : i32
    scf.if %cond3A_2062 {
      %get3A_2063 = arith.constant 0 : index
      %get3A_2064 = arith.constant 0 : index
      %get3A_2065 = vector.load %arg13[%get3A_2063, %get3A_2064] : memref<4x16xf32, #tpu.memory_space<vmem>>, vector<4x16xf32>
      %reduce_sum3A_2066 = arith.constant dense<0.000000e+00> : vector<16xf32>
      %reduce_sum3A_2067 = vector.multi_reduction <add>, %get3A_2065, %reduce_sum3A_2066 [0] : vector<4x16xf32> to vector<16xf32>
      %broadcast_in_dim3A_2068 = vector.shape_cast %reduce_sum3A_2067 : vector<16xf32> to vector<1x16xf32>
      %div3A = arith.constant 4.000000e+00 : f32
      %div3A_2069 = vector.broadcast %div3A : f32 to vector<1x16xf32>
      %div3A_2070 = arith.divf %broadcast_in_dim3A_2068, %div3A_2069 : vector<1x16xf32>
      %sub3A = vector.broadcast %div3A_2070 : vector<1x16xf32> to vector<4x16xf32>
      %sub3A_2071 = arith.subf %get3A_2065, %sub3A : vector<4x16xf32>
      %integer_pow3A = arith.mulf %sub3A_2071, %sub3A_2071 : vector<4x16xf32>
      %reduce_sum3A_2072 = arith.constant dense<0.000000e+00> : vector<16xf32>
      %reduce_sum3A_2073 = vector.multi_reduction <add>, %integer_pow3A, %reduce_sum3A_2072 [0] : vector<4x16xf32> to vector<16xf32>
      %broadcast_in_dim3A_2074 = vector.shape_cast %reduce_sum3A_2073 : vector<16xf32> to vector<1x16xf32>
      %div3A_2075 = arith.constant 4.000000e+00 : f32
      %div3A_2076 = vector.broadcast %div3A_2075 : f32 to vector<1x16xf32>
      %div3A_2077 = arith.divf %broadcast_in_dim3A_2074, %div3A_2076 : vector<1x16xf32>
      %sub3A_2078 = vector.broadcast %div3A_2070 : vector<1x16xf32> to vector<4x16xf32>
      %sub3A_2079 = arith.subf %get3A_2065, %sub3A_2078 : vector<4x16xf32>
      %add3A_2080 = arith.constant 9.99999974E-6 : f32
      %add3A_2081 = vector.broadcast %add3A_2080 : f32 to vector<1x16xf32>
      %add3A_2082 = arith.addf %div3A_2077, %add3A_2081 : vector<1x16xf32>
      %rsqrt3A = math.rsqrt %add3A_2082 : vector<1x16xf32>
      %mul3A_2083 = vector.broadcast %rsqrt3A : vector<1x16xf32> to vector<4x16xf32>
      %mul3A_2084 = arith.mulf %sub3A_2079, %mul3A_2083 : vector<4x16xf32>
      %get3A_2085 = arith.constant 0 : index
      %get3A_2086 = arith.constant 0 : index
      %get3A_2087 = vector.load %arg9[%get3A_2085, %get3A_2086] : memref<1x16xf32, #tpu.memory_space<vmem>>, vector<1x16xf32>
      %mul3A_2088 = vector.broadcast %get3A_2087 : vector<1x16xf32> to vector<4x16xf32>
      %mul3A_2089 = arith.mulf %mul3A_2084, %mul3A_2088 : vector<4x16xf32>
      %get3A_2090 = arith.constant 0 : index
      %get3A_2091 = arith.constant 0 : index
      %get3A_2092 = vector.load %arg10[%get3A_2090, %get3A_2091] : memref<1x16xf32, #tpu.memory_space<vmem>>, vector<1x16xf32>
      %add3A_2093 = vector.broadcast %get3A_2092 : vector<1x16xf32> to vector<4x16xf32>
      %add3A_2094 = arith.addf %mul3A_2089, %add3A_2093 : vector<4x16xf32>
      %get3A_2095 = arith.constant 0 : index
      %get3A_2096 = arith.constant 0 : index
      %get3A_2097 = vector.load %arg11[%get3A_2095, %get3A_2096] : memref<1x16xf32, #tpu.memory_space<vmem>>, vector<1x16xf32>
      %mul3A_2098 = vector.broadcast %get3A_2097 : vector<1x16xf32> to vector<4x16xf32>
      %mul3A_2099 = arith.mulf %add3A_2094, %mul3A_2098 : vector<4x16xf32>
      %reduce_sum3A_2100 = arith.constant dense<0.000000e+00> : vector<4xf32>
      %reduce_sum3A_2101 = vector.multi_reduction <add>, %mul3A_2099, %reduce_sum3A_2100 [1] : vector<4x16xf32> to vector<4xf32>
      %broadcast_in_dim3A_2102 = vector.shape_cast %reduce_sum3A_2101 : vector<4xf32> to vector<4x1xf32>
      %swap3A_2103 = arith.constant 0 : index
      %swap3A_2104 = arith.constant 0 : index
      %swap3A_2105 = vector.load %arg12[%swap3A_2103, %swap3A_2104] : memref<4x1xf32, #tpu.memory_space<vmem>>, vector<4x1xf32>
      tpu.vector_store %arg12[%swap3A_2103, %swap3A_2104], %broadcast_in_dim3A_2102 {strides = array<i32>} : memref<4x1xf32, #tpu.memory_space<vmem>>, vector<4x1xf32>,
    } else {
    }
    return
  }
  func.func @transform_0(%arg0: i32) -> (i32, i32, i32) {
    %c0_i32 = arith.constant 0 : i32
    %c0_i32_0 = arith.constant 0 : i32
    %c0_i32_1 = arith.constant 0 : i32
    return %arg0, %c0_i32, %c0_i32_0 : i32, i32, i32
  }
  func.func @transform_1(%arg0: i32) -> (i32, i32, i32) {
    %c0_i32 = arith.constant 0 : i32
    %c0_i32_0 = arith.constant 0 : i32
    %c0_i32_1 = arith.constant 0 : i32
    return %arg0, %c0_i32, %c0_i32_0 : i32, i32, i32
  }
  func.func @transform_2(%arg0: i32) -> (i32, i32, i32) {
    %c0_i32 = arith.constant 0 : i32
    %c0_i32_0 = arith.constant 0 : i32
    %c0_i32_1 = arith.constant 0 : i32
    %c0_i32_2 = arith.constant 0 : i32
    return %c0_i32, %c0_i32_0, %c0_i32_1 : i32, i32, i32
  }
  func.func @transform_3(%arg0: i32) -> (i32, i32) {
    %c0_i32 = arith.constant 0 : i32
    %c0_i32_0 = arith.constant 0 : i32
    %c0_i32_1 = arith.constant 0 : i32
    return %c0_i32, %c0_i32_0 : i32, i32
  }
  func.func @transform_4(%arg0: i32) -> (i32, i32) {
    %c0_i32 = arith.constant 0 : i32
    %c0_i32_0 = arith.constant 0 : i32
    %c0_i32_1 = arith.constant 0 : i32
    return %c0_i32, %c0_i32_0 : i32, i32
  }
  func.func @transform_5(%arg0: i32) -> (i32, i32) {
    %c0_i32 = arith.constant 0 : i32
    %c0_i32_0 = arith.constant 0 : i32
    %c0_i32_1 = arith.constant 0 : i32
    return %c0_i32, %c0_i32_0 : i32, i32
  }
  func.func @transform_6(%arg0: i32) -> (i32, i32) {
    %c0_i32 = arith.constant 0 : i32
    %c0_i32_0 = arith.constant 0 : i32
    %c0_i32_1 = arith.constant 0 : i32
    return %c0_i32, %c0_i32_0 : i32, i32
  }
  func.func @transform_7(%arg0: i32) -> (i32, i32) {
    %c0_i32 = arith.constant 0 : i32
    %c0_i32_0 = arith.constant 0 : i32
    %c0_i32_1 = arith.constant 0 : i32
    return %c0_i32, %c0_i32_0 : i32, i32
  }
  func.func @transform_8(%arg0: i32) -> (i32, i32) {
    %c0_i32 = arith.constant 0 : i32
    %c0_i32_0 = arith.constant 0 : i32
    %c0_i32_1 = arith.constant 0 : i32
    return %c0_i32, %c0_i32_0 : i32, i32
  }
  func.func @transform_9(%arg0: i32) -> (i32, i32) {
    %c0_i32 = arith.constant 0 : i32
    %c0_i32_0 = arith.constant 0 : i32
    %c0_i32_1 = arith.constant 0 : i32
    return %c0_i32, %c0_i32_0 : i32, i32
  }
  func.func @transform_10(%arg0: i32) -> (i32, i32) {
    %c0_i32 = arith.constant 0 : i32
    %c0_i32_0 = arith.constant 0 : i32
    %c0_i32_1 = arith.constant 0 : i32
    return %c0_i32, %c0_i32_0 : i32, i32
  }
  func.func @transform_11(%arg0: i32) -> (i32, i32) {
    %c0_i32 = arith.constant 0 : i32
    %c0_i32_0 = arith.constant 0 : i32
    %c0_i32_1 = arith.constant 0 : i32
    return %c0_i32, %c0_i32_0 : i32, i32
  }
}

</mosaic_0001>

<sc_bundles>
// kernel: kernel.4.cloned.1.call-start
scs
__scs_entry_jumppad:
0x0: {  	(pc) =	sbr.rel $0x88, $3  }
0x1: {  	(tag) =	ssettag $0x0;
	lr =	simm.s32 $0x1  }
0x2: {  	[smem:$0x3F95] =	sst lr;
	_ =	strace $0xD0000000  }
0x3: {  	_ = 	snop  }
0x4: {  	_ = 	snop  }
0x5: {  	_ = 	snop  }
0x6: {  	_ = 	snop  }
0x7: {  	_ = 	snop  }
__scs_overlays_trampoline_lowered:
0x8: {  	[smem:$0x3FA4] =	sst s0  }
0x9: {  	[smem:$0x3FA5] =	sst s1  }
0xa: {  	[smem:$0x3FA6] =	sst s2  }
0xb: {  	[smem:$0x3FA7] =	sst s3  }
0xc: {  	[smem:$0x3FA8] =	sst s4  }
0xd: {  	[smem:$0x3FA9] =	sst s5  }
0xe: {  	[smem:$0x3FAA] =	sst s6  }
0xf: {  	[smem:$0x3FAB] =	sst s7  }
0x10: {  	[smem:$0x3FAC] =	sst s8  }
0x11: {  	[smem:$0x3FAD] =	sst s9;
	s0 =	simm.s32 @!p0 $0x0  }
0x12: {  	s1 =	sld [smem:$0x3F93];
	s0 =	simm.s32 @p0 $0x1  }
0x13: {  	[smem:$0x3FAE] =	sst s0;
	s0 =	simm.s32 @!p1 $0x0  }
0x14: {  	s2 =	sld [smem:$0x3F92];
	s0 =	simm.s32 @p1 $0x1  }
0x15: {  	[smem:$0x3FAF] =	sst s0;
	s0 =	simm.s32 @!p2 $0x0  }
0x16: {  	s3 =	sld [smem:$0x3FDB];
	s0 =	simm.s32 @p2 $0x1  }
0x17: {  	s4 =	simm.s32 $0x1BF5;
	[smem:$0x3FB1] =	sst s0  }
0x18: {  	s0 =	sld [smem:$0x3F94];
	_ =	swait.ge [sflag:s4], $0x0  }
0x19: {  	s7 =	sld [smem:$0x3F95]  }
0x1a: {  	s8 =	sadd.s32 $0xFFFFE003, lr  }
0x1b: {  	s9 =	sadd.s32 $0xFFFFFEF7, lr;
	s5 =	simm.s32 $0xFFFFFFFF;
	p2 =	slt.u32 s8, $0xFFFFF086  }
0x1c: {  	p1 =	slt.u32 s9, $0xF7A;
	s5 =	simm.s32 @!p2 $0x0  }
0x1d: {  	s5 =	simm.s32 @p1 $0x1;
	p0 =	seq.s32 s7, s2  }
0x1e: {  	s7 =	smul.u32 @!p0 $0xF7A, s2;
	p2 =	seq.s32 @!p0 s5, $0x0  }
0x1f: {  	s9 =	smul.u32 $0xF7A, s1;
	s8 =	simm.s32 @!p0 $0x1BF5;
	p2 =	por !p2, p0  }
0x20: {  	[sflag:s8] =	ssyncset.s32 @!p0 $0xFFFFF086;
	s6 =	sadd.s32 @!p0 s3, s7;
	s7 =	simm.s32 @!p0 $0x108  }
0x21: {  	s3 =	sadd.s32 s3, s9;
	s6 =	sadd.s32 @!p0 $0x88, s6;
	s7 =	simm.s32 @p2 $0x1082  }
0x22: {  	[simem:s7], [sflag:s8] =	dma.local @!p0 [hbm:s6], $0xF7A  }
0x23: {  	s9 =	sor.u32 $0xD0000000, s2;
	s6 =	simm.s32 $0x108;
	_ =	swait.ge @!p0 [sflag:s8], $0x0  }
0x24: {  	s3 =	sadd.s32 $0x88, s3;
	s6 =	simm.s32 @!p1 $0x1082;
	[sflag:s4] =	ssyncset.s32 $0xFFFFF086  }
0x25: {  	[simem:s6], [sflag:s4] =	dma.local [hbm:s3], $0xF7A  }
0x26: {  	[smem:$0x3F95] =	sst s1;
	(tag) =	ssettag s2;
	_ =	strace s9  }
0x27: {  	s1 =	sld [smem:$0x3FA5]  }
0x28: {  	s2 =	sld [smem:$0x3FA6]  }
0x29: {  	s4 =	sld [smem:$0x3FA8]  }
0x2a: {  	p0 =	seq.s32 s5, $0x0;
	s5 =	sld [smem:$0x3FA9]  }
0x2b: {  	s6 =	sld [smem:$0x3FAA]  }
0x2c: {  	s7 =	sld [smem:$0x3FAB]  }
0x2d: {  	s3 =	simm.s32 $0x108;
	s8 =	sld [smem:$0x3FAC]  }
0x2e: {  	s3 =	simm.s32 @!p0 $0x1082;
	s9 =	sld [smem:$0x3FAD]  }
0x2f: {  	lr =	sadd.s32 s0, s3;
	s0 =	sld [smem:$0x3FA4]  }
0x30: {  	s3 =	sld [smem:$0x3FA7]  }
0x31: {  	[smem:$0x3FB0] =	sst s10  }
0x32: {  	s10 =	sld [smem:$0x3FAE];
	_ =	sdelay $0x3  }
0x33: {  	p0 =	seq.s32 s10, $0x1;
	s10 =	sld [smem:$0x3FB0];
	_ =	sdelay $0x3  }
0x34: {  	[smem:$0x3FB0] =	sst s10  }
0x35: {  	s10 =	sld [smem:$0x3FAF];
	_ =	sdelay $0x3  }
0x36: {  	p1 =	seq.s32 s10, $0x1;
	s10 =	sld [smem:$0x3FB0];
	_ =	sdelay $0x3  }
0x37: {  	[smem:$0x3FB0] =	sst s10  }
0x38: {  	s10 =	sld [smem:$0x3FB1]  }
0x39: {  	_ = 	snop;
	(pc) =	sbr.ind lr, $3  }
0x3a: {  	_ = 	snop  }
0x3b: {  	_ = 	snop  }
0x3c: {  	p2 =	seq.s32 s10, $0x1;
	s10 =	sld [smem:$0x3FB0]  }
0x3d: {  	_ =	shalt  }
0x3e: {  	_ =	shalt  }
0x3f: {  	_ =	shalt  }
0x40: {  	_ =	shalt  }
0x41: {  	_ =	shalt  }
0x42: {  	_ =	shalt  }
0x43: {  	_ =	shalt  }
0x44: {  	_ =	shalt  }
0x45: {  	_ =	shalt  }
0x46: {  	_ =	shalt  }
0x47: {  	_ =	shalt  }
0x48: {  	_ =	shalt  }
0x49: {  	_ =	shalt  }
0x4a: {  	_ =	shalt  }
0x4b: {  	_ =	shalt  }
0x4c: {  	_ =	shalt  }
0x4d: {  	_ =	shalt  }
0x4e: {  	_ =	shalt  }
0x4f: {  	_ =	shalt  }
0x50: {  	_ =	shalt  }
0x51: {  	_ =	shalt  }
0x52: {  	_ =	shalt  }
0x53: {  	_ =	shalt  }
0x54: {  	_ =	shalt  }
0x55: {  	_ =	shalt  }
0x56: {  	_ =	shalt  }
0x57: {  	_ =	shalt  }
0x58: {  	_ =	shalt  }
0x59: {  	_ =	shalt  }
0x5a: {  	_ =	shalt  }
0x5b: {  	_ =	shalt  }
0x5c: {  	_ =	shalt  }
0x5d: {  	_ =	shalt  }
0x5e: {  	_ =	shalt  }
0x5f: {  	_ =	shalt  }
0x60: {  	_ =	shalt  }
0x61: {  	_ =	shalt  }
0x62: {  	_ =	shalt  }
0x63: {  	_ =	shalt  }
0x64: {  	_ =	shalt  }
0x65: {  	_ =	shalt  }
0x66: {  	_ =	shalt  }
0x67: {  	_ =	shalt  }
0x68: {  	_ =	shalt  }
0x69: {  	_ =	shalt  }
0x6a: {  	_ =	shalt  }
0x6b: {  	_ =	shalt  }
0x6c: {  	_ =	shalt  }
0x6d: {  	_ =	shalt  }
0x6e: {  	_ =	shalt  }
0x6f: {  	_ =	shalt  }
0x70: {  	_ =	shalt  }
0x71: {  	_ =	shalt  }
0x72: {  	_ =	shalt  }
0x73: {  	_ =	shalt  }
0x74: {  	_ =	shalt  }
0x75: {  	_ =	shalt  }
0x76: {  	_ =	shalt  }
0x77: {  	_ =	shalt  }
0x78: {  	_ =	shalt  }
0x79: {  	_ =	shalt  }
0x7a: {  	_ =	shalt  }
0x7b: {  	_ =	shalt  }
0x7c: {  	_ =	shalt  }
0x7d: {  	_ =	shalt  }
0x7e: {  	_ =	shalt  }
0x7f: {  	_ =	shalt  }
0x80: {  	_ =	shalt  }
0x81: {  	_ =	shalt  }
0x82: {  	_ =	shalt  }
0x83: {  	_ =	shalt  }
0x84: {  	_ =	shalt  }
0x85: {  	_ =	shalt  }
0x86: {  	_ =	shalt  }
0x87: {  	_ =	shalt  }
.Lfunc_end0:
.L_simem_size_0:
called_computation_lowered:
.L_overlay_start_0:
0x88: {  	s2 =	sld [smem:$0x3FD9]  }
0x89: {  	s3 =	sld [smem:$0x3FFE];
	_ =	sdelay $0x1  }
0x8a: {  	s1 =	srdreg.scid  }
0x8b: {  	s0 =	sand.u32 $0x1, s1  }
0x8c: {  	s16 =	sshll.u32 s0, $0xA;
	s2 =	sadd.s32 s3, s2  }
0x8d: {  	s2 =	sadd.s32 s2, s16  }
0x8e: {  	[smem:$0x3FBC] =	sst s2  }
0x8f: {  	_ = 	snop  }
0x90: {  	(tm) =	ssettm $0x1  }
0x91: {  	s17 =	sld [smem:$0x3FFB];
	_ =	sdelay $0x3  }
0x92: {  	_ =	strace s17  }
0x93: {  	s2 =	sld [smem:$0x3FFC];
	_ =	sdelay $0x3  }
0x94: {  	_ =	strace s2  }
0x95: {  	s2 =	sld [smem:$0x3FFD];
	_ =	sdelay $0x3  }
0x96: {  	_ =	strace s2  }
0x97: {  	_ =	strace $0x8FFFFFFF  }
0x98: {  	s18 =	sld [smem:$0x3FDB];
	_ =	sdelay $0x1  }
0x99: {  	s19 =	simm.s32 $_scs_section_size  }
0x9a: {  	s4 =	simm.s32 $_size__tile_overlayer_lowered;
	s5 =	simm.s32 $_tile_overlayer_lowered  }
0x9b: {  	s22 =	simm.s32 $0x1BFF;
	s21 =	sshll.u32 s5, $0x1;
	s2 =	sadd.s32 s19, s18  }
0x9c: {  	s6 =	simm.s32 $0x0;
	s20 =	sshll.u32 s4, $0x1;
	s4 =	sadd.s32 s21, s2  }
0x9d: {  	[timem:s6], [sflag:s22] =	dma.local [hbm:s4], s20  }
0x9e: {  	_ =	swait.ge [sflag:s22], s20  }
0x9f: {  	s3 =	ssub.s32 $0x0, s20;
	[sflag:s22] =	ssyncset.done $0x0  }
0xa0: {  	[sflag:s22] =	ssyncadd.s32 s3;
	_ =	sdelay $0x1  }
0xa1: {  	s23 =	simm.s32 $0x1B8B  }
0xa2: {  	_ =	swait.ge [sflag:s23], $0x1  }
0xa3: {  	[sflag:s23] =	ssyncset.done $0x0  }
0xa4: {  	s25 =	simm.s32 $0x1B8E;
	s24 =	sld [smem:$0x3FFE];
	[sflag:s23] =	ssyncadd.s32 $0xFFFFFFFF  }
0xa5: {  	s26 =	simm.s32 $execute0_lowered;
	[smem:$0x3FD2] =	sst s25  }
0xa6: {  	s4 =	sshll.u32 s26, $0x1;
	_ =	strace $0x80000046;
	[dreg:$0x1] =	wrdreg $0xFFFFFFFF  }
0xa7: {  	s28 =	simm.s32 $_size_execute0_lowered;
	s2 =	sadd.s32 s2, s4;
	[dreg:$0x0] =	wrdreg $0x0  }
0xa8: {  	s4 =	sshll.u32 s28, $0x1;
	[dreg:$0x2] =	wrdreg s2  }
0xa9: {  	[dreg:$0x3] =	wrdreg s4  }
0xaa: {  	[dreg:$0x4] =	wrdreg $0xC0  }
0xab: {  	_ =	task [dreg:s6], $0x5FFFF  }
0xac: {  	[dreg:$0x1] =	wrdreg $0xFFFFFFFF  }
0xad: {  	[dreg:$0x0] =	wrdreg $0x60  }
0xae: {  	[dreg:$0x2] =	wrdreg s24  }
0xaf: {  	[dreg:$0x3] =	wrdreg $0x9  }
0xb0: {  	_ =	task.clear_ibuf [dreg:s6], $0x4FFFF;
	_ =	strace $0x90000046  }
0xb1: {  	s29 =	simm.s32 $0x9;
	_ =	strace $0x80000048  }
0xb2: {  	_ =	swait.ge [sflag:s29], $0x1  }
0xb3: {  	[sflag:s29] =	ssyncadd.s32 $0xFFFFFFFF  }
0xb4: {  	_ =	strace $0x90000048  }
0xb5: {  	_ =	sfence  }
0xb6: {  	s30 =	sld [smem:$0x0];
	_ =	sdelay $0x2  }
0xb7: {  	s31 =	sshll.u32 s1, $0xD;
	s1 =	sshrl.u32 s1, $0x2  }
0xb8: {  	s3 =	sand.u32 $0x4000, s31;
	s1 =	sadd.s32 s1, s30  }
0xb9: {  	s0 =	sor.u32 s3, s0;
	s1 =	sshll.u32 s1, $0x11  }
0xba: {  	s0 =	sor.u32 s1, s0  }
0xbb: {  	s0 =	sadd.s32 $0x8F2B, s0  }
0xbc: {  	[sflag:s0] =	ssyncadd.remote.s32 $0x1  }
0xbd: {  	_ =	sfence.sel $0xFFFF  }
0xbe: {  	[dreg:$0x0] =	wrdreg $0xFFFFFFFF;
	(pc) =	sbr.abs _section_cstart, $3  }
0xbf: {  	[dreg:$0x1] =	wrdreg $0xFFFFFFFF  }
0xc0: {  	_ =	task.clear_ibuf [dreg:s6], $0x2FFFF;
	_ =	strace $0x9FFFFFFF  }
0xc1: {  	(tm) =	ssettm $0x7FFFFFFF  }
tec
execute0_lowered:
.L_overlay_start_1:
0x0: {  	(tag) =	ssettag $0x1  }
0x1: {  	s1 =	srdreg.scid  }
0x2: {  	s0 =	stileid.u32;
	s9 =	sand.u32 $0x1, s1  }
0x3: {  	s30 =	sshll.u32 s0, $0x2;
	s2 =	sshll.u32 s9, $0x1  }
0x4: {  	s10 =	rddreg [dreg:$0x0];
	s11 =	sor.u32 s2, s30  }
0x5: {  	s1 =	rddreg [dreg:$0x1];
	s2 =	simm.s32 $0x0;
	s3 =	sshll.u32 s11, $0x4  }
0x6: {  	[smem:$0x7FF] =	sst s2;
	s3 =	sadd.s32 s3, s10  }
0x7: {  	_ =	strace $0x80000047;
	s4 =	sadd.s32 $0x600, s3;
	s3 =	simm.s32 $0x2  }
0x8: {  	[tilespmem:s2], [sflag:$0x2] =	stream.linear.gather [hbm4b:s4+s2], $0x100, $0x38;
	[tilespmem:$0x1100] =	vst v63  }
0x9: {  	s6 =	simm.s32 $0x80;
	_ =	swait.ge [sflag:s3], $0x100  }
0xa: {  	s7 =	simm.s32 $0x100;
	s8 =	simm.s32 $0x1;
	[sflag:s3] =	ssyncset.done $0x0  }
0xb: {  	s5 =	sadd.s32 $0x187000, s10;
	s12 =	ssub.s32 $0x2, s9;
	[sflag:s3] =	ssyncadd.s32 $0xFFFFFF00  }
0xc: {  	[tilespmem:s7], [sflag:$0x1] =	stream.indirect.gather [hbm4b:s5+s6], $0x10, s2, s6, $0xb8;
	[tilespmem:$0x1100] =	vst v63  }
0xd: {  	s9 =	simm.s32 $0x900;
	s13 =	sshrl.u32 s12, $0x1;
	_ =	swait.ge [sflag:s8], $0x800  }
0xe: {  	s11 =	sshll.u32 s11, $0x8;
	s31 =	ssub.s32 s12, s13;
	[sflag:s8] =	ssyncset.done $0x0  }
0xf: {  	s10 =	sadd.s32 s11, s10;
	s11 =	smax.u32 s31, $0x1;
	[sflag:s8] =	ssyncadd.s32 $0xFFFFF800  }
0x10: {  	[tilespmem:s9], [sflag:$0x1] =	stream.indirect.gather [hbm4b:s5+s6], $0x10, s6, s6, $0xb8;
	[tilespmem:$0x1100] =	vst v63  }
0x11: {  	p0 =	sne.s32 s11, $0x1;
	_ =	swait.ge [sflag:s8], $0x800  }
.Ltmp0:
0x12: {  	[sflag:s8] =	ssyncset.done $0x0;
	(pc) =	sbr.rel @!p0 .LBB2_2-.Ltmp0, $4  }
0x13: {  	s10 =	sadd.s32 $0xA00, s10;
	[sflag:s8] =	ssyncadd.s32 $0xFFFFF800  }
0x14: {  	[hbm4b:s10+s2] =	stream.linear.scatter [tilespmem:s7], [sflag:$0x2], $0x1000, $0x38;
	[tilespmem:$0x1100] =	vst v63  }
0x15: {  	_ =	swait.ge [sflag:s3], $0x1000  }
0x16: {  	s11 =	sadd.s32 $0xFFFFFFFF, s11;
	[sflag:s3] =	ssyncset.done $0x0  }
.LBB2_1:
0x17: {  	p0 =	sne.s32 s11, $0x1;
	s11 =	sadd.s32 $0xFFFFFFFF, s11;
	[sflag:s3] =	ssyncadd.s32 $0xFFFFF000  }
0x18: {  	[tilespmem:s2], [sflag:$0x2] =	stream.linear.gather [hbm4b:s4+s2], $0x100, $0x38;
	[tilespmem:$0x1100] =	vst v63  }
0x19: {  	_ =	swait.ge [sflag:s3], $0x100  }
0x1a: {  	[sflag:s3] =	ssyncset.done $0x0  }
0x1b: {  	[sflag:s3] =	ssyncadd.s32 $0xFFFFFF00  }
0x1c: {  	[tilespmem:s7], [sflag:$0x1] =	stream.indirect.gather [hbm4b:s5+s6], $0x10, s2, s6, $0xb8;
	[tilespmem:$0x1100] =	vst v63  }
0x1d: {  	_ =	swait.ge [sflag:s8], $0x800  }
0x1e: {  	[sflag:s8] =	ssyncset.done $0x0  }
0x1f: {  	[sflag:s8] =	ssyncadd.s32 $0xFFFFF800  }
0x20: {  	[tilespmem:s9], [sflag:$0x1] =	stream.indirect.gather [hbm4b:s5+s6], $0x10, s6, s6, $0xb8;
	[tilespmem:$0x1100] =	vst v63  }
0x21: {  	_ =	swait.ge [sflag:s8], $0x800  }
.Ltmp1:
0x22: {  	[sflag:s8] =	ssyncset.done $0x0;
	(pc) =	sbr.rel @p0 .LBB2_1-.Ltmp1, $4  }
0x23: {  	[sflag:s8] =	ssyncadd.s32 $0xFFFFF800  }
0x24: {  	[hbm4b:s10+s2] =	stream.linear.scatter [tilespmem:s7], [sflag:$0x2], $0x1000, $0x38;
	[tilespmem:$0x1100] =	vst v63  }
0x25: {  	_ =	swait.ge [sflag:s3], $0x1000  }
0x26: {  	[sflag:s3] =	ssyncset.done $0x0  }
.LBB2_2:
0x27: {  	[sflag:s3] =	ssyncadd.s32 $0xFFFFF000  }
0x28: {  	_ =	sfence.sel $0x180000  }
0x29: {  	[bflag:$0x0] =	sbarrier.arrive $0xFFFF  }
0x2a: {  	p0 =	sne.s32 s0, $0x0;
	_ =	strace $0x90000047  }
0x2b: {  	s0 =	sadd.s32 @!p0 $0x100000, s1;
	[bflag:$0x2] =	sbarrier.arrive $0xFFFF  }
0x2c: {  	[sflag:s0] =	ssyncadd.tile.s32 @!p0 $0x1;
	_ =	shalt  }
.Lfunc_end2:
_tile_overlayer_lowered:
.L_overlay_start_2:
0x2d: {  	(tag) =	ssettag $0x2  }
0x2e: {  	s0 =	rddreg [dreg:$0x0];
	s2 =	stileid.u32  }
0x2f: {  	s1 =	rddreg [dreg:$0x1];
	p0 =	sne.s32 s2, $0x0  }
0x30: {  	s3 =	rddreg [dreg:$0x2];
	[bflag:$0x3] =	sbarrier.arrive $0xFFFF;
	s2 =	simm.s32 @!p0 $0x1C02  }
0x31: {  	[timem:s3], [sflag:s2] =	dma.local @!p0 [hbm:s0], s1  }
0x32: {  	s0 =	simm.s32 @!p0 $0x2  }
0x33: {  	_ =	swait.ge @!p0 [sflag:s0], s1  }
0x34: {  	s1 =	ssub.s32 @!p0 $0x0, s1;
	[sflag:s0] =	ssyncset.done @!p0 $0x0  }
0x35: {  	[sflag:s0] =	ssyncadd.s32 @!p0 s1  }
0x36: {  	[bflag:$0x3] =	sbarrier.arrive $0xFFFF  }
0x37: {  	_ =	shalt  }

</sc_bundles>
